<compile_context>
chip_gen: v7x
topology: tpu7x:2x2x1
jax: 0.10.2.dev20260603
libtpu: 0.0.44.dev20260713+nightly
codegen_flags: <defaults>
</compile_context>

<pallas_src>
import jax
import jax.numpy as jnp
from jax import lax
from jax.experimental import pallas as pl
from jax.experimental.pallas import tpu as pltpu
from jax.experimental.pallas import tpu_sc as plsc

N = 10000
NPAD = 10240
NE = 160000
NSUB = 16
NCORE = 2
CH = 128
NCHUNK = 80
DCHUNK = NCHUNK // NCORE
EPS = NCHUNK * CH
ROWS_PER_SUB = NPAD // NSUB
ZR = 128
D = 256
DH = 128



HCHUNK = NCHUNK // 2


def _seg_sum_body(table, srcE, dstE, z128, cones, flag, S, degP,
                  src_v, dst_v, r0, r1, g0, g1, s0, s1, flag_s, accum):
    c = lax.axis_index("c")
    sid = lax.axis_index("s")
    row0 = sid * ROWS_PER_SUB
    rows = [r0, r1]
    gsem = [g0, g1]
    ssem = [s0, s1]

    def zero_all():
        nz = ROWS_PER_SUB // ZR

        def zpair(i, carry):
            d0 = pltpu.async_copy(z128, accum.at[pl.ds(row0 + 2 * i * ZR, ZR)],
                                  g0)
            d1 = pltpu.async_copy(
                z128, accum.at[pl.ds(row0 + (2 * i + 1) * ZR, ZR)], g1)
            d0.wait()
            d1.wait()
            return carry

        lax.fori_loop(0, nz // 2, zpair, 0)
        if nz % 2:
            pltpu.sync_copy(z128, accum.at[pl.ds(row0 + (nz - 1) * ZR, ZR)])

    zero_all()

    def start_g(j, b):
        pltpu.async_copy(table.at[c].at[src_v.at[j]], rows[b], gsem[b])

    def wait_g(j, b):
        pltpu.make_async_copy(table.at[c].at[src_v.at[j]], rows[b],
                              gsem[b]).wait()

    def start_s(j, b):
        pltpu.async_copy(rows[b], accum.at[dst_v.at[j]], ssem[b], add=True)

    def wait_s(j, b):
        pltpu.make_async_copy(rows[b], accum.at[dst_v.at[j]],
                              ssem[b]).wait()

    for h in range(2):
        pltpu.sync_copy(srcE.at[sid, pl.ds(h * HCHUNK, HCHUNK)], src_v)
        pltpu.sync_copy(dstE.at[sid, pl.ds(h * HCHUNK, HCHUNK)], dst_v)
        if h == 0:
            plsc.subcore_barrier()
        start_g(0, 0)

        def pair(g, carry):
            for b in range(2):
                j = 2 * g + b
                bn = (b + 1) % 2

                @pl.when(j >= 1)
                def _():
                    wait_s(lax.max(j - 1, 0), bn)

                @pl.when(j + 1 < HCHUNK)
                def _():
                    start_g(j + 1, bn)

                wait_g(j, b)
                start_s(j, b)
            return carry

        lax.fori_loop(0, HCHUNK // 2, pair, 0)
        wait_s(HCHUNK - 1, (HCHUNK - 1) % 2)
    plsc.subcore_barrier()
    pltpu.sync_copy(accum.at[pl.ds(row0, ROWS_PER_SUB)],
                    S.at[c, pl.ds(row0, ROWS_PER_SUB)])

    pltpu.sync_copy(flag, flag_s)
    flag_v = flag_s[...]

    @pl.when(flag_v[0] > 0)
    def _deg_phase():
        zero_all()
        pltpu.sync_copy(cones, rows[0])
        pltpu.sync_copy(dstE.at[sid, pl.ds(c * DCHUNK, DCHUNK)], dst_v)
        plsc.subcore_barrier()

        def ones_pair(g, carry):
            for b in range(2):
                j = 2 * g + b
                pltpu.async_copy(rows[0], accum.at[dst_v.at[j]], ssem[b],
                                 add=True)
            for b in range(2):
                pltpu.make_async_copy(rows[0], accum.at[dst_v.at[2 * g + b]],
                                      ssem[b]).wait()
            return carry

        lax.fori_loop(0, DCHUNK // 2, ones_pair, 0)
        plsc.subcore_barrier()
        pltpu.sync_copy(accum.at[pl.ds(row0, ROWS_PER_SUB)],
                        degP.at[c, pl.ds(row0, ROWS_PER_SUB)])


_SEG_SUM = None


def _make_seg_sum():
    global _SEG_SUM
    if _SEG_SUM is not None:
        return _SEG_SUM
    mesh = plsc.VectorSubcoreMesh(core_axis_name="c", subcore_axis_name="s")
    _SEG_SUM = pl.kernel(
        _seg_sum_body,
        out_type=[jax.ShapeDtypeStruct((NCORE, NPAD, DH), jnp.float32),
                  jax.ShapeDtypeStruct((NCORE, NPAD, DH), jnp.float32)],
        mesh=mesh,
        scratch_types=[
            pltpu.VMEM((HCHUNK, CH), jnp.int32),
            pltpu.VMEM((HCHUNK, CH), jnp.int32),
            pltpu.VMEM((CH, DH), jnp.float32),
            pltpu.VMEM((CH, DH), jnp.float32),
            pltpu.SemaphoreType.DMA,
            pltpu.SemaphoreType.DMA,
            pltpu.SemaphoreType.DMA,
            pltpu.SemaphoreType.DMA,
            pltpu.VMEM((16,), jnp.int32),
            pltpu.VMEM_SHARED((NPAD, DH), jnp.float32),
        ])
    return _SEG_SUM



_TC_R = 2048


def _layer1_body(s_ref, deg_ref, x_ref, wl_ref, wr_ref, b_ref, o_ref):
    deg = deg_ref[0, :, 0:1] + deg_ref[1, :, 0:1]
    inv = 1.0 / jnp.maximum(deg, 1.0)
    mean = jnp.concatenate([s_ref[0], s_ref[1]], axis=1) * inv
    h = jnp.dot(mean, wl_ref[...], preferred_element_type=jnp.float32)
    h = h + jnp.dot(x_ref[...], wr_ref[...], preferred_element_type=jnp.float32)
    h = jnp.maximum(h + b_ref[...], 0.0)
    o_ref[0] = h[:, :DH]
    o_ref[1] = h[:, DH:]


def _layer2_body(s_ref, deg_ref, h_ref, wl_ref, wr_ref, b_ref,
                 wo_ref, bo_ref, o_ref):
    deg = deg_ref[0, :, 0:1] + deg_ref[1, :, 0:1]
    inv = 1.0 / jnp.maximum(deg, 1.0)
    mean = jnp.concatenate([s_ref[0], s_ref[1]], axis=1) * inv
    h1 = jnp.concatenate([h_ref[0], h_ref[1]], axis=1)
    h2 = jnp.dot(mean, wl_ref[...], preferred_element_type=jnp.float32)
    h2 = h2 + jnp.dot(h1, wr_ref[...], preferred_element_type=jnp.float32)
    h2 = h2 + b_ref[...]
    o_ref[...] = (jnp.dot(h2, wo_ref[...], preferred_element_type=jnp.float32)
                  + bo_ref[...])


def _tc_layer1(S1, degP, x_pad, W1l, W1r, b1):
    grid = NPAD // _TC_R
    return pl.pallas_call(
        _layer1_body,
        grid=(grid,),
        in_specs=[
            pl.BlockSpec((NCORE, _TC_R, DH), lambda i: (0, i, 0)),
            pl.BlockSpec((NCORE, _TC_R, DH), lambda i: (0, i, 0)),
            pl.BlockSpec((_TC_R, D), lambda i: (i, 0)),
            pl.BlockSpec((D, D), lambda i: (0, 0)),
            pl.BlockSpec((D, D), lambda i: (0, 0)),
            pl.BlockSpec((1, D), lambda i: (0, 0)),
        ],
        out_specs=pl.BlockSpec((NCORE, _TC_R, DH), lambda i: (0, i, 0)),
        out_shape=jax.ShapeDtypeStruct((NCORE, NPAD, DH), jnp.float32),
    )(S1, degP, x_pad, W1l, W1r, b1)


def _tc_layer2(S2, degP, h1s, W2l, W2r, b2, Wout, bout):
    grid = NPAD // _TC_R
    return pl.pallas_call(
        _layer2_body,
        grid=(grid,),
        in_specs=[
            pl.BlockSpec((NCORE, _TC_R, DH), lambda i: (0, i, 0)),
            pl.BlockSpec((NCORE, _TC_R, DH), lambda i: (0, i, 0)),
            pl.BlockSpec((NCORE, _TC_R, DH), lambda i: (0, i, 0)),
            pl.BlockSpec((D, D), lambda i: (0, 0)),
            pl.BlockSpec((D, D), lambda i: (0, 0)),
            pl.BlockSpec((1, D), lambda i: (0, 0)),
            pl.BlockSpec((D, 128), lambda i: (0, 0)),
            pl.BlockSpec((1, 128), lambda i: (0, 0)),
        ],
        out_specs=pl.BlockSpec((_TC_R, 128), lambda i: (i, 0)),
        out_shape=jax.ShapeDtypeStruct((NPAD, 128), jnp.float32),
    )(S2, degP, h1s, W2l, W2r, b2, Wout, bout)



def kernel(x, edge_index, W1l, W1r, b1, W2l, W2r, b2, Wout, bout):
    src = edge_index[0]
    dst = edge_index[1]

    x_pad = jnp.pad(x, ((0, NPAD - N), (0, 0)))
    xs = jnp.stack([x_pad[:, :DH], x_pad[:, DH:]])

    pad_e = NSUB * EPS - NE
    srcp = jnp.pad(src, (0, pad_e))
    dstp = jnp.pad(dst, (0, pad_e), constant_values=N)
    srcE = srcp.reshape(NSUB, NCHUNK, CH)
    dstE = dstp.reshape(NSUB, NCHUNK, CH)

    z128 = jnp.zeros((ZR, DH), jnp.float32)
    cones = jnp.ones((CH, DH), jnp.float32)

    one_f = jnp.ones((16,), jnp.int32)
    zero_f = jnp.zeros((16,), jnp.int32)
    S1, degP = _make_seg_sum()(xs, srcE, dstE, z128, cones, one_f)
    h1s = _tc_layer1(S1, degP, x_pad, W1l, W1r, b1.reshape(1, D))

    S2, _ = _make_seg_sum()(h1s, srcE, dstE, z128, cones, zero_f)
    out = _tc_layer2(S2, degP, h1s, W2l, W2r, b2.reshape(1, D),
                     Wout, bout.reshape(1, 128))
    return out[:N]

# --- scband reference (transcript-rebuilt; emitter-appended) ---
"""Pipeline reference for scband-graph-sage2-18863496364166 (READ-ONLY COPY).

The authoritative reference and input builder live on the scoring server;
editing this copy changes nothing except your own understanding.
"""

import jax, jax.numpy as jnp
import numpy as np

N_NODES = 10000
N_EDGES = 160000
D_IN = 256
D_HID = 256
D_EMB = 256
D_OUT = 128


def _glorot(key, shape):
    fan_in, fan_out = shape[0], shape[1]
    limit = np.sqrt(6.0 / (fan_in + fan_out))
    return jax.random.uniform(key, shape, dtype=jnp.float32, minval=-limit, maxval=limit)


def setup_inputs(seed: int = 0) -> dict:
    key = jax.random.key(seed)
    ks = jax.random.split(key, 10)
    x = jax.random.normal(ks[0], (N_NODES, D_IN), dtype=jnp.float32)
    edge_index = jax.random.randint(ks[1], (2, N_EDGES), 0, N_NODES, dtype=jnp.int64 if jax.config.read('jax_enable_x64') else jnp.int32).astype(jnp.int32)
    W1l = _glorot(ks[2], (D_IN, D_HID))
    W1r = _glorot(ks[3], (D_IN, D_HID))
    b1 = jnp.zeros((D_HID,), dtype=jnp.float32)
    W2l = _glorot(ks[4], (D_HID, D_EMB))
    W2r = _glorot(ks[5], (D_HID, D_EMB))
    b2 = jnp.zeros((D_EMB,), dtype=jnp.float32)
    Wout = _glorot(ks[6], (D_EMB, D_OUT))
    bout = jnp.zeros((D_OUT,), dtype=jnp.float32)
    return {"x": x, "edge_index": edge_index, "W1l": W1l, "W1r": W1r, "b1": b1,
            "W2l": W2l, "W2r": W2r, "b2": b2, "Wout": Wout, "bout": bout}


def _sage_conv(h, src, dst, Wl, Wr, b, n_nodes):
    # PyG SAGEConv (aggr='mean'): out = lin_l(mean_{j in N(i)} x_j) + lin_r(x_i)
    msgs = jnp.take(h, src, axis=0)                       # gather x_j
    summed = jax.ops.segment_sum(msgs, dst, num_segments=n_nodes)  # scatter-add
    cnt = jax.ops.segment_sum(jnp.ones((dst.shape[0], 1), dtype=h.dtype), dst, num_segments=n_nodes)
    mean = summed / jnp.maximum(cnt, 1.0)
    return mean @ Wl + b + h @ Wr


def reference(x, edge_index, W1l, W1r, b1, W2l, W2r, b2, Wout, bout):
    src = edge_index[0]
    dst = edge_index[1]
    n = x.shape[0]
    h = _sage_conv(x, src, dst, W1l, W1r, b1, n)
    h = jax.nn.relu(h)
    # dropout_rate = 0.0 (eval): identity
    h = _sage_conv(h, src, dst, W2l, W2r, b2, n)
    out = h @ Wout + bout
    return out

if __name__ == "__main__":
    import jax
    _d = setup_inputs()
    print(jax.jit(kernel)(*tuple(_d.values())))

</pallas_src>

<mosaic_0001>
#map = affine_map<(d0, d1) -> (0, 0, 0)>
#map1 = affine_map<(d0, d1) -> (0, 0)>
#map2 = affine_map<(d0, d1) -> (0)>
module attributes {stable_mosaic.version = 14 : i64} {
  func.func @_seg_sum_body(%arg0: i32, %arg1: i32, %arg2: memref<2x10240x128xf32, #tpu.memory_space<hbm>>, %arg3: memref<16x80x128xi32, #tpu.memory_space<hbm>>, %arg4: memref<16x80x128xi32, #tpu.memory_space<hbm>>, %arg5: memref<128x128xf32, #tpu.memory_space<hbm>>, %arg6: memref<128x128xf32, #tpu.memory_space<hbm>>, %arg7: memref<16xi32, #tpu.memory_space<hbm>>, %arg8: memref<2x10240x128xf32, #tpu.memory_space<hbm>>, %arg9: memref<2x10240x128xf32, #tpu.memory_space<hbm>>, %arg10: memref<40x128xi32, #tpu.memory_space<vmem>>, %arg11: memref<40x128xi32, #tpu.memory_space<vmem>>, %arg12: memref<128x128xf32, #tpu.memory_space<vmem>>, %arg13: memref<128x128xf32, #tpu.memory_space<vmem>>, %arg14: memref<!tpu.dma_semaphore, #tpu.memory_space<semaphore_mem>>, %arg15: memref<!tpu.dma_semaphore, #tpu.memory_space<semaphore_mem>>, %arg16: memref<!tpu.dma_semaphore, #tpu.memory_space<semaphore_mem>>, %arg17: memref<!tpu.dma_semaphore, #tpu.memory_space<semaphore_mem>>, %arg18: memref<16xi32, #tpu.memory_space<vmem>>, %arg19: memref<10240x128xf32, #tpu.memory_space<vmem_shared>>) attributes {dimension_semantics = [#tpu.dimension_semantics<core_parallel>, #tpu.dimension_semantics<subcore_parallel>], iteration_bounds = array<i64: 2, 16>, scalar_prefetch = 0 : i64, scratch_operands = 10 : i64, tpu.core_type = #tpu.core_type<sc_vector_subcore>, window_params = [{transform_indices = #map}, {transform_indices = #map}, {transform_indices = #map}, {transform_indices = #map1}, {transform_indices = #map1}, {transform_indices = #map2}, {transform_indices = #map}, {transform_indices = #map}]} {
    %mul3A = arith.constant 640 : i32
    %mul3A_0 = arith.muli %arg1, %mul3A : i32
    %scan3A = arith.constant 0 : i32
    %scan3A_1 = arith.constant 0 : i32
    %scan3A_2 = arith.constant 2 : i32
    %scan3A_3 = arith.addi %scan3A_1, %scan3A_2 : i32
    %scan3A_4 = arith.constant 1 : i32
    scf.for %scan3A_58 = %scan3A_1 to %scan3A_3 step %scan3A_4  : i32 {
      %mul3A_59 = arith.constant 2 : i32
      %mul3A_60 = arith.muli %mul3A_59, %scan3A_58 : i32
      %mul3A_61 = arith.constant 128 : i32
      %mul3A_62 = arith.muli %mul3A_60, %mul3A_61 : i32
      %add3A_63 = arith.addi %mul3A_0, %mul3A_62 : i32
      %dma_start3A_64 = arith.constant 0 : i32
      %dma_start3A_65 = tpu.memref_slice %arg19[%add3A_63, %dma_start3A_64] : memref<10240x128xf32, #tpu.memory_space<vmem_shared>> -> memref<128x128xf32, #tpu.memory_space<vmem_shared>>
      tpu.enqueue_dma source(%arg5 : memref<128x128xf32, #tpu.memory_space<hbm>>) target(%dma_start3A_65 : memref<128x128xf32, #tpu.memory_space<vmem_shared>>) target_semaphore(%arg14 : memref<!tpu.dma_semaphore, #tpu.memory_space<semaphore_mem>>)
      %mul3A_66 = arith.constant 2 : i32
      %mul3A_67 = arith.muli %mul3A_66, %scan3A_58 : i32
      %add3A_68 = arith.constant 1 : i32
      %add3A_69 = arith.addi %mul3A_67, %add3A_68 : i32
      %mul3A_70 = arith.constant 128 : i32
      %mul3A_71 = arith.muli %add3A_69, %mul3A_70 : i32
      %add3A_72 = arith.addi %mul3A_0, %mul3A_71 : i32
      %dma_start3A_73 = arith.constant 0 : i32
      %dma_start3A_74 = tpu.memref_slice %arg19[%add3A_72, %dma_start3A_73] : memref<10240x128xf32, #tpu.memory_space<vmem_shared>> -> memref<128x128xf32, #tpu.memory_space<vmem_shared>>
      tpu.enqueue_dma source(%arg5 : memref<128x128xf32, #tpu.memory_space<hbm>>) target(%dma_start3A_74 : memref<128x128xf32, #tpu.memory_space<vmem_shared>>) target_semaphore(%arg15 : memref<!tpu.dma_semaphore, #tpu.memory_space<semaphore_mem>>)
      %dma_wait3A_75 = arith.constant 0 : i32
      %dma_wait3A_76 = tpu.memref_slice %arg19[%add3A_63, %dma_wait3A_75] : memref<10240x128xf32, #tpu.memory_space<vmem_shared>> -> memref<128x128xf32, #tpu.memory_space<vmem_shared>>
      tpu.wait_dma2 semaphore(%arg14 : memref<!tpu.dma_semaphore, #tpu.memory_space<semaphore_mem>>) src(%arg5 : memref<128x128xf32, #tpu.memory_space<hbm>>) dst(%dma_wait3A_76 : memref<128x128xf32, #tpu.memory_space<vmem_shared>>)
      %dma_wait3A_77 = arith.constant 0 : i32
      %dma_wait3A_78 = tpu.memref_slice %arg19[%add3A_72, %dma_wait3A_77] : memref<10240x128xf32, #tpu.memory_space<vmem_shared>> -> memref<128x128xf32, #tpu.memory_space<vmem_shared>>
      tpu.wait_dma2 semaphore(%arg15 : memref<!tpu.dma_semaphore, #tpu.memory_space<semaphore_mem>>) src(%arg5 : memref<128x128xf32, #tpu.memory_space<hbm>>) dst(%dma_wait3A_78 : memref<128x128xf32, #tpu.memory_space<vmem_shared>>)
    }
    %scan3A_5 = arith.constant 2 : i32
    %add3A = arith.constant 512 : i32
    %add3A_6 = arith.addi %mul3A_0, %add3A : i32
    "tpu.region"() ({
      %run_scoped3A = tpu.sem_alloc : memref<!tpu.dma_semaphore, #tpu.memory_space<semaphore_mem>>
      %dma_start3A_58 = arith.constant 0 : i32
      %dma_start3A_59 = tpu.memref_slice %arg19[%add3A_6, %dma_start3A_58] : memref<10240x128xf32, #tpu.memory_space<vmem_shared>> -> memref<128x128xf32, #tpu.memory_space<vmem_shared>>
      tpu.enqueue_dma source(%arg5 : memref<128x128xf32, #tpu.memory_space<hbm>>) target(%dma_start3A_59 : memref<128x128xf32, #tpu.memory_space<vmem_shared>>) target_semaphore(%run_scoped3A : memref<!tpu.dma_semaphore, #tpu.memory_space<semaphore_mem>>)
      %dma_wait3A_60 = arith.constant 0 : i32
      %dma_wait3A_61 = tpu.memref_slice %arg19[%add3A_6, %dma_wait3A_60] : memref<10240x128xf32, #tpu.memory_space<vmem_shared>> -> memref<128x128xf32, #tpu.memory_space<vmem_shared>>
      tpu.wait_dma2 semaphore(%run_scoped3A : memref<!tpu.dma_semaphore, #tpu.memory_space<semaphore_mem>>) src(%arg5 : memref<128x128xf32, #tpu.memory_space<hbm>>) dst(%dma_wait3A_61 : memref<128x128xf32, #tpu.memory_space<vmem_shared>>)
      tpu.yield
    }) : () -> ()
    "tpu.region"() ({
      %run_scoped3A = tpu.sem_alloc : memref<!tpu.dma_semaphore, #tpu.memory_space<semaphore_mem>>
      %dma_start3A_58 = arith.constant 0 : i32
      %dma_start3A_59 = arith.constant 0 : i32
      %dma_start3A_60 = tpu.memref_slice %arg3[%arg1, %dma_start3A_58, %dma_start3A_59] : memref<16x80x128xi32, #tpu.memory_space<hbm>> -> memref<1x40x128xi32, #tpu.memory_space<hbm>>
      %dma_start3A_61 = tpu.memref_squeeze %dma_start3A_60 : memref<1x40x128xi32, #tpu.memory_space<hbm>> -> memref<40x128xi32, #tpu.memory_space<hbm>>
      %dma_start3A_62 = arith.constant 0 : i32
      %dma_start3A_63 = arith.constant 0 : i32
      %dma_start3A_64 = tpu.memref_slice %arg3[%arg1, %dma_start3A_62, %dma_start3A_63] : memref<16x80x128xi32, #tpu.memory_space<hbm>> -> memref<1x40x128xi32, #tpu.memory_space<hbm>>
      %dma_start3A_65 = tpu.memref_squeeze %dma_start3A_64 : memref<1x40x128xi32, #tpu.memory_space<hbm>> -> memref<40x128xi32, #tpu.memory_space<hbm>>
      tpu.enqueue_dma source(%dma_start3A_65 : memref<40x128xi32, #tpu.memory_space<hbm>>) target(%arg10 : memref<40x128xi32, #tpu.memory_space<vmem>>) target_semaphore(%run_scoped3A : memref<!tpu.dma_semaphore, #tpu.memory_space<semaphore_mem>>)
      %dma_wait3A_66 = arith.constant 0 : i32
      %dma_wait3A_67 = arith.constant 0 : i32
      %dma_wait3A_68 = tpu.memref_slice %arg3[%arg1, %dma_wait3A_66, %dma_wait3A_67] : memref<16x80x128xi32, #tpu.memory_space<hbm>> -> memref<1x40x128xi32, #tpu.memory_space<hbm>>
      %dma_wait3A_69 = tpu.memref_squeeze %dma_wait3A_68 : memref<1x40x128xi32, #tpu.memory_space<hbm>> -> memref<40x128xi32, #tpu.memory_space<hbm>>
      %dma_wait3A_70 = arith.constant 0 : i32
      %dma_wait3A_71 = arith.constant 0 : i32
      %dma_wait3A_72 = tpu.memref_slice %arg3[%arg1, %dma_wait3A_70, %dma_wait3A_71] : memref<16x80x128xi32, #tpu.memory_space<hbm>> -> memref<1x40x128xi32, #tpu.memory_space<hbm>>
      %dma_wait3A_73 = tpu.memref_squeeze %dma_wait3A_72 : memref<1x40x128xi32, #tpu.memory_space<hbm>> -> memref<40x128xi32, #tpu.memory_space<hbm>>
      tpu.wait_dma2 semaphore(%run_scoped3A : memref<!tpu.dma_semaphore, #tpu.memory_space<semaphore_mem>>) src(%dma_wait3A_73 : memref<40x128xi32, #tpu.memory_space<hbm>>) dst(%arg10 : memref<40x128xi32, #tpu.memory_space<vmem>>)
      tpu.yield
    }) : () -> ()
    "tpu.region"() ({
      %run_scoped3A = tpu.sem_alloc : memref<!tpu.dma_semaphore, #tpu.memory_space<semaphore_mem>>
      %dma_start3A_58 = arith.constant 0 : i32
      %dma_start3A_59 = arith.constant 0 : i32
      %dma_start3A_60 = tpu.memref_slice %arg4[%arg1, %dma_start3A_58, %dma_start3A_59] : memref<16x80x128xi32, #tpu.memory_space<hbm>> -> memref<1x40x128xi32, #tpu.memory_space<hbm>>
      %dma_start3A_61 = tpu.memref_squeeze %dma_start3A_60 : memref<1x40x128xi32, #tpu.memory_space<hbm>> -> memref<40x128xi32, #tpu.memory_space<hbm>>
      %dma_start3A_62 = arith.constant 0 : i32
      %dma_start3A_63 = arith.constant 0 : i32
      %dma_start3A_64 = tpu.memref_slice %arg4[%arg1, %dma_start3A_62, %dma_start3A_63] : memref<16x80x128xi32, #tpu.memory_space<hbm>> -> memref<1x40x128xi32, #tpu.memory_space<hbm>>
      %dma_start3A_65 = tpu.memref_squeeze %dma_start3A_64 : memref<1x40x128xi32, #tpu.memory_space<hbm>> -> memref<40x128xi32, #tpu.memory_space<hbm>>
      tpu.enqueue_dma source(%dma_start3A_65 : memref<40x128xi32, #tpu.memory_space<hbm>>) target(%arg11 : memref<40x128xi32, #tpu.memory_space<vmem>>) target_semaphore(%run_scoped3A : memref<!tpu.dma_semaphore, #tpu.memory_space<semaphore_mem>>)
      %dma_wait3A_66 = arith.constant 0 : i32
      %dma_wait3A_67 = arith.constant 0 : i32
      %dma_wait3A_68 = tpu.memref_slice %arg4[%arg1, %dma_wait3A_66, %dma_wait3A_67] : memref<16x80x128xi32, #tpu.memory_space<hbm>> -> memref<1x40x128xi32, #tpu.memory_space<hbm>>
      %dma_wait3A_69 = tpu.memref_squeeze %dma_wait3A_68 : memref<1x40x128xi32, #tpu.memory_space<hbm>> -> memref<40x128xi32, #tpu.memory_space<hbm>>
      %dma_wait3A_70 = arith.constant 0 : i32
      %dma_wait3A_71 = arith.constant 0 : i32
      %dma_wait3A_72 = tpu.memref_slice %arg4[%arg1, %dma_wait3A_70, %dma_wait3A_71] : memref<16x80x128xi32, #tpu.memory_space<hbm>> -> memref<1x40x128xi32, #tpu.memory_space<hbm>>
      %dma_wait3A_73 = tpu.memref_squeeze %dma_wait3A_72 : memref<1x40x128xi32, #tpu.memory_space<hbm>> -> memref<40x128xi32, #tpu.memory_space<hbm>>
      tpu.wait_dma2 semaphore(%run_scoped3A : memref<!tpu.dma_semaphore, #tpu.memory_space<semaphore_mem>>) src(%dma_wait3A_73 : memref<40x128xi32, #tpu.memory_space<hbm>>) dst(%arg11 : memref<40x128xi32, #tpu.memory_space<vmem>>)
      tpu.yield
    }) : () -> ()
    %barrier3A = arith.constant 0 : index
    tpu.barrier barrier_id(%barrier3A)
    %dma_start3A = arith.constant 0 : i32
    %dma_start3A_7 = arith.constant 0 : i32
    %dma_start3A_8 = tpu.memref_slice %arg10[%dma_start3A, %dma_start3A_7] : memref<40x128xi32, #tpu.memory_space<vmem>> -> memref<1x128xi32, #tpu.memory_space<vmem>>
    %dma_start3A_9 = tpu.memref_squeeze %dma_start3A_8 : memref<1x128xi32, #tpu.memory_space<vmem>> -> memref<128xi32, #tpu.memory_space<vmem>>
    %dma_start3A_10 = arith.constant 0 : i32
    %dma_start3A_11 = arith.constant 0 : i32
    %dma_start3A_12 = tpu.memref_slice %arg2[%arg0, %dma_start3A_10, %dma_start3A_11] : memref<2x10240x128xf32, #tpu.memory_space<hbm>> -> memref<1x10240x128xf32, #tpu.memory_space<hbm>>
    %dma_start3A_13 = tpu.memref_squeeze %dma_start3A_12 : memref<1x10240x128xf32, #tpu.memory_space<hbm>> -> memref<10240x128xf32, #tpu.memory_space<hbm>>
    %dma_start3A_14 = arith.constant 0 : i32
    %dma_start3A_15 = arith.constant 0 : i32
    %dma_start3A_16 = tpu.memref_slice %dma_start3A_13[%dma_start3A_14, %dma_start3A_15] : memref<10240x128xf32, #tpu.memory_space<hbm>> -> memref<10240x128xf32, #tpu.memory_space<hbm>>
    tpu.enqueue_indirect_dma source(%dma_start3A_16 : memref<10240x128xf32, #tpu.memory_space<hbm>>) target(%arg12 : memref<128x128xf32, #tpu.memory_space<vmem>>) offsets(%dma_start3A_9 : memref<128xi32, #tpu.memory_space<vmem>>) semaphore(%arg14 : memref<!tpu.dma_semaphore, #tpu.memory_space<semaphore_mem>>)
    %scan3A_17 = arith.constant 0 : i32
    %scan3A_18 = arith.constant 0 : i32
    %scan3A_19 = arith.constant 20 : i32
    %scan3A_20 = arith.addi %scan3A_18, %scan3A_19 : i32
    %scan3A_21 = arith.constant 1 : i32
    scf.for %scan3A_58 = %scan3A_18 to %scan3A_20 step %scan3A_21  : i32 {
      %mul3A_59 = arith.constant 2 : i32
      %mul3A_60 = arith.muli %mul3A_59, %scan3A_58 : i32
      %add3A_61 = arith.constant 0 : i32
      %add3A_62 = arith.addi %mul3A_60, %add3A_61 : i32
      %ge3A = arith.constant 1 : i32
      %ge3A_63 = arith.cmpi sge, %add3A_62, %ge3A : i32
      %convert_element_type3A_64 = arith.extui %ge3A_63 : i1 to i32
      %cond3A_65 = arith.constant 0 : i32
      %cond3A_66 = arith.cmpi ne, %convert_element_type3A_64, %cond3A_65 : i32
      scf.if %cond3A_66 {
        %sub3A = arith.constant 1 : i32
        %sub3A_121 = arith.subi %add3A_62, %sub3A : i32
        %max3A = arith.constant 0 : i32
        %max3A_122 = arith.maxsi %sub3A_121, %max3A : i32
        %dma_wait3A_123 = arith.constant 0 : i32
        %dma_wait3A_124 = tpu.memref_slice %arg11[%max3A_122, %dma_wait3A_123] : memref<40x128xi32, #tpu.memory_space<vmem>> -> memref<1x128xi32, #tpu.memory_space<vmem>>
        %dma_wait3A_125 = tpu.memref_squeeze %dma_wait3A_124 : memref<1x128xi32, #tpu.memory_space<vmem>> -> memref<128xi32, #tpu.memory_space<vmem>>
        %dma_wait3A_126 = arith.constant 0 : i32
        %dma_wait3A_127 = arith.constant 0 : i32
        %dma_wait3A_128 = tpu.memref_slice %arg19[%dma_wait3A_126, %dma_wait3A_127] : memref<10240x128xf32, #tpu.memory_space<vmem_shared>> -> memref<10240x128xf32, #tpu.memory_space<vmem_shared>>
        tpu.wait_indirect_dma semaphore(%arg17 : memref<!tpu.dma_semaphore, #tpu.memory_space<semaphore_mem>>) src(%arg13 : memref<128x128xf32, #tpu.memory_space<vmem>>) dst(%dma_wait3A_128 : memref<10240x128xf32, #tpu.memory_space<vmem_shared>>)
      } else {
      }
      %add3A_67 = arith.constant 1 : i32
      %add3A_68 = arith.addi %add3A_62, %add3A_67 : i32
      %lt3A = arith.constant 40 : i32
      %lt3A_69 = arith.cmpi slt, %add3A_68, %lt3A : i32
      %convert_element_type3A_70 = arith.extui %lt3A_69 : i1 to i32
      %cond3A_71 = arith.constant 0 : i32
      %cond3A_72 = arith.cmpi ne, %convert_element_type3A_70, %cond3A_71 : i32
      scf.if %cond3A_72 {
        %add3A_121 = arith.constant 1 : i32
        %add3A_122 = arith.addi %add3A_62, %add3A_121 : i32
        %dma_start3A_123 = arith.constant 0 : i32
        %dma_start3A_124 = tpu.memref_slice %arg10[%add3A_122, %dma_start3A_123] : memref<40x128xi32, #tpu.memory_space<vmem>> -> memref<1x128xi32, #tpu.memory_space<vmem>>
        %dma_start3A_125 = tpu.memref_squeeze %dma_start3A_124 : memref<1x128xi32, #tpu.memory_space<vmem>> -> memref<128xi32, #tpu.memory_space<vmem>>
        %dma_start3A_126 = arith.constant 0 : i32
        %dma_start3A_127 = arith.constant 0 : i32
        %dma_start3A_128 = tpu.memref_slice %arg2[%arg0, %dma_start3A_126, %dma_start3A_127] : memref<2x10240x128xf32, #tpu.memory_space<hbm>> -> memref<1x10240x128xf32, #tpu.memory_space<hbm>>
        %dma_start3A_129 = tpu.memref_squeeze %dma_start3A_128 : memref<1x10240x128xf32, #tpu.memory_space<hbm>> -> memref<10240x128xf32, #tpu.memory_space<hbm>>
        %dma_start3A_130 = arith.constant 0 : i32
        %dma_start3A_131 = arith.constant 0 : i32
        %dma_start3A_132 = tpu.memref_slice %dma_start3A_129[%dma_start3A_130, %dma_start3A_131] : memref<10240x128xf32, #tpu.memory_space<hbm>> -> memref<10240x128xf32, #tpu.memory_space<hbm>>
        tpu.enqueue_indirect_dma source(%dma_start3A_132 : memref<10240x128xf32, #tpu.memory_space<hbm>>) target(%arg13 : memref<128x128xf32, #tpu.memory_space<vmem>>) offsets(%dma_start3A_125 : memref<128xi32, #tpu.memory_space<vmem>>) semaphore(%arg15 : memref<!tpu.dma_semaphore, #tpu.memory_space<semaphore_mem>>)
      } else {
      }
      %dma_wait3A_73 = arith.constant 0 : i32
      %dma_wait3A_74 = tpu.memref_slice %arg10[%add3A_62, %dma_wait3A_73] : memref<40x128xi32, #tpu.memory_space<vmem>> -> memref<1x128xi32, #tpu.memory_space<vmem>>
      %dma_wait3A_75 = tpu.memref_squeeze %dma_wait3A_74 : memref<1x128xi32, #tpu.memory_space<vmem>> -> memref<128xi32, #tpu.memory_space<vmem>>
      %dma_wait3A_76 = arith.constant 0 : i32
      %dma_wait3A_77 = arith.constant 0 : i32
      %dma_wait3A_78 = tpu.memref_slice %arg2[%arg0, %dma_wait3A_76, %dma_wait3A_77] : memref<2x10240x128xf32, #tpu.memory_space<hbm>> -> memref<1x10240x128xf32, #tpu.memory_space<hbm>>
      %dma_wait3A_79 = tpu.memref_squeeze %dma_wait3A_78 : memref<1x10240x128xf32, #tpu.memory_space<hbm>> -> memref<10240x128xf32, #tpu.memory_space<hbm>>
      %dma_wait3A_80 = arith.constant 0 : i32
      %dma_wait3A_81 = arith.constant 0 : i32
      %dma_wait3A_82 = tpu.memref_slice %dma_wait3A_79[%dma_wait3A_80, %dma_wait3A_81] : memref<10240x128xf32, #tpu.memory_space<hbm>> -> memref<10240x128xf32, #tpu.memory_space<hbm>>
      tpu.wait_indirect_dma semaphore(%arg14 : memref<!tpu.dma_semaphore, #tpu.memory_space<semaphore_mem>>) src(%dma_wait3A_82 : memref<10240x128xf32, #tpu.memory_space<hbm>>) dst(%arg12 : memref<128x128xf32, #tpu.memory_space<vmem>>)
      %dma_start3A_83 = arith.constant 0 : i32
      %dma_start3A_84 = tpu.memref_slice %arg11[%add3A_62, %dma_start3A_83] : memref<40x128xi32, #tpu.memory_space<vmem>> -> memref<1x128xi32, #tpu.memory_space<vmem>>
      %dma_start3A_85 = tpu.memref_squeeze %dma_start3A_84 : memref<1x128xi32, #tpu.memory_space<vmem>> -> memref<128xi32, #tpu.memory_space<vmem>>
      %dma_start3A_86 = arith.constant 0 : i32
      %dma_start3A_87 = arith.constant 0 : i32
      %dma_start3A_88 = tpu.memref_slice %arg19[%dma_start3A_86, %dma_start3A_87] : memref<10240x128xf32, #tpu.memory_space<vmem_shared>> -> memref<10240x128xf32, #tpu.memory_space<vmem_shared>>
      tpu.enqueue_indirect_dma source(%arg12 : memref<128x128xf32, #tpu.memory_space<vmem>>) target(%dma_start3A_88 : memref<10240x128xf32, #tpu.memory_space<vmem_shared>>) offsets(%dma_start3A_85 : memref<128xi32, #tpu.memory_space<vmem>>) semaphore(%arg16 : memref<!tpu.dma_semaphore, #tpu.memory_space<semaphore_mem>>) {add = true}
      %mul3A_89 = arith.constant 2 : i32
      %mul3A_90 = arith.muli %mul3A_89, %scan3A_58 : i32
      %add3A_91 = arith.constant 1 : i32
      %add3A_92 = arith.addi %mul3A_90, %add3A_91 : i32
      %ge3A_93 = arith.constant 1 : i32
      %ge3A_94 = arith.cmpi sge, %add3A_92, %ge3A_93 : i32
      %convert_element_type3A_95 = arith.extui %ge3A_94 : i1 to i32
      %cond3A_96 = arith.constant 0 : i32
      %cond3A_97 = arith.cmpi ne, %convert_element_type3A_95, %cond3A_96 : i32
      scf.if %cond3A_97 {
        %sub3A = arith.constant 1 : i32
        %sub3A_121 = arith.subi %add3A_92, %sub3A : i32
        %max3A = arith.constant 0 : i32
        %max3A_122 = arith.maxsi %sub3A_121, %max3A : i32
        %dma_wait3A_123 = arith.constant 0 : i32
        %dma_wait3A_124 = tpu.memref_slice %arg11[%max3A_122, %dma_wait3A_123] : memref<40x128xi32, #tpu.memory_space<vmem>> -> memref<1x128xi32, #tpu.memory_space<vmem>>
        %dma_wait3A_125 = tpu.memref_squeeze %dma_wait3A_124 : memref<1x128xi32, #tpu.memory_space<vmem>> -> memref<128xi32, #tpu.memory_space<vmem>>
        %dma_wait3A_126 = arith.constant 0 : i32
        %dma_wait3A_127 = arith.constant 0 : i32
        %dma_wait3A_128 = tpu.memref_slice %arg19[%dma_wait3A_126, %dma_wait3A_127] : memref<10240x128xf32, #tpu.memory_space<vmem_shared>> -> memref<10240x128xf32, #tpu.memory_space<vmem_shared>>
        tpu.wait_indirect_dma semaphore(%arg16 : memref<!tpu.dma_semaphore, #tpu.memory_space<semaphore_mem>>) src(%arg12 : memref<128x128xf32, #tpu.memory_space<vmem>>) dst(%dma_wait3A_128 : memref<10240x128xf32, #tpu.memory_space<vmem_shared>>)
      } else {
      }
      %add3A_98 = arith.constant 1 : i32
      %add3A_99 = arith.addi %add3A_92, %add3A_98 : i32
      %lt3A_100 = arith.constant 40 : i32
      %lt3A_101 = arith.cmpi slt, %add3A_99, %lt3A_100 : i32
      %convert_element_type3A_102 = arith.extui %lt3A_101 : i1 to i32
      %cond3A_103 = arith.constant 0 : i32
      %cond3A_104 = arith.cmpi ne, %convert_element_type3A_102, %cond3A_103 : i32
      scf.if %cond3A_104 {
        %add3A_121 = arith.constant 1 : i32
        %add3A_122 = arith.addi %add3A_92, %add3A_121 : i32
        %dma_start3A_123 = arith.constant 0 : i32
        %dma_start3A_124 = tpu.memref_slice %arg10[%add3A_122, %dma_start3A_123] : memref<40x128xi32, #tpu.memory_space<vmem>> -> memref<1x128xi32, #tpu.memory_space<vmem>>
        %dma_start3A_125 = tpu.memref_squeeze %dma_start3A_124 : memref<1x128xi32, #tpu.memory_space<vmem>> -> memref<128xi32, #tpu.memory_space<vmem>>
        %dma_start3A_126 = arith.constant 0 : i32
        %dma_start3A_127 = arith.constant 0 : i32
        %dma_start3A_128 = tpu.memref_slice %arg2[%arg0, %dma_start3A_126, %dma_start3A_127] : memref<2x10240x128xf32, #tpu.memory_space<hbm>> -> memref<1x10240x128xf32, #tpu.memory_space<hbm>>
        %dma_start3A_129 = tpu.memref_squeeze %dma_start3A_128 : memref<1x10240x128xf32, #tpu.memory_space<hbm>> -> memref<10240x128xf32, #tpu.memory_space<hbm>>
        %dma_start3A_130 = arith.constant 0 : i32
        %dma_start3A_131 = arith.constant 0 : i32
        %dma_start3A_132 = tpu.memref_slice %dma_start3A_129[%dma_start3A_130, %dma_start3A_131] : memref<10240x128xf32, #tpu.memory_space<hbm>> -> memref<10240x128xf32, #tpu.memory_space<hbm>>
        tpu.enqueue_indirect_dma source(%dma_start3A_132 : memref<10240x128xf32, #tpu.memory_space<hbm>>) target(%arg12 : memref<128x128xf32, #tpu.memory_space<vmem>>) offsets(%dma_start3A_125 : memref<128xi32, #tpu.memory_space<vmem>>) semaphore(%arg14 : memref<!tpu.dma_semaphore, #tpu.memory_space<semaphore_mem>>)
      } else {
      }
      %dma_wait3A_105 = arith.constant 0 : i32
      %dma_wait3A_106 = tpu.memref_slice %arg10[%add3A_92, %dma_wait3A_105] : memref<40x128xi32, #tpu.memory_space<vmem>> -> memref<1x128xi32, #tpu.memory_space<vmem>>
      %dma_wait3A_107 = tpu.memref_squeeze %dma_wait3A_106 : memref<1x128xi32, #tpu.memory_space<vmem>> -> memref<128xi32, #tpu.memory_space<vmem>>
      %dma_wait3A_108 = arith.constant 0 : i32
      %dma_wait3A_109 = arith.constant 0 : i32
      %dma_wait3A_110 = tpu.memref_slice %arg2[%arg0, %dma_wait3A_108, %dma_wait3A_109] : memref<2x10240x128xf32, #tpu.memory_space<hbm>> -> memref<1x10240x128xf32, #tpu.memory_space<hbm>>
      %dma_wait3A_111 = tpu.memref_squeeze %dma_wait3A_110 : memref<1x10240x128xf32, #tpu.memory_space<hbm>> -> memref<10240x128xf32, #tpu.memory_space<hbm>>
      %dma_wait3A_112 = arith.constant 0 : i32
      %dma_wait3A_113 = arith.constant 0 : i32
      %dma_wait3A_114 = tpu.memref_slice %dma_wait3A_111[%dma_wait3A_112, %dma_wait3A_113] : memref<10240x128xf32, #tpu.memory_space<hbm>> -> memref<10240x128xf32, #tpu.memory_space<hbm>>
      tpu.wait_indirect_dma semaphore(%arg15 : memref<!tpu.dma_semaphore, #tpu.memory_space<semaphore_mem>>) src(%dma_wait3A_114 : memref<10240x128xf32, #tpu.memory_space<hbm>>) dst(%arg13 : memref<128x128xf32, #tpu.memory_space<vmem>>)
      %dma_start3A_115 = arith.constant 0 : i32
      %dma_start3A_116 = tpu.memref_slice %arg11[%add3A_92, %dma_start3A_115] : memref<40x128xi32, #tpu.memory_space<vmem>> -> memref<1x128xi32, #tpu.memory_space<vmem>>
      %dma_start3A_117 = tpu.memref_squeeze %dma_start3A_116 : memref<1x128xi32, #tpu.memory_space<vmem>> -> memref<128xi32, #tpu.memory_space<vmem>>
      %dma_start3A_118 = arith.constant 0 : i32
      %dma_start3A_119 = arith.constant 0 : i32
      %dma_start3A_120 = tpu.memref_slice %arg19[%dma_start3A_118, %dma_start3A_119] : memref<10240x128xf32, #tpu.memory_space<vmem_shared>> -> memref<10240x128xf32, #tpu.memory_space<vmem_shared>>
      tpu.enqueue_indirect_dma source(%arg13 : memref<128x128xf32, #tpu.memory_space<vmem>>) target(%dma_start3A_120 : memref<10240x128xf32, #tpu.memory_space<vmem_shared>>) offsets(%dma_start3A_117 : memref<128xi32, #tpu.memory_space<vmem>>) semaphore(%arg17 : memref<!tpu.dma_semaphore, #tpu.memory_space<semaphore_mem>>) {add = true}
    }
    %scan3A_22 = arith.constant 20 : i32
    %dma_wait3A = arith.constant 39 : i32
    %dma_wait3A_23 = arith.constant 0 : i32
    %dma_wait3A_24 = tpu.memref_slice %arg11[%dma_wait3A, %dma_wait3A_23] : memref<40x128xi32, #tpu.memory_space<vmem>> -> memref<1x128xi32, #tpu.memory_space<vmem>>
    %dma_wait3A_25 = tpu.memref_squeeze %dma_wait3A_24 : memref<1x128xi32, #tpu.memory_space<vmem>> -> memref<128xi32, #tpu.memory_space<vmem>>
    %dma_wait3A_26 = arith.constant 0 : i32
    %dma_wait3A_27 = arith.constant 0 : i32
    %dma_wait3A_28 = tpu.memref_slice %arg19[%dma_wait3A_26, %dma_wait3A_27] : memref<10240x128xf32, #tpu.memory_space<vmem_shared>> -> memref<10240x128xf32, #tpu.memory_space<vmem_shared>>
    tpu.wait_indirect_dma semaphore(%arg17 : memref<!tpu.dma_semaphore, #tpu.memory_space<semaphore_mem>>) src(%arg13 : memref<128x128xf32, #tpu.memory_space<vmem>>) dst(%dma_wait3A_28 : memref<10240x128xf32, #tpu.memory_space<vmem_shared>>)
    "tpu.region"() ({
      %run_scoped3A = tpu.sem_alloc : memref<!tpu.dma_semaphore, #tpu.memory_space<semaphore_mem>>
      %dma_start3A_58 = arith.constant 40 : i32
      %dma_start3A_59 = arith.constant 0 : i32
      %dma_start3A_60 = tpu.memref_slice %arg3[%arg1, %dma_start3A_58, %dma_start3A_59] : memref<16x80x128xi32, #tpu.memory_space<hbm>> -> memref<1x40x128xi32, #tpu.memory_space<hbm>>
      %dma_start3A_61 = tpu.memref_squeeze %dma_start3A_60 : memref<1x40x128xi32, #tpu.memory_space<hbm>> -> memref<40x128xi32, #tpu.memory_space<hbm>>
      %dma_start3A_62 = arith.constant 40 : i32
      %dma_start3A_63 = arith.constant 0 : i32
      %dma_start3A_64 = tpu.memref_slice %arg3[%arg1, %dma_start3A_62, %dma_start3A_63] : memref<16x80x128xi32, #tpu.memory_space<hbm>> -> memref<1x40x128xi32, #tpu.memory_space<hbm>>
      %dma_start3A_65 = tpu.memref_squeeze %dma_start3A_64 : memref<1x40x128xi32, #tpu.memory_space<hbm>> -> memref<40x128xi32, #tpu.memory_space<hbm>>
      tpu.enqueue_dma source(%dma_start3A_65 : memref<40x128xi32, #tpu.memory_space<hbm>>) target(%arg10 : memref<40x128xi32, #tpu.memory_space<vmem>>) target_semaphore(%run_scoped3A : memref<!tpu.dma_semaphore, #tpu.memory_space<semaphore_mem>>)
      %dma_wait3A_66 = arith.constant 40 : i32
      %dma_wait3A_67 = arith.constant 0 : i32
      %dma_wait3A_68 = tpu.memref_slice %arg3[%arg1, %dma_wait3A_66, %dma_wait3A_67] : memref<16x80x128xi32, #tpu.memory_space<hbm>> -> memref<1x40x128xi32, #tpu.memory_space<hbm>>
      %dma_wait3A_69 = tpu.memref_squeeze %dma_wait3A_68 : memref<1x40x128xi32, #tpu.memory_space<hbm>> -> memref<40x128xi32, #tpu.memory_space<hbm>>
      %dma_wait3A_70 = arith.constant 40 : i32
      %dma_wait3A_71 = arith.constant 0 : i32
      %dma_wait3A_72 = tpu.memref_slice %arg3[%arg1, %dma_wait3A_70, %dma_wait3A_71] : memref<16x80x128xi32, #tpu.memory_space<hbm>> -> memref<1x40x128xi32, #tpu.memory_space<hbm>>
      %dma_wait3A_73 = tpu.memref_squeeze %dma_wait3A_72 : memref<1x40x128xi32, #tpu.memory_space<hbm>> -> memref<40x128xi32, #tpu.memory_space<hbm>>
      tpu.wait_dma2 semaphore(%run_scoped3A : memref<!tpu.dma_semaphore, #tpu.memory_space<semaphore_mem>>) src(%dma_wait3A_73 : memref<40x128xi32, #tpu.memory_space<hbm>>) dst(%arg10 : memref<40x128xi32, #tpu.memory_space<vmem>>)
      tpu.yield
    }) : () -> ()
    "tpu.region"() ({
      %run_scoped3A = tpu.sem_alloc : memref<!tpu.dma_semaphore, #tpu.memory_space<semaphore_mem>>
      %dma_start3A_58 = arith.constant 40 : i32
      %dma_start3A_59 = arith.constant 0 : i32
      %dma_start3A_60 = tpu.memref_slice %arg4[%arg1, %dma_start3A_58, %dma_start3A_59] : memref<16x80x128xi32, #tpu.memory_space<hbm>> -> memref<1x40x128xi32, #tpu.memory_space<hbm>>
      %dma_start3A_61 = tpu.memref_squeeze %dma_start3A_60 : memref<1x40x128xi32, #tpu.memory_space<hbm>> -> memref<40x128xi32, #tpu.memory_space<hbm>>
      %dma_start3A_62 = arith.constant 40 : i32
      %dma_start3A_63 = arith.constant 0 : i32
      %dma_start3A_64 = tpu.memref_slice %arg4[%arg1, %dma_start3A_62, %dma_start3A_63] : memref<16x80x128xi32, #tpu.memory_space<hbm>> -> memref<1x40x128xi32, #tpu.memory_space<hbm>>
      %dma_start3A_65 = tpu.memref_squeeze %dma_start3A_64 : memref<1x40x128xi32, #tpu.memory_space<hbm>> -> memref<40x128xi32, #tpu.memory_space<hbm>>
      tpu.enqueue_dma source(%dma_start3A_65 : memref<40x128xi32, #tpu.memory_space<hbm>>) target(%arg11 : memref<40x128xi32, #tpu.memory_space<vmem>>) target_semaphore(%run_scoped3A : memref<!tpu.dma_semaphore, #tpu.memory_space<semaphore_mem>>)
      %dma_wait3A_66 = arith.constant 40 : i32
      %dma_wait3A_67 = arith.constant 0 : i32
      %dma_wait3A_68 = tpu.memref_slice %arg4[%arg1, %dma_wait3A_66, %dma_wait3A_67] : memref<16x80x128xi32, #tpu.memory_space<hbm>> -> memref<1x40x128xi32, #tpu.memory_space<hbm>>
      %dma_wait3A_69 = tpu.memref_squeeze %dma_wait3A_68 : memref<1x40x128xi32, #tpu.memory_space<hbm>> -> memref<40x128xi32, #tpu.memory_space<hbm>>
      %dma_wait3A_70 = arith.constant 40 : i32
      %dma_wait3A_71 = arith.constant 0 : i32
      %dma_wait3A_72 = tpu.memref_slice %arg4[%arg1, %dma_wait3A_70, %dma_wait3A_71] : memref<16x80x128xi32, #tpu.memory_space<hbm>> -> memref<1x40x128xi32, #tpu.memory_space<hbm>>
      %dma_wait3A_73 = tpu.memref_squeeze %dma_wait3A_72 : memref<1x40x128xi32, #tpu.memory_space<hbm>> -> memref<40x128xi32, #tpu.memory_space<hbm>>
      tpu.wait_dma2 semaphore(%run_scoped3A : memref<!tpu.dma_semaphore, #tpu.memory_space<semaphore_mem>>) src(%dma_wait3A_73 : memref<40x128xi32, #tpu.memory_space<hbm>>) dst(%arg11 : memref<40x128xi32, #tpu.memory_space<vmem>>)
      tpu.yield
    }) : () -> ()
    %dma_start3A_29 = arith.constant 0 : i32
    %dma_start3A_30 = arith.constant 0 : i32
    %dma_start3A_31 = tpu.memref_slice %arg10[%dma_start3A_29, %dma_start3A_30] : memref<40x128xi32, #tpu.memory_space<vmem>> -> memref<1x128xi32, #tpu.memory_space<vmem>>
    %dma_start3A_32 = tpu.memref_squeeze %dma_start3A_31 : memref<1x128xi32, #tpu.memory_space<vmem>> -> memref<128xi32, #tpu.memory_space<vmem>>
    %dma_start3A_33 = arith.constant 0 : i32
    %dma_start3A_34 = arith.constant 0 : i32
    %dma_start3A_35 = tpu.memref_slice %arg2[%arg0, %dma_start3A_33, %dma_start3A_34] : memref<2x10240x128xf32, #tpu.memory_space<hbm>> -> memref<1x10240x128xf32, #tpu.memory_space<hbm>>
    %dma_start3A_36 = tpu.memref_squeeze %dma_start3A_35 : memref<1x10240x128xf32, #tpu.memory_space<hbm>> -> memref<10240x128xf32, #tpu.memory_space<hbm>>
    %dma_start3A_37 = arith.constant 0 : i32
    %dma_start3A_38 = arith.constant 0 : i32
    %dma_start3A_39 = tpu.memref_slice %dma_start3A_36[%dma_start3A_37, %dma_start3A_38] : memref<10240x128xf32, #tpu.memory_space<hbm>> -> memref<10240x128xf32, #tpu.memory_space<hbm>>
    tpu.enqueue_indirect_dma source(%dma_start3A_39 : memref<10240x128xf32, #tpu.memory_space<hbm>>) target(%arg12 : memref<128x128xf32, #tpu.memory_space<vmem>>) offsets(%dma_start3A_32 : memref<128xi32, #tpu.memory_space<vmem>>) semaphore(%arg14 : memref<!tpu.dma_semaphore, #tpu.memory_space<semaphore_mem>>)
    %scan3A_40 = arith.constant 0 : i32
    %scan3A_41 = arith.constant 0 : i32
    %scan3A_42 = arith.constant 20 : i32
    %scan3A_43 = arith.addi %scan3A_41, %scan3A_42 : i32
    %scan3A_44 = arith.constant 1 : i32
    scf.for %scan3A_58 = %scan3A_41 to %scan3A_43 step %scan3A_44  : i32 {
      %mul3A_59 = arith.constant 2 : i32
      %mul3A_60 = arith.muli %mul3A_59, %scan3A_58 : i32
      %add3A_61 = arith.constant 0 : i32
      %add3A_62 = arith.addi %mul3A_60, %add3A_61 : i32
      %ge3A = arith.constant 1 : i32
      %ge3A_63 = arith.cmpi sge, %add3A_62, %ge3A : i32
      %convert_element_type3A_64 = arith.extui %ge3A_63 : i1 to i32
      %cond3A_65 = arith.constant 0 : i32
      %cond3A_66 = arith.cmpi ne, %convert_element_type3A_64, %cond3A_65 : i32
      scf.if %cond3A_66 {
        %sub3A = arith.constant 1 : i32
        %sub3A_121 = arith.subi %add3A_62, %sub3A : i32
        %max3A = arith.constant 0 : i32
        %max3A_122 = arith.maxsi %sub3A_121, %max3A : i32
        %dma_wait3A_123 = arith.constant 0 : i32
        %dma_wait3A_124 = tpu.memref_slice %arg11[%max3A_122, %dma_wait3A_123] : memref<40x128xi32, #tpu.memory_space<vmem>> -> memref<1x128xi32, #tpu.memory_space<vmem>>
        %dma_wait3A_125 = tpu.memref_squeeze %dma_wait3A_124 : memref<1x128xi32, #tpu.memory_space<vmem>> -> memref<128xi32, #tpu.memory_space<vmem>>
        %dma_wait3A_126 = arith.constant 0 : i32
        %dma_wait3A_127 = arith.constant 0 : i32
        %dma_wait3A_128 = tpu.memref_slice %arg19[%dma_wait3A_126, %dma_wait3A_127] : memref<10240x128xf32, #tpu.memory_space<vmem_shared>> -> memref<10240x128xf32, #tpu.memory_space<vmem_shared>>
        tpu.wait_indirect_dma semaphore(%arg17 : memref<!tpu.dma_semaphore, #tpu.memory_space<semaphore_mem>>) src(%arg13 : memref<128x128xf32, #tpu.memory_space<vmem>>) dst(%dma_wait3A_128 : memref<10240x128xf32, #tpu.memory_space<vmem_shared>>)
      } else {
      }
      %add3A_67 = arith.constant 1 : i32
      %add3A_68 = arith.addi %add3A_62, %add3A_67 : i32
      %lt3A = arith.constant 40 : i32
      %lt3A_69 = arith.cmpi slt, %add3A_68, %lt3A : i32
      %convert_element_type3A_70 = arith.extui %lt3A_69 : i1 to i32
      %cond3A_71 = arith.constant 0 : i32
      %cond3A_72 = arith.cmpi ne, %convert_element_type3A_70, %cond3A_71 : i32
      scf.if %cond3A_72 {
        %add3A_121 = arith.constant 1 : i32
        %add3A_122 = arith.addi %add3A_62, %add3A_121 : i32
        %dma_start3A_123 = arith.constant 0 : i32
        %dma_start3A_124 = tpu.memref_slice %arg10[%add3A_122, %dma_start3A_123] : memref<40x128xi32, #tpu.memory_space<vmem>> -> memref<1x128xi32, #tpu.memory_space<vmem>>
        %dma_start3A_125 = tpu.memref_squeeze %dma_start3A_124 : memref<1x128xi32, #tpu.memory_space<vmem>> -> memref<128xi32, #tpu.memory_space<vmem>>
        %dma_start3A_126 = arith.constant 0 : i32
        %dma_start3A_127 = arith.constant 0 : i32
        %dma_start3A_128 = tpu.memref_slice %arg2[%arg0, %dma_start3A_126, %dma_start3A_127] : memref<2x10240x128xf32, #tpu.memory_space<hbm>> -> memref<1x10240x128xf32, #tpu.memory_space<hbm>>
        %dma_start3A_129 = tpu.memref_squeeze %dma_start3A_128 : memref<1x10240x128xf32, #tpu.memory_space<hbm>> -> memref<10240x128xf32, #tpu.memory_space<hbm>>
        %dma_start3A_130 = arith.constant 0 : i32
        %dma_start3A_131 = arith.constant 0 : i32
        %dma_start3A_132 = tpu.memref_slice %dma_start3A_129[%dma_start3A_130, %dma_start3A_131] : memref<10240x128xf32, #tpu.memory_space<hbm>> -> memref<10240x128xf32, #tpu.memory_space<hbm>>
        tpu.enqueue_indirect_dma source(%dma_start3A_132 : memref<10240x128xf32, #tpu.memory_space<hbm>>) target(%arg13 : memref<128x128xf32, #tpu.memory_space<vmem>>) offsets(%dma_start3A_125 : memref<128xi32, #tpu.memory_space<vmem>>) semaphore(%arg15 : memref<!tpu.dma_semaphore, #tpu.memory_space<semaphore_mem>>)
      } else {
      }
      %dma_wait3A_73 = arith.constant 0 : i32
      %dma_wait3A_74 = tpu.memref_slice %arg10[%add3A_62, %dma_wait3A_73] : memref<40x128xi32, #tpu.memory_space<vmem>> -> memref<1x128xi32, #tpu.memory_space<vmem>>
      %dma_wait3A_75 = tpu.memref_squeeze %dma_wait3A_74 : memref<1x128xi32, #tpu.memory_space<vmem>> -> memref<128xi32, #tpu.memory_space<vmem>>
      %dma_wait3A_76 = arith.constant 0 : i32
      %dma_wait3A_77 = arith.constant 0 : i32
      %dma_wait3A_78 = tpu.memref_slice %arg2[%arg0, %dma_wait3A_76, %dma_wait3A_77] : memref<2x10240x128xf32, #tpu.memory_space<hbm>> -> memref<1x10240x128xf32, #tpu.memory_space<hbm>>
      %dma_wait3A_79 = tpu.memref_squeeze %dma_wait3A_78 : memref<1x10240x128xf32, #tpu.memory_space<hbm>> -> memref<10240x128xf32, #tpu.memory_space<hbm>>
      %dma_wait3A_80 = arith.constant 0 : i32
      %dma_wait3A_81 = arith.constant 0 : i32
      %dma_wait3A_82 = tpu.memref_slice %dma_wait3A_79[%dma_wait3A_80, %dma_wait3A_81] : memref<10240x128xf32, #tpu.memory_space<hbm>> -> memref<10240x128xf32, #tpu.memory_space<hbm>>
      tpu.wait_indirect_dma semaphore(%arg14 : memref<!tpu.dma_semaphore, #tpu.memory_space<semaphore_mem>>) src(%dma_wait3A_82 : memref<10240x128xf32, #tpu.memory_space<hbm>>) dst(%arg12 : memref<128x128xf32, #tpu.memory_space<vmem>>)
      %dma_start3A_83 = arith.constant 0 : i32
      %dma_start3A_84 = tpu.memref_slice %arg11[%add3A_62, %dma_start3A_83] : memref<40x128xi32, #tpu.memory_space<vmem>> -> memref<1x128xi32, #tpu.memory_space<vmem>>
      %dma_start3A_85 = tpu.memref_squeeze %dma_start3A_84 : memref<1x128xi32, #tpu.memory_space<vmem>> -> memref<128xi32, #tpu.memory_space<vmem>>
      %dma_start3A_86 = arith.constant 0 : i32
      %dma_start3A_87 = arith.constant 0 : i32
      %dma_start3A_88 = tpu.memref_slice %arg19[%dma_start3A_86, %dma_start3A_87] : memref<10240x128xf32, #tpu.memory_space<vmem_shared>> -> memref<10240x128xf32, #tpu.memory_space<vmem_shared>>
      tpu.enqueue_indirect_dma source(%arg12 : memref<128x128xf32, #tpu.memory_space<vmem>>) target(%dma_start3A_88 : memref<10240x128xf32, #tpu.memory_space<vmem_shared>>) offsets(%dma_start3A_85 : memref<128xi32, #tpu.memory_space<vmem>>) semaphore(%arg16 : memref<!tpu.dma_semaphore, #tpu.memory_space<semaphore_mem>>) {add = true}
      %mul3A_89 = arith.constant 2 : i32
      %mul3A_90 = arith.muli %mul3A_89, %scan3A_58 : i32
      %add3A_91 = arith.constant 1 : i32
      %add3A_92 = arith.addi %mul3A_90, %add3A_91 : i32
      %ge3A_93 = arith.constant 1 : i32
      %ge3A_94 = arith.cmpi sge, %add3A_92, %ge3A_93 : i32
      %convert_element_type3A_95 = arith.extui %ge3A_94 : i1 to i32
      %cond3A_96 = arith.constant 0 : i32
      %cond3A_97 = arith.cmpi ne, %convert_element_type3A_95, %cond3A_96 : i32
      scf.if %cond3A_97 {
        %sub3A = arith.constant 1 : i32
        %sub3A_121 = arith.subi %add3A_92, %sub3A : i32
        %max3A = arith.constant 0 : i32
        %max3A_122 = arith.maxsi %sub3A_121, %max3A : i32
        %dma_wait3A_123 = arith.constant 0 : i32
        %dma_wait3A_124 = tpu.memref_slice %arg11[%max3A_122, %dma_wait3A_123] : memref<40x128xi32, #tpu.memory_space<vmem>> -> memref<1x128xi32, #tpu.memory_space<vmem>>
        %dma_wait3A_125 = tpu.memref_squeeze %dma_wait3A_124 : memref<1x128xi32, #tpu.memory_space<vmem>> -> memref<128xi32, #tpu.memory_space<vmem>>
        %dma_wait3A_126 = arith.constant 0 : i32
        %dma_wait3A_127 = arith.constant 0 : i32
        %dma_wait3A_128 = tpu.memref_slice %arg19[%dma_wait3A_126, %dma_wait3A_127] : memref<10240x128xf32, #tpu.memory_space<vmem_shared>> -> memref<10240x128xf32, #tpu.memory_space<vmem_shared>>
        tpu.wait_indirect_dma semaphore(%arg16 : memref<!tpu.dma_semaphore, #tpu.memory_space<semaphore_mem>>) src(%arg12 : memref<128x128xf32, #tpu.memory_space<vmem>>) dst(%dma_wait3A_128 : memref<10240x128xf32, #tpu.memory_space<vmem_shared>>)
      } else {
      }
      %add3A_98 = arith.constant 1 : i32
      %add3A_99 = arith.addi %add3A_92, %add3A_98 : i32
      %lt3A_100 = arith.constant 40 : i32
      %lt3A_101 = arith.cmpi slt, %add3A_99, %lt3A_100 : i32
      %convert_element_type3A_102 = arith.extui %lt3A_101 : i1 to i32
      %cond3A_103 = arith.constant 0 : i32
      %cond3A_104 = arith.cmpi ne, %convert_element_type3A_102, %cond3A_103 : i32
      scf.if %cond3A_104 {
        %add3A_121 = arith.constant 1 : i32
        %add3A_122 = arith.addi %add3A_92, %add3A_121 : i32
        %dma_start3A_123 = arith.constant 0 : i32
        %dma_start3A_124 = tpu.memref_slice %arg10[%add3A_122, %dma_start3A_123] : memref<40x128xi32, #tpu.memory_space<vmem>> -> memref<1x128xi32, #tpu.memory_space<vmem>>
        %dma_start3A_125 = tpu.memref_squeeze %dma_start3A_124 : memref<1x128xi32, #tpu.memory_space<vmem>> -> memref<128xi32, #tpu.memory_space<vmem>>
        %dma_start3A_126 = arith.constant 0 : i32
        %dma_start3A_127 = arith.constant 0 : i32
        %dma_start3A_128 = tpu.memref_slice %arg2[%arg0, %dma_start3A_126, %dma_start3A_127] : memref<2x10240x128xf32, #tpu.memory_space<hbm>> -> memref<1x10240x128xf32, #tpu.memory_space<hbm>>
        %dma_start3A_129 = tpu.memref_squeeze %dma_start3A_128 : memref<1x10240x128xf32, #tpu.memory_space<hbm>> -> memref<10240x128xf32, #tpu.memory_space<hbm>>
        %dma_start3A_130 = arith.constant 0 : i32
        %dma_start3A_131 = arith.constant 0 : i32
        %dma_start3A_132 = tpu.memref_slice %dma_start3A_129[%dma_start3A_130, %dma_start3A_131] : memref<10240x128xf32, #tpu.memory_space<hbm>> -> memref<10240x128xf32, #tpu.memory_space<hbm>>
        tpu.enqueue_indirect_dma source(%dma_start3A_132 : memref<10240x128xf32, #tpu.memory_space<hbm>>) target(%arg12 : memref<128x128xf32, #tpu.memory_space<vmem>>) offsets(%dma_start3A_125 : memref<128xi32, #tpu.memory_space<vmem>>) semaphore(%arg14 : memref<!tpu.dma_semaphore, #tpu.memory_space<semaphore_mem>>)
      } else {
      }
      %dma_wait3A_105 = arith.constant 0 : i32
      %dma_wait3A_106 = tpu.memref_slice %arg10[%add3A_92, %dma_wait3A_105] : memref<40x128xi32, #tpu.memory_space<vmem>> -> memref<1x128xi32, #tpu.memory_space<vmem>>
      %dma_wait3A_107 = tpu.memref_squeeze %dma_wait3A_106 : memref<1x128xi32, #tpu.memory_space<vmem>> -> memref<128xi32, #tpu.memory_space<vmem>>
      %dma_wait3A_108 = arith.constant 0 : i32
      %dma_wait3A_109 = arith.constant 0 : i32
      %dma_wait3A_110 = tpu.memref_slice %arg2[%arg0, %dma_wait3A_108, %dma_wait3A_109] : memref<2x10240x128xf32, #tpu.memory_space<hbm>> -> memref<1x10240x128xf32, #tpu.memory_space<hbm>>
      %dma_wait3A_111 = tpu.memref_squeeze %dma_wait3A_110 : memref<1x10240x128xf32, #tpu.memory_space<hbm>> -> memref<10240x128xf32, #tpu.memory_space<hbm>>
      %dma_wait3A_112 = arith.constant 0 : i32
      %dma_wait3A_113 = arith.constant 0 : i32
      %dma_wait3A_114 = tpu.memref_slice %dma_wait3A_111[%dma_wait3A_112, %dma_wait3A_113] : memref<10240x128xf32, #tpu.memory_space<hbm>> -> memref<10240x128xf32, #tpu.memory_space<hbm>>
      tpu.wait_indirect_dma semaphore(%arg15 : memref<!tpu.dma_semaphore, #tpu.memory_space<semaphore_mem>>) src(%dma_wait3A_114 : memref<10240x128xf32, #tpu.memory_space<hbm>>) dst(%arg13 : memref<128x128xf32, #tpu.memory_space<vmem>>)
      %dma_start3A_115 = arith.constant 0 : i32
      %dma_start3A_116 = tpu.memref_slice %arg11[%add3A_92, %dma_start3A_115] : memref<40x128xi32, #tpu.memory_space<vmem>> -> memref<1x128xi32, #tpu.memory_space<vmem>>
      %dma_start3A_117 = tpu.memref_squeeze %dma_start3A_116 : memref<1x128xi32, #tpu.memory_space<vmem>> -> memref<128xi32, #tpu.memory_space<vmem>>
      %dma_start3A_118 = arith.constant 0 : i32
      %dma_start3A_119 = arith.constant 0 : i32
      %dma_start3A_120 = tpu.memref_slice %arg19[%dma_start3A_118, %dma_start3A_119] : memref<10240x128xf32, #tpu.memory_space<vmem_shared>> -> memref<10240x128xf32, #tpu.memory_space<vmem_shared>>
      tpu.enqueue_indirect_dma source(%arg13 : memref<128x128xf32, #tpu.memory_space<vmem>>) target(%dma_start3A_120 : memref<10240x128xf32, #tpu.memory_space<vmem_shared>>) offsets(%dma_start3A_117 : memref<128xi32, #tpu.memory_space<vmem>>) semaphore(%arg17 : memref<!tpu.dma_semaphore, #tpu.memory_space<semaphore_mem>>) {add = true}
    }
    %scan3A_45 = arith.constant 20 : i32
    %dma_wait3A_46 = arith.constant 39 : i32
    %dma_wait3A_47 = arith.constant 0 : i32
    %dma_wait3A_48 = tpu.memref_slice %arg11[%dma_wait3A_46, %dma_wait3A_47] : memref<40x128xi32, #tpu.memory_space<vmem>> -> memref<1x128xi32, #tpu.memory_space<vmem>>
    %dma_wait3A_49 = tpu.memref_squeeze %dma_wait3A_48 : memref<1x128xi32, #tpu.memory_space<vmem>> -> memref<128xi32, #tpu.memory_space<vmem>>
    %dma_wait3A_50 = arith.constant 0 : i32
    %dma_wait3A_51 = arith.constant 0 : i32
    %dma_wait3A_52 = tpu.memref_slice %arg19[%dma_wait3A_50, %dma_wait3A_51] : memref<10240x128xf32, #tpu.memory_space<vmem_shared>> -> memref<10240x128xf32, #tpu.memory_space<vmem_shared>>
    tpu.wait_indirect_dma semaphore(%arg17 : memref<!tpu.dma_semaphore, #tpu.memory_space<semaphore_mem>>) src(%arg13 : memref<128x128xf32, #tpu.memory_space<vmem>>) dst(%dma_wait3A_52 : memref<10240x128xf32, #tpu.memory_space<vmem_shared>>)
    %barrier3A_53 = arith.constant 0 : index
    tpu.barrier barrier_id(%barrier3A_53)
    "tpu.region"() ({
      %run_scoped3A = tpu.sem_alloc : memref<!tpu.dma_semaphore, #tpu.memory_space<semaphore_mem>>
      %dma_start3A_58 = arith.constant 0 : i32
      %dma_start3A_59 = tpu.memref_slice %arg8[%arg0, %mul3A_0, %dma_start3A_58] : memref<2x10240x128xf32, #tpu.memory_space<hbm>> -> memref<1x640x128xf32, #tpu.memory_space<hbm>>
      %dma_start3A_60 = tpu.memref_squeeze %dma_start3A_59 : memref<1x640x128xf32, #tpu.memory_space<hbm>> -> memref<640x128xf32, #tpu.memory_space<hbm>>
      %dma_start3A_61 = arith.constant 0 : i32
      %dma_start3A_62 = tpu.memref_slice %arg19[%mul3A_0, %dma_start3A_61] : memref<10240x128xf32, #tpu.memory_space<vmem_shared>> -> memref<640x128xf32, #tpu.memory_space<vmem_shared>>
      tpu.enqueue_dma source(%dma_start3A_62 : memref<640x128xf32, #tpu.memory_space<vmem_shared>>) target(%dma_start3A_60 : memref<640x128xf32, #tpu.memory_space<hbm>>) target_semaphore(%run_scoped3A : memref<!tpu.dma_semaphore, #tpu.memory_space<semaphore_mem>>)
      %dma_wait3A_63 = arith.constant 0 : i32
      %dma_wait3A_64 = tpu.memref_slice %arg8[%arg0, %mul3A_0, %dma_wait3A_63] : memref<2x10240x128xf32, #tpu.memory_space<hbm>> -> memref<1x640x128xf32, #tpu.memory_space<hbm>>
      %dma_wait3A_65 = tpu.memref_squeeze %dma_wait3A_64 : memref<1x640x128xf32, #tpu.memory_space<hbm>> -> memref<640x128xf32, #tpu.memory_space<hbm>>
      %dma_wait3A_66 = arith.constant 0 : i32
      %dma_wait3A_67 = tpu.memref_slice %arg19[%mul3A_0, %dma_wait3A_66] : memref<10240x128xf32, #tpu.memory_space<vmem_shared>> -> memref<640x128xf32, #tpu.memory_space<vmem_shared>>
      tpu.wait_dma2 semaphore(%run_scoped3A : memref<!tpu.dma_semaphore, #tpu.memory_space<semaphore_mem>>) src(%dma_wait3A_67 : memref<640x128xf32, #tpu.memory_space<vmem_shared>>) dst(%dma_wait3A_65 : memref<640x128xf32, #tpu.memory_space<hbm>>)
      tpu.yield
    }) : () -> ()
    "tpu.region"() ({
      %run_scoped3A = tpu.sem_alloc : memref<!tpu.dma_semaphore, #tpu.memory_space<semaphore_mem>>
      tpu.enqueue_dma source(%arg7 : memref<16xi32, #tpu.memory_space<hbm>>) target(%arg18 : memref<16xi32, #tpu.memory_space<vmem>>) target_semaphore(%run_scoped3A : memref<!tpu.dma_semaphore, #tpu.memory_space<semaphore_mem>>)
      tpu.wait_dma2 semaphore(%run_scoped3A : memref<!tpu.dma_semaphore, #tpu.memory_space<semaphore_mem>>) src(%arg7 : memref<16xi32, #tpu.memory_space<hbm>>) dst(%arg18 : memref<16xi32, #tpu.memory_space<vmem>>)
      tpu.yield
    }) : () -> ()
    %get3A = arith.constant 0 : index
    %get3A_54 = tpu.vector_load %arg18[%get3A] {strides = array<i32>} : memref<16xi32, #tpu.memory_space<vmem>>, vector<16xi32>,
    %get3A_55 = vector.shape_cast %get3A_54 : vector<16xi32> to vector<16xi32>
    %slice3A = vector.extract_strided_slice %get3A_55 {offsets = [0], sizes = [1], strides = [1]} : vector<16xi32> to vector<1xi32>
    %squeeze3A = vector.extract %slice3A[0] : i32 from vector<1xi32>
    %gt3A = arith.constant 0 : i32
    %gt3A_56 = arith.cmpi sgt, %squeeze3A, %gt3A : i32
    %convert_element_type3A = arith.extui %gt3A_56 : i1 to i32
    %cond3A = arith.constant 0 : i32
    %cond3A_57 = arith.cmpi ne, %convert_element_type3A, %cond3A : i32
    scf.if %cond3A_57 {
      %scan3A_58 = arith.constant 0 : i32
      %scan3A_59 = arith.constant 0 : i32
      %scan3A_60 = arith.constant 2 : i32
      %scan3A_61 = arith.addi %scan3A_59, %scan3A_60 : i32
      %scan3A_62 = arith.constant 1 : i32
      scf.for %scan3A_76 = %scan3A_59 to %scan3A_61 step %scan3A_62  : i32 {
        %mul3A_77 = arith.constant 2 : i32
        %mul3A_78 = arith.muli %mul3A_77, %scan3A_76 : i32
        %mul3A_79 = arith.constant 128 : i32
        %mul3A_80 = arith.muli %mul3A_78, %mul3A_79 : i32
        %add3A_81 = arith.addi %mul3A_0, %mul3A_80 : i32
        %dma_start3A_82 = arith.constant 0 : i32
        %dma_start3A_83 = tpu.memref_slice %arg19[%add3A_81, %dma_start3A_82] : memref<10240x128xf32, #tpu.memory_space<vmem_shared>> -> memref<128x128xf32, #tpu.memory_space<vmem_shared>>
        tpu.enqueue_dma source(%arg5 : memref<128x128xf32, #tpu.memory_space<hbm>>) target(%dma_start3A_83 : memref<128x128xf32, #tpu.memory_space<vmem_shared>>) target_semaphore(%arg14 : memref<!tpu.dma_semaphore, #tpu.memory_space<semaphore_mem>>)
        %mul3A_84 = arith.constant 2 : i32
        %mul3A_85 = arith.muli %mul3A_84, %scan3A_76 : i32
        %add3A_86 = arith.constant 1 : i32
        %add3A_87 = arith.addi %mul3A_85, %add3A_86 : i32
        %mul3A_88 = arith.constant 128 : i32
        %mul3A_89 = arith.muli %add3A_87, %mul3A_88 : i32
        %add3A_90 = arith.addi %mul3A_0, %mul3A_89 : i32
        %dma_start3A_91 = arith.constant 0 : i32
        %dma_start3A_92 = tpu.memref_slice %arg19[%add3A_90, %dma_start3A_91] : memref<10240x128xf32, #tpu.memory_space<vmem_shared>> -> memref<128x128xf32, #tpu.memory_space<vmem_shared>>
        tpu.enqueue_dma source(%arg5 : memref<128x128xf32, #tpu.memory_space<hbm>>) target(%dma_start3A_92 : memref<128x128xf32, #tpu.memory_space<vmem_shared>>) target_semaphore(%arg15 : memref<!tpu.dma_semaphore, #tpu.memory_space<semaphore_mem>>)
        %dma_wait3A_93 = arith.constant 0 : i32
        %dma_wait3A_94 = tpu.memref_slice %arg19[%add3A_81, %dma_wait3A_93] : memref<10240x128xf32, #tpu.memory_space<vmem_shared>> -> memref<128x128xf32, #tpu.memory_space<vmem_shared>>
        tpu.wait_dma2 semaphore(%arg14 : memref<!tpu.dma_semaphore, #tpu.memory_space<semaphore_mem>>) src(%arg5 : memref<128x128xf32, #tpu.memory_space<hbm>>) dst(%dma_wait3A_94 : memref<128x128xf32, #tpu.memory_space<vmem_shared>>)
        %dma_wait3A_95 = arith.constant 0 : i32
        %dma_wait3A_96 = tpu.memref_slice %arg19[%add3A_90, %dma_wait3A_95] : memref<10240x128xf32, #tpu.memory_space<vmem_shared>> -> memref<128x128xf32, #tpu.memory_space<vmem_shared>>
        tpu.wait_dma2 semaphore(%arg15 : memref<!tpu.dma_semaphore, #tpu.memory_space<semaphore_mem>>) src(%arg5 : memref<128x128xf32, #tpu.memory_space<hbm>>) dst(%dma_wait3A_96 : memref<128x128xf32, #tpu.memory_space<vmem_shared>>)
      }
      %scan3A_63 = arith.constant 2 : i32
      %add3A_64 = arith.constant 512 : i32
      %add3A_65 = arith.addi %mul3A_0, %add3A_64 : i32
      "tpu.region"() ({
        %run_scoped3A = tpu.sem_alloc : memref<!tpu.dma_semaphore, #tpu.memory_space<semaphore_mem>>
        %dma_start3A_76 = arith.constant 0 : i32
        %dma_start3A_77 = tpu.memref_slice %arg19[%add3A_65, %dma_start3A_76] : memref<10240x128xf32, #tpu.memory_space<vmem_shared>> -> memref<128x128xf32, #tpu.memory_space<vmem_shared>>
        tpu.enqueue_dma source(%arg5 : memref<128x128xf32, #tpu.memory_space<hbm>>) target(%dma_start3A_77 : memref<128x128xf32, #tpu.memory_space<vmem_shared>>) target_semaphore(%run_scoped3A : memref<!tpu.dma_semaphore, #tpu.memory_space<semaphore_mem>>)
        %dma_wait3A_78 = arith.constant 0 : i32
        %dma_wait3A_79 = tpu.memref_slice %arg19[%add3A_65, %dma_wait3A_78] : memref<10240x128xf32, #tpu.memory_space<vmem_shared>> -> memref<128x128xf32, #tpu.memory_space<vmem_shared>>
        tpu.wait_dma2 semaphore(%run_scoped3A : memref<!tpu.dma_semaphore, #tpu.memory_space<semaphore_mem>>) src(%arg5 : memref<128x128xf32, #tpu.memory_space<hbm>>) dst(%dma_wait3A_79 : memref<128x128xf32, #tpu.memory_space<vmem_shared>>)
        tpu.yield
      }) : () -> ()
      "tpu.region"() ({
        %run_scoped3A = tpu.sem_alloc : memref<!tpu.dma_semaphore, #tpu.memory_space<semaphore_mem>>
        tpu.enqueue_dma source(%arg6 : memref<128x128xf32, #tpu.memory_space<hbm>>) target(%arg12 : memref<128x128xf32, #tpu.memory_space<vmem>>) target_semaphore(%run_scoped3A : memref<!tpu.dma_semaphore, #tpu.memory_space<semaphore_mem>>)
        tpu.wait_dma2 semaphore(%run_scoped3A : memref<!tpu.dma_semaphore, #tpu.memory_space<semaphore_mem>>) src(%arg6 : memref<128x128xf32, #tpu.memory_space<hbm>>) dst(%arg12 : memref<128x128xf32, #tpu.memory_space<vmem>>)
        tpu.yield
      }) : () -> ()
      %mul3A_66 = arith.constant 40 : i32
      %mul3A_67 = arith.muli %arg0, %mul3A_66 : i32
      "tpu.region"() ({
        %run_scoped3A = tpu.sem_alloc : memref<!tpu.dma_semaphore, #tpu.memory_space<semaphore_mem>>
        %dma_start3A_76 = arith.constant 0 : i32
        %dma_start3A_77 = tpu.memref_slice %arg4[%arg1, %mul3A_67, %dma_start3A_76] : memref<16x80x128xi32, #tpu.memory_space<hbm>> -> memref<1x40x128xi32, #tpu.memory_space<hbm>>
        %dma_start3A_78 = tpu.memref_squeeze %dma_start3A_77 : memref<1x40x128xi32, #tpu.memory_space<hbm>> -> memref<40x128xi32, #tpu.memory_space<hbm>>
        %dma_start3A_79 = arith.constant 0 : i32
        %dma_start3A_80 = tpu.memref_slice %arg4[%arg1, %mul3A_67, %dma_start3A_79] : memref<16x80x128xi32, #tpu.memory_space<hbm>> -> memref<1x40x128xi32, #tpu.memory_space<hbm>>
        %dma_start3A_81 = tpu.memref_squeeze %dma_start3A_80 : memref<1x40x128xi32, #tpu.memory_space<hbm>> -> memref<40x128xi32, #tpu.memory_space<hbm>>
        tpu.enqueue_dma source(%dma_start3A_81 : memref<40x128xi32, #tpu.memory_space<hbm>>) target(%arg11 : memref<40x128xi32, #tpu.memory_space<vmem>>) target_semaphore(%run_scoped3A : memref<!tpu.dma_semaphore, #tpu.memory_space<semaphore_mem>>)
        %dma_wait3A_82 = arith.constant 0 : i32
        %dma_wait3A_83 = tpu.memref_slice %arg4[%arg1, %mul3A_67, %dma_wait3A_82] : memref<16x80x128xi32, #tpu.memory_space<hbm>> -> memref<1x40x128xi32, #tpu.memory_space<hbm>>
        %dma_wait3A_84 = tpu.memref_squeeze %dma_wait3A_83 : memref<1x40x128xi32, #tpu.memory_space<hbm>> -> memref<40x128xi32, #tpu.memory_space<hbm>>
        %dma_wait3A_85 = arith.constant 0 : i32
        %dma_wait3A_86 = tpu.memref_slice %arg4[%arg1, %mul3A_67, %dma_wait3A_85] : memref<16x80x128xi32, #tpu.memory_space<hbm>> -> memref<1x40x128xi32, #tpu.memory_space<hbm>>
        %dma_wait3A_87 = tpu.memref_squeeze %dma_wait3A_86 : memref<1x40x128xi32, #tpu.memory_space<hbm>> -> memref<40x128xi32, #tpu.memory_space<hbm>>
        tpu.wait_dma2 semaphore(%run_scoped3A : memref<!tpu.dma_semaphore, #tpu.memory_space<semaphore_mem>>) src(%dma_wait3A_87 : memref<40x128xi32, #tpu.memory_space<hbm>>) dst(%arg11 : memref<40x128xi32, #tpu.memory_space<vmem>>)
        tpu.yield
      }) : () -> ()
      %barrier3A_68 = arith.constant 0 : index
      tpu.barrier barrier_id(%barrier3A_68)
      %scan3A_69 = arith.constant 0 : i32
      %scan3A_70 = arith.constant 0 : i32
      %scan3A_71 = arith.constant 20 : i32
      %scan3A_72 = arith.addi %scan3A_70, %scan3A_71 : i32
      %scan3A_73 = arith.constant 1 : i32
      scf.for %scan3A_76 = %scan3A_70 to %scan3A_72 step %scan3A_73  : i32 {
        %mul3A_77 = arith.constant 2 : i32
        %mul3A_78 = arith.muli %mul3A_77, %scan3A_76 : i32
        %add3A_79 = arith.constant 0 : i32
        %add3A_80 = arith.addi %mul3A_78, %add3A_79 : i32
        %dma_start3A_81 = arith.constant 0 : i32
        %dma_start3A_82 = tpu.memref_slice %arg11[%add3A_80, %dma_start3A_81] : memref<40x128xi32, #tpu.memory_space<vmem>> -> memref<1x128xi32, #tpu.memory_space<vmem>>
        %dma_start3A_83 = tpu.memref_squeeze %dma_start3A_82 : memref<1x128xi32, #tpu.memory_space<vmem>> -> memref<128xi32, #tpu.memory_space<vmem>>
        %dma_start3A_84 = arith.constant 0 : i32
        %dma_start3A_85 = arith.constant 0 : i32
        %dma_start3A_86 = tpu.memref_slice %arg19[%dma_start3A_84, %dma_start3A_85] : memref<10240x128xf32, #tpu.memory_space<vmem_shared>> -> memref<10240x128xf32, #tpu.memory_space<vmem_shared>>
        tpu.enqueue_indirect_dma source(%arg12 : memref<128x128xf32, #tpu.memory_space<vmem>>) target(%dma_start3A_86 : memref<10240x128xf32, #tpu.memory_space<vmem_shared>>) offsets(%dma_start3A_83 : memref<128xi32, #tpu.memory_space<vmem>>) semaphore(%arg16 : memref<!tpu.dma_semaphore, #tpu.memory_space<semaphore_mem>>) {add = true}
        %mul3A_87 = arith.constant 2 : i32
        %mul3A_88 = arith.muli %mul3A_87, %scan3A_76 : i32
        %add3A_89 = arith.constant 1 : i32
        %add3A_90 = arith.addi %mul3A_88, %add3A_89 : i32
        %dma_start3A_91 = arith.constant 0 : i32
        %dma_start3A_92 = tpu.memref_slice %arg11[%add3A_90, %dma_start3A_91] : memref<40x128xi32, #tpu.memory_space<vmem>> -> memref<1x128xi32, #tpu.memory_space<vmem>>
        %dma_start3A_93 = tpu.memref_squeeze %dma_start3A_92 : memref<1x128xi32, #tpu.memory_space<vmem>> -> memref<128xi32, #tpu.memory_space<vmem>>
        %dma_start3A_94 = arith.constant 0 : i32
        %dma_start3A_95 = arith.constant 0 : i32
        %dma_start3A_96 = tpu.memref_slice %arg19[%dma_start3A_94, %dma_start3A_95] : memref<10240x128xf32, #tpu.memory_space<vmem_shared>> -> memref<10240x128xf32, #tpu.memory_space<vmem_shared>>
        tpu.enqueue_indirect_dma source(%arg12 : memref<128x128xf32, #tpu.memory_space<vmem>>) target(%dma_start3A_96 : memref<10240x128xf32, #tpu.memory_space<vmem_shared>>) offsets(%dma_start3A_93 : memref<128xi32, #tpu.memory_space<vmem>>) semaphore(%arg17 : memref<!tpu.dma_semaphore, #tpu.memory_space<semaphore_mem>>) {add = true}
        %mul3A_97 = arith.constant 2 : i32
        %mul3A_98 = arith.muli %mul3A_97, %scan3A_76 : i32
        %add3A_99 = arith.constant 0 : i32
        %add3A_100 = arith.addi %mul3A_98, %add3A_99 : i32
        %dma_wait3A_101 = arith.constant 0 : i32
        %dma_wait3A_102 = tpu.memref_slice %arg11[%add3A_100, %dma_wait3A_101] : memref<40x128xi32, #tpu.memory_space<vmem>> -> memref<1x128xi32, #tpu.memory_space<vmem>>
        %dma_wait3A_103 = tpu.memref_squeeze %dma_wait3A_102 : memref<1x128xi32, #tpu.memory_space<vmem>> -> memref<128xi32, #tpu.memory_space<vmem>>
        %dma_wait3A_104 = arith.constant 0 : i32
        %dma_wait3A_105 = arith.constant 0 : i32
        %dma_wait3A_106 = tpu.memref_slice %arg19[%dma_wait3A_104, %dma_wait3A_105] : memref<10240x128xf32, #tpu.memory_space<vmem_shared>> -> memref<10240x128xf32, #tpu.memory_space<vmem_shared>>
        tpu.wait_indirect_dma semaphore(%arg16 : memref<!tpu.dma_semaphore, #tpu.memory_space<semaphore_mem>>) src(%arg12 : memref<128x128xf32, #tpu.memory_space<vmem>>) dst(%dma_wait3A_106 : memref<10240x128xf32, #tpu.memory_space<vmem_shared>>)
        %mul3A_107 = arith.constant 2 : i32
        %mul3A_108 = arith.muli %mul3A_107, %scan3A_76 : i32
        %add3A_109 = arith.constant 1 : i32
        %add3A_110 = arith.addi %mul3A_108, %add3A_109 : i32
        %dma_wait3A_111 = arith.constant 0 : i32
        %dma_wait3A_112 = tpu.memref_slice %arg11[%add3A_110, %dma_wait3A_111] : memref<40x128xi32, #tpu.memory_space<vmem>> -> memref<1x128xi32, #tpu.memory_space<vmem>>
        %dma_wait3A_113 = tpu.memref_squeeze %dma_wait3A_112 : memref<1x128xi32, #tpu.memory_space<vmem>> -> memref<128xi32, #tpu.memory_space<vmem>>
        %dma_wait3A_114 = arith.constant 0 : i32
        %dma_wait3A_115 = arith.constant 0 : i32
        %dma_wait3A_116 = tpu.memref_slice %arg19[%dma_wait3A_114, %dma_wait3A_115] : memref<10240x128xf32, #tpu.memory_space<vmem_shared>> -> memref<10240x128xf32, #tpu.memory_space<vmem_shared>>
        tpu.wait_indirect_dma semaphore(%arg17 : memref<!tpu.dma_semaphore, #tpu.memory_space<semaphore_mem>>) src(%arg12 : memref<128x128xf32, #tpu.memory_space<vmem>>) dst(%dma_wait3A_116 : memref<10240x128xf32, #tpu.memory_space<vmem_shared>>)
      }
      %scan3A_74 = arith.constant 20 : i32
      %barrier3A_75 = arith.constant 0 : index
      tpu.barrier barrier_id(%barrier3A_75)
      "tpu.region"() ({
        %run_scoped3A = tpu.sem_alloc : memref<!tpu.dma_semaphore, #tpu.memory_space<semaphore_mem>>
        %dma_start3A_76 = arith.constant 0 : i32
        %dma_start3A_77 = tpu.memref_slice %arg9[%arg0, %mul3A_0, %dma_start3A_76] : memref<2x10240x128xf32, #tpu.memory_space<hbm>> -> memref<1x640x128xf32, #tpu.memory_space<hbm>>
        %dma_start3A_78 = tpu.memref_squeeze %dma_start3A_77 : memref<1x640x128xf32, #tpu.memory_space<hbm>> -> memref<640x128xf32, #tpu.memory_space<hbm>>
        %dma_start3A_79 = arith.constant 0 : i32
        %dma_start3A_80 = tpu.memref_slice %arg19[%mul3A_0, %dma_start3A_79] : memref<10240x128xf32, #tpu.memory_space<vmem_shared>> -> memref<640x128xf32, #tpu.memory_space<vmem_shared>>
        tpu.enqueue_dma source(%dma_start3A_80 : memref<640x128xf32, #tpu.memory_space<vmem_shared>>) target(%dma_start3A_78 : memref<640x128xf32, #tpu.memory_space<hbm>>) target_semaphore(%run_scoped3A : memref<!tpu.dma_semaphore, #tpu.memory_space<semaphore_mem>>)
        %dma_wait3A_81 = arith.constant 0 : i32
        %dma_wait3A_82 = tpu.memref_slice %arg9[%arg0, %mul3A_0, %dma_wait3A_81] : memref<2x10240x128xf32, #tpu.memory_space<hbm>> -> memref<1x640x128xf32, #tpu.memory_space<hbm>>
        %dma_wait3A_83 = tpu.memref_squeeze %dma_wait3A_82 : memref<1x640x128xf32, #tpu.memory_space<hbm>> -> memref<640x128xf32, #tpu.memory_space<hbm>>
        %dma_wait3A_84 = arith.constant 0 : i32
        %dma_wait3A_85 = tpu.memref_slice %arg19[%mul3A_0, %dma_wait3A_84] : memref<10240x128xf32, #tpu.memory_space<vmem_shared>> -> memref<640x128xf32, #tpu.memory_space<vmem_shared>>
        tpu.wait_dma2 semaphore(%run_scoped3A : memref<!tpu.dma_semaphore, #tpu.memory_space<semaphore_mem>>) src(%dma_wait3A_85 : memref<640x128xf32, #tpu.memory_space<vmem_shared>>) dst(%dma_wait3A_83 : memref<640x128xf32, #tpu.memory_space<hbm>>)
        tpu.yield
      }) : () -> ()
    } else {
    }
    return
  }
}

#map = affine_map<(d0, d1) -> (0, 0, 0)>
#map1 = affine_map<(d0, d1) -> (0, 0)>
#map2 = affine_map<(d0, d1) -> (0)>
module attributes {stable_mosaic.version = 14 : i64} {
  func.func @_seg_sum_body(%arg0: i32, %arg1: i32, %arg2: memref<2x10240x128xf32, #tpu.memory_space<hbm>>, %arg3: memref<16x80x128xi32, #tpu.memory_space<hbm>>, %arg4: memref<16x80x128xi32, #tpu.memory_space<hbm>>, %arg5: memref<128x128xf32, #tpu.memory_space<hbm>>, %arg6: memref<128x128xf32, #tpu.memory_space<hbm>>, %arg7: memref<16xi32, #tpu.memory_space<hbm>>, %arg8: memref<2x10240x128xf32, #tpu.memory_space<hbm>>, %arg9: memref<2x10240x128xf32, #tpu.memory_space<hbm>>, %arg10: memref<40x128xi32, #tpu.memory_space<vmem>>, %arg11: memref<40x128xi32, #tpu.memory_space<vmem>>, %arg12: memref<128x128xf32, #tpu.memory_space<vmem>>, %arg13: memref<128x128xf32, #tpu.memory_space<vmem>>, %arg14: memref<!tpu.dma_semaphore, #tpu.memory_space<semaphore_mem>>, %arg15: memref<!tpu.dma_semaphore, #tpu.memory_space<semaphore_mem>>, %arg16: memref<!tpu.dma_semaphore, #tpu.memory_space<semaphore_mem>>, %arg17: memref<!tpu.dma_semaphore, #tpu.memory_space<semaphore_mem>>, %arg18: memref<16xi32, #tpu.memory_space<vmem>>, %arg19: memref<10240x128xf32, #tpu.memory_space<vmem_shared>>) attributes {dimension_semantics = [#tpu.dimension_semantics<core_parallel>, #tpu.dimension_semantics<subcore_parallel>], iteration_bounds = array<i64: 2, 16>, scalar_prefetch = 0 : i64, scratch_operands = 10 : i64, tpu.core_type = #tpu.core_type<sc_vector_subcore>, window_params = [{transform_indices = #map}, {transform_indices = #map}, {transform_indices = #map}, {transform_indices = #map1}, {transform_indices = #map1}, {transform_indices = #map2}, {transform_indices = #map}, {transform_indices = #map}]} {
    %mul3A = arith.constant 640 : i32
    %mul3A_0 = arith.muli %arg1, %mul3A : i32
    %scan3A = arith.constant 0 : i32
    %scan3A_1 = arith.constant 0 : i32
    %scan3A_2 = arith.constant 2 : i32
    %scan3A_3 = arith.addi %scan3A_1, %scan3A_2 : i32
    %scan3A_4 = arith.constant 1 : i32
    scf.for %scan3A_58 = %scan3A_1 to %scan3A_3 step %scan3A_4  : i32 {
      %mul3A_59 = arith.constant 2 : i32
      %mul3A_60 = arith.muli %mul3A_59, %scan3A_58 : i32
      %mul3A_61 = arith.constant 128 : i32
      %mul3A_62 = arith.muli %mul3A_60, %mul3A_61 : i32
      %add3A_63 = arith.addi %mul3A_0, %mul3A_62 : i32
      %dma_start3A_64 = arith.constant 0 : i32
      %dma_start3A_65 = tpu.memref_slice %arg19[%add3A_63, %dma_start3A_64] : memref<10240x128xf32, #tpu.memory_space<vmem_shared>> -> memref<128x128xf32, #tpu.memory_space<vmem_shared>>
      tpu.enqueue_dma source(%arg5 : memref<128x128xf32, #tpu.memory_space<hbm>>) target(%dma_start3A_65 : memref<128x128xf32, #tpu.memory_space<vmem_shared>>) target_semaphore(%arg14 : memref<!tpu.dma_semaphore, #tpu.memory_space<semaphore_mem>>)
      %mul3A_66 = arith.constant 2 : i32
      %mul3A_67 = arith.muli %mul3A_66, %scan3A_58 : i32
      %add3A_68 = arith.constant 1 : i32
      %add3A_69 = arith.addi %mul3A_67, %add3A_68 : i32
      %mul3A_70 = arith.constant 128 : i32
      %mul3A_71 = arith.muli %add3A_69, %mul3A_70 : i32
      %add3A_72 = arith.addi %mul3A_0, %mul3A_71 : i32
      %dma_start3A_73 = arith.constant 0 : i32
      %dma_start3A_74 = tpu.memref_slice %arg19[%add3A_72, %dma_start3A_73] : memref<10240x128xf32, #tpu.memory_space<vmem_shared>> -> memref<128x128xf32, #tpu.memory_space<vmem_shared>>
      tpu.enqueue_dma source(%arg5 : memref<128x128xf32, #tpu.memory_space<hbm>>) target(%dma_start3A_74 : memref<128x128xf32, #tpu.memory_space<vmem_shared>>) target_semaphore(%arg15 : memref<!tpu.dma_semaphore, #tpu.memory_space<semaphore_mem>>)
      %dma_wait3A_75 = arith.constant 0 : i32
      %dma_wait3A_76 = tpu.memref_slice %arg19[%add3A_63, %dma_wait3A_75] : memref<10240x128xf32, #tpu.memory_space<vmem_shared>> -> memref<128x128xf32, #tpu.memory_space<vmem_shared>>
      tpu.wait_dma2 semaphore(%arg14 : memref<!tpu.dma_semaphore, #tpu.memory_space<semaphore_mem>>) src(%arg5 : memref<128x128xf32, #tpu.memory_space<hbm>>) dst(%dma_wait3A_76 : memref<128x128xf32, #tpu.memory_space<vmem_shared>>)
      %dma_wait3A_77 = arith.constant 0 : i32
      %dma_wait3A_78 = tpu.memref_slice %arg19[%add3A_72, %dma_wait3A_77] : memref<10240x128xf32, #tpu.memory_space<vmem_shared>> -> memref<128x128xf32, #tpu.memory_space<vmem_shared>>
      tpu.wait_dma2 semaphore(%arg15 : memref<!tpu.dma_semaphore, #tpu.memory_space<semaphore_mem>>) src(%arg5 : memref<128x128xf32, #tpu.memory_space<hbm>>) dst(%dma_wait3A_78 : memref<128x128xf32, #tpu.memory_space<vmem_shared>>)
    }
    %scan3A_5 = arith.constant 2 : i32
    %add3A = arith.constant 512 : i32
    %add3A_6 = arith.addi %mul3A_0, %add3A : i32
    "tpu.region"() ({
      %run_scoped3A = tpu.sem_alloc : memref<!tpu.dma_semaphore, #tpu.memory_space<semaphore_mem>>
      %dma_start3A_58 = arith.constant 0 : i32
      %dma_start3A_59 = tpu.memref_slice %arg19[%add3A_6, %dma_start3A_58] : memref<10240x128xf32, #tpu.memory_space<vmem_shared>> -> memref<128x128xf32, #tpu.memory_space<vmem_shared>>
      tpu.enqueue_dma source(%arg5 : memref<128x128xf32, #tpu.memory_space<hbm>>) target(%dma_start3A_59 : memref<128x128xf32, #tpu.memory_space<vmem_shared>>) target_semaphore(%run_scoped3A : memref<!tpu.dma_semaphore, #tpu.memory_space<semaphore_mem>>)
      %dma_wait3A_60 = arith.constant 0 : i32
      %dma_wait3A_61 = tpu.memref_slice %arg19[%add3A_6, %dma_wait3A_60] : memref<10240x128xf32, #tpu.memory_space<vmem_shared>> -> memref<128x128xf32, #tpu.memory_space<vmem_shared>>
      tpu.wait_dma2 semaphore(%run_scoped3A : memref<!tpu.dma_semaphore, #tpu.memory_space<semaphore_mem>>) src(%arg5 : memref<128x128xf32, #tpu.memory_space<hbm>>) dst(%dma_wait3A_61 : memref<128x128xf32, #tpu.memory_space<vmem_shared>>)
      tpu.yield
    }) : () -> ()
    "tpu.region"() ({
      %run_scoped3A = tpu.sem_alloc : memref<!tpu.dma_semaphore, #tpu.memory_space<semaphore_mem>>
      %dma_start3A_58 = arith.constant 0 : i32
      %dma_start3A_59 = arith.constant 0 : i32
      %dma_start3A_60 = tpu.memref_slice %arg3[%arg1, %dma_start3A_58, %dma_start3A_59] : memref<16x80x128xi32, #tpu.memory_space<hbm>> -> memref<1x40x128xi32, #tpu.memory_space<hbm>>
      %dma_start3A_61 = tpu.memref_squeeze %dma_start3A_60 : memref<1x40x128xi32, #tpu.memory_space<hbm>> -> memref<40x128xi32, #tpu.memory_space<hbm>>
      %dma_start3A_62 = arith.constant 0 : i32
      %dma_start3A_63 = arith.constant 0 : i32
      %dma_start3A_64 = tpu.memref_slice %arg3[%arg1, %dma_start3A_62, %dma_start3A_63] : memref<16x80x128xi32, #tpu.memory_space<hbm>> -> memref<1x40x128xi32, #tpu.memory_space<hbm>>
      %dma_start3A_65 = tpu.memref_squeeze %dma_start3A_64 : memref<1x40x128xi32, #tpu.memory_space<hbm>> -> memref<40x128xi32, #tpu.memory_space<hbm>>
      tpu.enqueue_dma source(%dma_start3A_65 : memref<40x128xi32, #tpu.memory_space<hbm>>) target(%arg10 : memref<40x128xi32, #tpu.memory_space<vmem>>) target_semaphore(%run_scoped3A : memref<!tpu.dma_semaphore, #tpu.memory_space<semaphore_mem>>)
      %dma_wait3A_66 = arith.constant 0 : i32
      %dma_wait3A_67 = arith.constant 0 : i32
      %dma_wait3A_68 = tpu.memref_slice %arg3[%arg1, %dma_wait3A_66, %dma_wait3A_67] : memref<16x80x128xi32, #tpu.memory_space<hbm>> -> memref<1x40x128xi32, #tpu.memory_space<hbm>>
      %dma_wait3A_69 = tpu.memref_squeeze %dma_wait3A_68 : memref<1x40x128xi32, #tpu.memory_space<hbm>> -> memref<40x128xi32, #tpu.memory_space<hbm>>
      %dma_wait3A_70 = arith.constant 0 : i32
      %dma_wait3A_71 = arith.constant 0 : i32
      %dma_wait3A_72 = tpu.memref_slice %arg3[%arg1, %dma_wait3A_70, %dma_wait3A_71] : memref<16x80x128xi32, #tpu.memory_space<hbm>> -> memref<1x40x128xi32, #tpu.memory_space<hbm>>
      %dma_wait3A_73 = tpu.memref_squeeze %dma_wait3A_72 : memref<1x40x128xi32, #tpu.memory_space<hbm>> -> memref<40x128xi32, #tpu.memory_space<hbm>>
      tpu.wait_dma2 semaphore(%run_scoped3A : memref<!tpu.dma_semaphore, #tpu.memory_space<semaphore_mem>>) src(%dma_wait3A_73 : memref<40x128xi32, #tpu.memory_space<hbm>>) dst(%arg10 : memref<40x128xi32, #tpu.memory_space<vmem>>)
      tpu.yield
    }) : () -> ()
    "tpu.region"() ({
      %run_scoped3A = tpu.sem_alloc : memref<!tpu.dma_semaphore, #tpu.memory_space<semaphore_mem>>
      %dma_start3A_58 = arith.constant 0 : i32
      %dma_start3A_59 = arith.constant 0 : i32
      %dma_start3A_60 = tpu.memref_slice %arg4[%arg1, %dma_start3A_58, %dma_start3A_59] : memref<16x80x128xi32, #tpu.memory_space<hbm>> -> memref<1x40x128xi32, #tpu.memory_space<hbm>>
      %dma_start3A_61 = tpu.memref_squeeze %dma_start3A_60 : memref<1x40x128xi32, #tpu.memory_space<hbm>> -> memref<40x128xi32, #tpu.memory_space<hbm>>
      %dma_start3A_62 = arith.constant 0 : i32
      %dma_start3A_63 = arith.constant 0 : i32
      %dma_start3A_64 = tpu.memref_slice %arg4[%arg1, %dma_start3A_62, %dma_start3A_63] : memref<16x80x128xi32, #tpu.memory_space<hbm>> -> memref<1x40x128xi32, #tpu.memory_space<hbm>>
      %dma_start3A_65 = tpu.memref_squeeze %dma_start3A_64 : memref<1x40x128xi32, #tpu.memory_space<hbm>> -> memref<40x128xi32, #tpu.memory_space<hbm>>
      tpu.enqueue_dma source(%dma_start3A_65 : memref<40x128xi32, #tpu.memory_space<hbm>>) target(%arg11 : memref<40x128xi32, #tpu.memory_space<vmem>>) target_semaphore(%run_scoped3A : memref<!tpu.dma_semaphore, #tpu.memory_space<semaphore_mem>>)
      %dma_wait3A_66 = arith.constant 0 : i32
      %dma_wait3A_67 = arith.constant 0 : i32
      %dma_wait3A_68 = tpu.memref_slice %arg4[%arg1, %dma_wait3A_66, %dma_wait3A_67] : memref<16x80x128xi32, #tpu.memory_space<hbm>> -> memref<1x40x128xi32, #tpu.memory_space<hbm>>
      %dma_wait3A_69 = tpu.memref_squeeze %dma_wait3A_68 : memref<1x40x128xi32, #tpu.memory_space<hbm>> -> memref<40x128xi32, #tpu.memory_space<hbm>>
      %dma_wait3A_70 = arith.constant 0 : i32
      %dma_wait3A_71 = arith.constant 0 : i32
      %dma_wait3A_72 = tpu.memref_slice %arg4[%arg1, %dma_wait3A_70, %dma_wait3A_71] : memref<16x80x128xi32, #tpu.memory_space<hbm>> -> memref<1x40x128xi32, #tpu.memory_space<hbm>>
      %dma_wait3A_73 = tpu.memref_squeeze %dma_wait3A_72 : memref<1x40x128xi32, #tpu.memory_space<hbm>> -> memref<40x128xi32, #tpu.memory_space<hbm>>
      tpu.wait_dma2 semaphore(%run_scoped3A : memref<!tpu.dma_semaphore, #tpu.memory_space<semaphore_mem>>) src(%dma_wait3A_73 : memref<40x128xi32, #tpu.memory_space<hbm>>) dst(%arg11 : memref<40x128xi32, #tpu.memory_space<vmem>>)
      tpu.yield
    }) : () -> ()
    %barrier3A = arith.constant 0 : index
    tpu.barrier barrier_id(%barrier3A)
    %dma_start3A = arith.constant 0 : i32
    %dma_start3A_7 = arith.constant 0 : i32
    %dma_start3A_8 = tpu.memref_slice %arg10[%dma_start3A, %dma_start3A_7] : memref<40x128xi32, #tpu.memory_space<vmem>> -> memref<1x128xi32, #tpu.memory_space<vmem>>
    %dma_start3A_9 = tpu.memref_squeeze %dma_start3A_8 : memref<1x128xi32, #tpu.memory_space<vmem>> -> memref<128xi32, #tpu.memory_space<vmem>>
    %dma_start3A_10 = arith.constant 0 : i32
    %dma_start3A_11 = arith.constant 0 : i32
    %dma_start3A_12 = tpu.memref_slice %arg2[%arg0, %dma_start3A_10, %dma_start3A_11] : memref<2x10240x128xf32, #tpu.memory_space<hbm>> -> memref<1x10240x128xf32, #tpu.memory_space<hbm>>
    %dma_start3A_13 = tpu.memref_squeeze %dma_start3A_12 : memref<1x10240x128xf32, #tpu.memory_space<hbm>> -> memref<10240x128xf32, #tpu.memory_space<hbm>>
    %dma_start3A_14 = arith.constant 0 : i32
    %dma_start3A_15 = arith.constant 0 : i32
    %dma_start3A_16 = tpu.memref_slice %dma_start3A_13[%dma_start3A_14, %dma_start3A_15] : memref<10240x128xf32, #tpu.memory_space<hbm>> -> memref<10240x128xf32, #tpu.memory_space<hbm>>
    tpu.enqueue_indirect_dma source(%dma_start3A_16 : memref<10240x128xf32, #tpu.memory_space<hbm>>) target(%arg12 : memref<128x128xf32, #tpu.memory_space<vmem>>) offsets(%dma_start3A_9 : memref<128xi32, #tpu.memory_space<vmem>>) semaphore(%arg14 : memref<!tpu.dma_semaphore, #tpu.memory_space<semaphore_mem>>)
    %scan3A_17 = arith.constant 0 : i32
    %scan3A_18 = arith.constant 0 : i32
    %scan3A_19 = arith.constant 20 : i32
    %scan3A_20 = arith.addi %scan3A_18, %scan3A_19 : i32
    %scan3A_21 = arith.constant 1 : i32
    scf.for %scan3A_58 = %scan3A_18 to %scan3A_20 step %scan3A_21  : i32 {
      %mul3A_59 = arith.constant 2 : i32
      %mul3A_60 = arith.muli %mul3A_59, %scan3A_58 : i32
      %add3A_61 = arith.constant 0 : i32
      %add3A_62 = arith.addi %mul3A_60, %add3A_61 : i32
      %ge3A = arith.constant 1 : i32
      %ge3A_63 = arith.cmpi sge, %add3A_62, %ge3A : i32
      %convert_element_type3A_64 = arith.extui %ge3A_63 : i1 to i32
      %cond3A_65 = arith.constant 0 : i32
      %cond3A_66 = arith.cmpi ne, %convert_element_type3A_64, %cond3A_65 : i32
      scf.if %cond3A_66 {
        %sub3A = arith.constant 1 : i32
        %sub3A_121 = arith.subi %add3A_62, %sub3A : i32
        %max3A = arith.constant 0 : i32
        %max3A_122 = arith.maxsi %sub3A_121, %max3A : i32
        %dma_wait3A_123 = arith.constant 0 : i32
        %dma_wait3A_124 = tpu.memref_slice %arg11[%max3A_122, %dma_wait3A_123] : memref<40x128xi32, #tpu.memory_space<vmem>> -> memref<1x128xi32, #tpu.memory_space<vmem>>
        %dma_wait3A_125 = tpu.memref_squeeze %dma_wait3A_124 : memref<1x128xi32, #tpu.memory_space<vmem>> -> memref<128xi32, #tpu.memory_space<vmem>>
        %dma_wait3A_126 = arith.constant 0 : i32
        %dma_wait3A_127 = arith.constant 0 : i32
        %dma_wait3A_128 = tpu.memref_slice %arg19[%dma_wait3A_126, %dma_wait3A_127] : memref<10240x128xf32, #tpu.memory_space<vmem_shared>> -> memref<10240x128xf32, #tpu.memory_space<vmem_shared>>
        tpu.wait_indirect_dma semaphore(%arg17 : memref<!tpu.dma_semaphore, #tpu.memory_space<semaphore_mem>>) src(%arg13 : memref<128x128xf32, #tpu.memory_space<vmem>>) dst(%dma_wait3A_128 : memref<10240x128xf32, #tpu.memory_space<vmem_shared>>)
      } else {
      }
      %add3A_67 = arith.constant 1 : i32
      %add3A_68 = arith.addi %add3A_62, %add3A_67 : i32
      %lt3A = arith.constant 40 : i32
      %lt3A_69 = arith.cmpi slt, %add3A_68, %lt3A : i32
      %convert_element_type3A_70 = arith.extui %lt3A_69 : i1 to i32
      %cond3A_71 = arith.constant 0 : i32
      %cond3A_72 = arith.cmpi ne, %convert_element_type3A_70, %cond3A_71 : i32
      scf.if %cond3A_72 {
        %add3A_121 = arith.constant 1 : i32
        %add3A_122 = arith.addi %add3A_62, %add3A_121 : i32
        %dma_start3A_123 = arith.constant 0 : i32
        %dma_start3A_124 = tpu.memref_slice %arg10[%add3A_122, %dma_start3A_123] : memref<40x128xi32, #tpu.memory_space<vmem>> -> memref<1x128xi32, #tpu.memory_space<vmem>>
        %dma_start3A_125 = tpu.memref_squeeze %dma_start3A_124 : memref<1x128xi32, #tpu.memory_space<vmem>> -> memref<128xi32, #tpu.memory_space<vmem>>
        %dma_start3A_126 = arith.constant 0 : i32
        %dma_start3A_127 = arith.constant 0 : i32
        %dma_start3A_128 = tpu.memref_slice %arg2[%arg0, %dma_start3A_126, %dma_start3A_127] : memref<2x10240x128xf32, #tpu.memory_space<hbm>> -> memref<1x10240x128xf32, #tpu.memory_space<hbm>>
        %dma_start3A_129 = tpu.memref_squeeze %dma_start3A_128 : memref<1x10240x128xf32, #tpu.memory_space<hbm>> -> memref<10240x128xf32, #tpu.memory_space<hbm>>
        %dma_start3A_130 = arith.constant 0 : i32
        %dma_start3A_131 = arith.constant 0 : i32
        %dma_start3A_132 = tpu.memref_slice %dma_start3A_129[%dma_start3A_130, %dma_start3A_131] : memref<10240x128xf32, #tpu.memory_space<hbm>> -> memref<10240x128xf32, #tpu.memory_space<hbm>>
        tpu.enqueue_indirect_dma source(%dma_start3A_132 : memref<10240x128xf32, #tpu.memory_space<hbm>>) target(%arg13 : memref<128x128xf32, #tpu.memory_space<vmem>>) offsets(%dma_start3A_125 : memref<128xi32, #tpu.memory_space<vmem>>) semaphore(%arg15 : memref<!tpu.dma_semaphore, #tpu.memory_space<semaphore_mem>>)
      } else {
      }
      %dma_wait3A_73 = arith.constant 0 : i32
      %dma_wait3A_74 = tpu.memref_slice %arg10[%add3A_62, %dma_wait3A_73] : memref<40x128xi32, #tpu.memory_space<vmem>> -> memref<1x128xi32, #tpu.memory_space<vmem>>
      %dma_wait3A_75 = tpu.memref_squeeze %dma_wait3A_74 : memref<1x128xi32, #tpu.memory_space<vmem>> -> memref<128xi32, #tpu.memory_space<vmem>>
      %dma_wait3A_76 = arith.constant 0 : i32
      %dma_wait3A_77 = arith.constant 0 : i32
      %dma_wait3A_78 = tpu.memref_slice %arg2[%arg0, %dma_wait3A_76, %dma_wait3A_77] : memref<2x10240x128xf32, #tpu.memory_space<hbm>> -> memref<1x10240x128xf32, #tpu.memory_space<hbm>>
      %dma_wait3A_79 = tpu.memref_squeeze %dma_wait3A_78 : memref<1x10240x128xf32, #tpu.memory_space<hbm>> -> memref<10240x128xf32, #tpu.memory_space<hbm>>
      %dma_wait3A_80 = arith.constant 0 : i32
      %dma_wait3A_81 = arith.constant 0 : i32
      %dma_wait3A_82 = tpu.memref_slice %dma_wait3A_79[%dma_wait3A_80, %dma_wait3A_81] : memref<10240x128xf32, #tpu.memory_space<hbm>> -> memref<10240x128xf32, #tpu.memory_space<hbm>>
      tpu.wait_indirect_dma semaphore(%arg14 : memref<!tpu.dma_semaphore, #tpu.memory_space<semaphore_mem>>) src(%dma_wait3A_82 : memref<10240x128xf32, #tpu.memory_space<hbm>>) dst(%arg12 : memref<128x128xf32, #tpu.memory_space<vmem>>)
      %dma_start3A_83 = arith.constant 0 : i32
      %dma_start3A_84 = tpu.memref_slice %arg11[%add3A_62, %dma_start3A_83] : memref<40x128xi32, #tpu.memory_space<vmem>> -> memref<1x128xi32, #tpu.memory_space<vmem>>
      %dma_start3A_85 = tpu.memref_squeeze %dma_start3A_84 : memref<1x128xi32, #tpu.memory_space<vmem>> -> memref<128xi32, #tpu.memory_space<vmem>>
      %dma_start3A_86 = arith.constant 0 : i32
      %dma_start3A_87 = arith.constant 0 : i32
      %dma_start3A_88 = tpu.memref_slice %arg19[%dma_start3A_86, %dma_start3A_87] : memref<10240x128xf32, #tpu.memory_space<vmem_shared>> -> memref<10240x128xf32, #tpu.memory_space<vmem_shared>>
      tpu.enqueue_indirect_dma source(%arg12 : memref<128x128xf32, #tpu.memory_space<vmem>>) target(%dma_start3A_88 : memref<10240x128xf32, #tpu.memory_space<vmem_shared>>) offsets(%dma_start3A_85 : memref<128xi32, #tpu.memory_space<vmem>>) semaphore(%arg16 : memref<!tpu.dma_semaphore, #tpu.memory_space<semaphore_mem>>) {add = true}
      %mul3A_89 = arith.constant 2 : i32
      %mul3A_90 = arith.muli %mul3A_89, %scan3A_58 : i32
      %add3A_91 = arith.constant 1 : i32
      %add3A_92 = arith.addi %mul3A_90, %add3A_91 : i32
      %ge3A_93 = arith.constant 1 : i32
      %ge3A_94 = arith.cmpi sge, %add3A_92, %ge3A_93 : i32
      %convert_element_type3A_95 = arith.extui %ge3A_94 : i1 to i32
      %cond3A_96 = arith.constant 0 : i32
      %cond3A_97 = arith.cmpi ne, %convert_element_type3A_95, %cond3A_96 : i32
      scf.if %cond3A_97 {
        %sub3A = arith.constant 1 : i32
        %sub3A_121 = arith.subi %add3A_92, %sub3A : i32
        %max3A = arith.constant 0 : i32
        %max3A_122 = arith.maxsi %sub3A_121, %max3A : i32
        %dma_wait3A_123 = arith.constant 0 : i32
        %dma_wait3A_124 = tpu.memref_slice %arg11[%max3A_122, %dma_wait3A_123] : memref<40x128xi32, #tpu.memory_space<vmem>> -> memref<1x128xi32, #tpu.memory_space<vmem>>
        %dma_wait3A_125 = tpu.memref_squeeze %dma_wait3A_124 : memref<1x128xi32, #tpu.memory_space<vmem>> -> memref<128xi32, #tpu.memory_space<vmem>>
        %dma_wait3A_126 = arith.constant 0 : i32
        %dma_wait3A_127 = arith.constant 0 : i32
        %dma_wait3A_128 = tpu.memref_slice %arg19[%dma_wait3A_126, %dma_wait3A_127] : memref<10240x128xf32, #tpu.memory_space<vmem_shared>> -> memref<10240x128xf32, #tpu.memory_space<vmem_shared>>
        tpu.wait_indirect_dma semaphore(%arg16 : memref<!tpu.dma_semaphore, #tpu.memory_space<semaphore_mem>>) src(%arg12 : memref<128x128xf32, #tpu.memory_space<vmem>>) dst(%dma_wait3A_128 : memref<10240x128xf32, #tpu.memory_space<vmem_shared>>)
      } else {
      }
      %add3A_98 = arith.constant 1 : i32
      %add3A_99 = arith.addi %add3A_92, %add3A_98 : i32
      %lt3A_100 = arith.constant 40 : i32
      %lt3A_101 = arith.cmpi slt, %add3A_99, %lt3A_100 : i32
      %convert_element_type3A_102 = arith.extui %lt3A_101 : i1 to i32
      %cond3A_103 = arith.constant 0 : i32
      %cond3A_104 = arith.cmpi ne, %convert_element_type3A_102, %cond3A_103 : i32
      scf.if %cond3A_104 {
        %add3A_121 = arith.constant 1 : i32
        %add3A_122 = arith.addi %add3A_92, %add3A_121 : i32
        %dma_start3A_123 = arith.constant 0 : i32
        %dma_start3A_124 = tpu.memref_slice %arg10[%add3A_122, %dma_start3A_123] : memref<40x128xi32, #tpu.memory_space<vmem>> -> memref<1x128xi32, #tpu.memory_space<vmem>>
        %dma_start3A_125 = tpu.memref_squeeze %dma_start3A_124 : memref<1x128xi32, #tpu.memory_space<vmem>> -> memref<128xi32, #tpu.memory_space<vmem>>
        %dma_start3A_126 = arith.constant 0 : i32
        %dma_start3A_127 = arith.constant 0 : i32
        %dma_start3A_128 = tpu.memref_slice %arg2[%arg0, %dma_start3A_126, %dma_start3A_127] : memref<2x10240x128xf32, #tpu.memory_space<hbm>> -> memref<1x10240x128xf32, #tpu.memory_space<hbm>>
        %dma_start3A_129 = tpu.memref_squeeze %dma_start3A_128 : memref<1x10240x128xf32, #tpu.memory_space<hbm>> -> memref<10240x128xf32, #tpu.memory_space<hbm>>
        %dma_start3A_130 = arith.constant 0 : i32
        %dma_start3A_131 = arith.constant 0 : i32
        %dma_start3A_132 = tpu.memref_slice %dma_start3A_129[%dma_start3A_130, %dma_start3A_131] : memref<10240x128xf32, #tpu.memory_space<hbm>> -> memref<10240x128xf32, #tpu.memory_space<hbm>>
        tpu.enqueue_indirect_dma source(%dma_start3A_132 : memref<10240x128xf32, #tpu.memory_space<hbm>>) target(%arg12 : memref<128x128xf32, #tpu.memory_space<vmem>>) offsets(%dma_start3A_125 : memref<128xi32, #tpu.memory_space<vmem>>) semaphore(%arg14 : memref<!tpu.dma_semaphore, #tpu.memory_space<semaphore_mem>>)
      } else {
      }
      %dma_wait3A_105 = arith.constant 0 : i32
      %dma_wait3A_106 = tpu.memref_slice %arg10[%add3A_92, %dma_wait3A_105] : memref<40x128xi32, #tpu.memory_space<vmem>> -> memref<1x128xi32, #tpu.memory_space<vmem>>
      %dma_wait3A_107 = tpu.memref_squeeze %dma_wait3A_106 : memref<1x128xi32, #tpu.memory_space<vmem>> -> memref<128xi32, #tpu.memory_space<vmem>>
      %dma_wait3A_108 = arith.constant 0 : i32
      %dma_wait3A_109 = arith.constant 0 : i32
      %dma_wait3A_110 = tpu.memref_slice %arg2[%arg0, %dma_wait3A_108, %dma_wait3A_109] : memref<2x10240x128xf32, #tpu.memory_space<hbm>> -> memref<1x10240x128xf32, #tpu.memory_space<hbm>>
      %dma_wait3A_111 = tpu.memref_squeeze %dma_wait3A_110 : memref<1x10240x128xf32, #tpu.memory_space<hbm>> -> memref<10240x128xf32, #tpu.memory_space<hbm>>
      %dma_wait3A_112 = arith.constant 0 : i32
      %dma_wait3A_113 = arith.constant 0 : i32
      %dma_wait3A_114 = tpu.memref_slice %dma_wait3A_111[%dma_wait3A_112, %dma_wait3A_113] : memref<10240x128xf32, #tpu.memory_space<hbm>> -> memref<10240x128xf32, #tpu.memory_space<hbm>>
      tpu.wait_indirect_dma semaphore(%arg15 : memref<!tpu.dma_semaphore, #tpu.memory_space<semaphore_mem>>) src(%dma_wait3A_114 : memref<10240x128xf32, #tpu.memory_space<hbm>>) dst(%arg13 : memref<128x128xf32, #tpu.memory_space<vmem>>)
      %dma_start3A_115 = arith.constant 0 : i32
      %dma_start3A_116 = tpu.memref_slice %arg11[%add3A_92, %dma_start3A_115] : memref<40x128xi32, #tpu.memory_space<vmem>> -> memref<1x128xi32, #tpu.memory_space<vmem>>
      %dma_start3A_117 = tpu.memref_squeeze %dma_start3A_116 : memref<1x128xi32, #tpu.memory_space<vmem>> -> memref<128xi32, #tpu.memory_space<vmem>>
      %dma_start3A_118 = arith.constant 0 : i32
      %dma_start3A_119 = arith.constant 0 : i32
      %dma_start3A_120 = tpu.memref_slice %arg19[%dma_start3A_118, %dma_start3A_119] : memref<10240x128xf32, #tpu.memory_space<vmem_shared>> -> memref<10240x128xf32, #tpu.memory_space<vmem_shared>>
      tpu.enqueue_indirect_dma source(%arg13 : memref<128x128xf32, #tpu.memory_space<vmem>>) target(%dma_start3A_120 : memref<10240x128xf32, #tpu.memory_space<vmem_shared>>) offsets(%dma_start3A_117 : memref<128xi32, #tpu.memory_space<vmem>>) semaphore(%arg17 : memref<!tpu.dma_semaphore, #tpu.memory_space<semaphore_mem>>) {add = true}
    }
    %scan3A_22 = arith.constant 20 : i32
    %dma_wait3A = arith.constant 39 : i32
    %dma_wait3A_23 = arith.constant 0 : i32
    %dma_wait3A_24 = tpu.memref_slice %arg11[%dma_wait3A, %dma_wait3A_23] : memref<40x128xi32, #tpu.memory_space<vmem>> -> memref<1x128xi32, #tpu.memory_space<vmem>>
    %dma_wait3A_25 = tpu.memref_squeeze %dma_wait3A_24 : memref<1x128xi32, #tpu.memory_space<vmem>> -> memref<128xi32, #tpu.memory_space<vmem>>
    %dma_wait3A_26 = arith.constant 0 : i32
    %dma_wait3A_27 = arith.constant 0 : i32
    %dma_wait3A_28 = tpu.memref_slice %arg19[%dma_wait3A_26, %dma_wait3A_27] : memref<10240x128xf32, #tpu.memory_space<vmem_shared>> -> memref<10240x128xf32, #tpu.memory_space<vmem_shared>>
    tpu.wait_indirect_dma semaphore(%arg17 : memref<!tpu.dma_semaphore, #tpu.memory_space<semaphore_mem>>) src(%arg13 : memref<128x128xf32, #tpu.memory_space<vmem>>) dst(%dma_wait3A_28 : memref<10240x128xf32, #tpu.memory_space<vmem_shared>>)
    "tpu.region"() ({
      %run_scoped3A = tpu.sem_alloc : memref<!tpu.dma_semaphore, #tpu.memory_space<semaphore_mem>>
      %dma_start3A_58 = arith.constant 40 : i32
      %dma_start3A_59 = arith.constant 0 : i32
      %dma_start3A_60 = tpu.memref_slice %arg3[%arg1, %dma_start3A_58, %dma_start3A_59] : memref<16x80x128xi32, #tpu.memory_space<hbm>> -> memref<1x40x128xi32, #tpu.memory_space<hbm>>
      %dma_start3A_61 = tpu.memref_squeeze %dma_start3A_60 : memref<1x40x128xi32, #tpu.memory_space<hbm>> -> memref<40x128xi32, #tpu.memory_space<hbm>>
      %dma_start3A_62 = arith.constant 40 : i32
      %dma_start3A_63 = arith.constant 0 : i32
      %dma_start3A_64 = tpu.memref_slice %arg3[%arg1, %dma_start3A_62, %dma_start3A_63] : memref<16x80x128xi32, #tpu.memory_space<hbm>> -> memref<1x40x128xi32, #tpu.memory_space<hbm>>
      %dma_start3A_65 = tpu.memref_squeeze %dma_start3A_64 : memref<1x40x128xi32, #tpu.memory_space<hbm>> -> memref<40x128xi32, #tpu.memory_space<hbm>>
      tpu.enqueue_dma source(%dma_start3A_65 : memref<40x128xi32, #tpu.memory_space<hbm>>) target(%arg10 : memref<40x128xi32, #tpu.memory_space<vmem>>) target_semaphore(%run_scoped3A : memref<!tpu.dma_semaphore, #tpu.memory_space<semaphore_mem>>)
      %dma_wait3A_66 = arith.constant 40 : i32
      %dma_wait3A_67 = arith.constant 0 : i32
      %dma_wait3A_68 = tpu.memref_slice %arg3[%arg1, %dma_wait3A_66, %dma_wait3A_67] : memref<16x80x128xi32, #tpu.memory_space<hbm>> -> memref<1x40x128xi32, #tpu.memory_space<hbm>>
      %dma_wait3A_69 = tpu.memref_squeeze %dma_wait3A_68 : memref<1x40x128xi32, #tpu.memory_space<hbm>> -> memref<40x128xi32, #tpu.memory_space<hbm>>
      %dma_wait3A_70 = arith.constant 40 : i32
      %dma_wait3A_71 = arith.constant 0 : i32
      %dma_wait3A_72 = tpu.memref_slice %arg3[%arg1, %dma_wait3A_70, %dma_wait3A_71] : memref<16x80x128xi32, #tpu.memory_space<hbm>> -> memref<1x40x128xi32, #tpu.memory_space<hbm>>
      %dma_wait3A_73 = tpu.memref_squeeze %dma_wait3A_72 : memref<1x40x128xi32, #tpu.memory_space<hbm>> -> memref<40x128xi32, #tpu.memory_space<hbm>>
      tpu.wait_dma2 semaphore(%run_scoped3A : memref<!tpu.dma_semaphore, #tpu.memory_space<semaphore_mem>>) src(%dma_wait3A_73 : memref<40x128xi32, #tpu.memory_space<hbm>>) dst(%arg10 : memref<40x128xi32, #tpu.memory_space<vmem>>)
      tpu.yield
    }) : () -> ()
    "tpu.region"() ({
      %run_scoped3A = tpu.sem_alloc : memref<!tpu.dma_semaphore, #tpu.memory_space<semaphore_mem>>
      %dma_start3A_58 = arith.constant 40 : i32
      %dma_start3A_59 = arith.constant 0 : i32
      %dma_start3A_60 = tpu.memref_slice %arg4[%arg1, %dma_start3A_58, %dma_start3A_59] : memref<16x80x128xi32, #tpu.memory_space<hbm>> -> memref<1x40x128xi32, #tpu.memory_space<hbm>>
      %dma_start3A_61 = tpu.memref_squeeze %dma_start3A_60 : memref<1x40x128xi32, #tpu.memory_space<hbm>> -> memref<40x128xi32, #tpu.memory_space<hbm>>
      %dma_start3A_62 = arith.constant 40 : i32
      %dma_start3A_63 = arith.constant 0 : i32
      %dma_start3A_64 = tpu.memref_slice %arg4[%arg1, %dma_start3A_62, %dma_start3A_63] : memref<16x80x128xi32, #tpu.memory_space<hbm>> -> memref<1x40x128xi32, #tpu.memory_space<hbm>>
      %dma_start3A_65 = tpu.memref_squeeze %dma_start3A_64 : memref<1x40x128xi32, #tpu.memory_space<hbm>> -> memref<40x128xi32, #tpu.memory_space<hbm>>
      tpu.enqueue_dma source(%dma_start3A_65 : memref<40x128xi32, #tpu.memory_space<hbm>>) target(%arg11 : memref<40x128xi32, #tpu.memory_space<vmem>>) target_semaphore(%run_scoped3A : memref<!tpu.dma_semaphore, #tpu.memory_space<semaphore_mem>>)
      %dma_wait3A_66 = arith.constant 40 : i32
      %dma_wait3A_67 = arith.constant 0 : i32
      %dma_wait3A_68 = tpu.memref_slice %arg4[%arg1, %dma_wait3A_66, %dma_wait3A_67] : memref<16x80x128xi32, #tpu.memory_space<hbm>> -> memref<1x40x128xi32, #tpu.memory_space<hbm>>
      %dma_wait3A_69 = tpu.memref_squeeze %dma_wait3A_68 : memref<1x40x128xi32, #tpu.memory_space<hbm>> -> memref<40x128xi32, #tpu.memory_space<hbm>>
      %dma_wait3A_70 = arith.constant 40 : i32
      %dma_wait3A_71 = arith.constant 0 : i32
      %dma_wait3A_72 = tpu.memref_slice %arg4[%arg1, %dma_wait3A_70, %dma_wait3A_71] : memref<16x80x128xi32, #tpu.memory_space<hbm>> -> memref<1x40x128xi32, #tpu.memory_space<hbm>>
      %dma_wait3A_73 = tpu.memref_squeeze %dma_wait3A_72 : memref<1x40x128xi32, #tpu.memory_space<hbm>> -> memref<40x128xi32, #tpu.memory_space<hbm>>
      tpu.wait_dma2 semaphore(%run_scoped3A : memref<!tpu.dma_semaphore, #tpu.memory_space<semaphore_mem>>) src(%dma_wait3A_73 : memref<40x128xi32, #tpu.memory_space<hbm>>) dst(%arg11 : memref<40x128xi32, #tpu.memory_space<vmem>>)
      tpu.yield
    }) : () -> ()
    %dma_start3A_29 = arith.constant 0 : i32
    %dma_start3A_30 = arith.constant 0 : i32
    %dma_start3A_31 = tpu.memref_slice %arg10[%dma_start3A_29, %dma_start3A_30] : memref<40x128xi32, #tpu.memory_space<vmem>> -> memref<1x128xi32, #tpu.memory_space<vmem>>
    %dma_start3A_32 = tpu.memref_squeeze %dma_start3A_31 : memref<1x128xi32, #tpu.memory_space<vmem>> -> memref<128xi32, #tpu.memory_space<vmem>>
    %dma_start3A_33 = arith.constant 0 : i32
    %dma_start3A_34 = arith.constant 0 : i32
    %dma_start3A_35 = tpu.memref_slice %arg2[%arg0, %dma_start3A_33, %dma_start3A_34] : memref<2x10240x128xf32, #tpu.memory_space<hbm>> -> memref<1x10240x128xf32, #tpu.memory_space<hbm>>
    %dma_start3A_36 = tpu.memref_squeeze %dma_start3A_35 : memref<1x10240x128xf32, #tpu.memory_space<hbm>> -> memref<10240x128xf32, #tpu.memory_space<hbm>>
    %dma_start3A_37 = arith.constant 0 : i32
    %dma_start3A_38 = arith.constant 0 : i32
    %dma_start3A_39 = tpu.memref_slice %dma_start3A_36[%dma_start3A_37, %dma_start3A_38] : memref<10240x128xf32, #tpu.memory_space<hbm>> -> memref<10240x128xf32, #tpu.memory_space<hbm>>
    tpu.enqueue_indirect_dma source(%dma_start3A_39 : memref<10240x128xf32, #tpu.memory_space<hbm>>) target(%arg12 : memref<128x128xf32, #tpu.memory_space<vmem>>) offsets(%dma_start3A_32 : memref<128xi32, #tpu.memory_space<vmem>>) semaphore(%arg14 : memref<!tpu.dma_semaphore, #tpu.memory_space<semaphore_mem>>)
    %scan3A_40 = arith.constant 0 : i32
    %scan3A_41 = arith.constant 0 : i32
    %scan3A_42 = arith.constant 20 : i32
    %scan3A_43 = arith.addi %scan3A_41, %scan3A_42 : i32
    %scan3A_44 = arith.constant 1 : i32
    scf.for %scan3A_58 = %scan3A_41 to %scan3A_43 step %scan3A_44  : i32 {
      %mul3A_59 = arith.constant 2 : i32
      %mul3A_60 = arith.muli %mul3A_59, %scan3A_58 : i32
      %add3A_61 = arith.constant 0 : i32
      %add3A_62 = arith.addi %mul3A_60, %add3A_61 : i32
      %ge3A = arith.constant 1 : i32
      %ge3A_63 = arith.cmpi sge, %add3A_62, %ge3A : i32
      %convert_element_type3A_64 = arith.extui %ge3A_63 : i1 to i32
      %cond3A_65 = arith.constant 0 : i32
      %cond3A_66 = arith.cmpi ne, %convert_element_type3A_64, %cond3A_65 : i32
      scf.if %cond3A_66 {
        %sub3A = arith.constant 1 : i32
        %sub3A_121 = arith.subi %add3A_62, %sub3A : i32
        %max3A = arith.constant 0 : i32
        %max3A_122 = arith.maxsi %sub3A_121, %max3A : i32
        %dma_wait3A_123 = arith.constant 0 : i32
        %dma_wait3A_124 = tpu.memref_slice %arg11[%max3A_122, %dma_wait3A_123] : memref<40x128xi32, #tpu.memory_space<vmem>> -> memref<1x128xi32, #tpu.memory_space<vmem>>
        %dma_wait3A_125 = tpu.memref_squeeze %dma_wait3A_124 : memref<1x128xi32, #tpu.memory_space<vmem>> -> memref<128xi32, #tpu.memory_space<vmem>>
        %dma_wait3A_126 = arith.constant 0 : i32
        %dma_wait3A_127 = arith.constant 0 : i32
        %dma_wait3A_128 = tpu.memref_slice %arg19[%dma_wait3A_126, %dma_wait3A_127] : memref<10240x128xf32, #tpu.memory_space<vmem_shared>> -> memref<10240x128xf32, #tpu.memory_space<vmem_shared>>
        tpu.wait_indirect_dma semaphore(%arg17 : memref<!tpu.dma_semaphore, #tpu.memory_space<semaphore_mem>>) src(%arg13 : memref<128x128xf32, #tpu.memory_space<vmem>>) dst(%dma_wait3A_128 : memref<10240x128xf32, #tpu.memory_space<vmem_shared>>)
      } else {
      }
      %add3A_67 = arith.constant 1 : i32
      %add3A_68 = arith.addi %add3A_62, %add3A_67 : i32
      %lt3A = arith.constant 40 : i32
      %lt3A_69 = arith.cmpi slt, %add3A_68, %lt3A : i32
      %convert_element_type3A_70 = arith.extui %lt3A_69 : i1 to i32
      %cond3A_71 = arith.constant 0 : i32
      %cond3A_72 = arith.cmpi ne, %convert_element_type3A_70, %cond3A_71 : i32
      scf.if %cond3A_72 {
        %add3A_121 = arith.constant 1 : i32
        %add3A_122 = arith.addi %add3A_62, %add3A_121 : i32
        %dma_start3A_123 = arith.constant 0 : i32
        %dma_start3A_124 = tpu.memref_slice %arg10[%add3A_122, %dma_start3A_123] : memref<40x128xi32, #tpu.memory_space<vmem>> -> memref<1x128xi32, #tpu.memory_space<vmem>>
        %dma_start3A_125 = tpu.memref_squeeze %dma_start3A_124 : memref<1x128xi32, #tpu.memory_space<vmem>> -> memref<128xi32, #tpu.memory_space<vmem>>
        %dma_start3A_126 = arith.constant 0 : i32
        %dma_start3A_127 = arith.constant 0 : i32
        %dma_start3A_128 = tpu.memref_slice %arg2[%arg0, %dma_start3A_126, %dma_start3A_127] : memref<2x10240x128xf32, #tpu.memory_space<hbm>> -> memref<1x10240x128xf32, #tpu.memory_space<hbm>>
        %dma_start3A_129 = tpu.memref_squeeze %dma_start3A_128 : memref<1x10240x128xf32, #tpu.memory_space<hbm>> -> memref<10240x128xf32, #tpu.memory_space<hbm>>
        %dma_start3A_130 = arith.constant 0 : i32
        %dma_start3A_131 = arith.constant 0 : i32
        %dma_start3A_132 = tpu.memref_slice %dma_start3A_129[%dma_start3A_130, %dma_start3A_131] : memref<10240x128xf32, #tpu.memory_space<hbm>> -> memref<10240x128xf32, #tpu.memory_space<hbm>>
        tpu.enqueue_indirect_dma source(%dma_start3A_132 : memref<10240x128xf32, #tpu.memory_space<hbm>>) target(%arg13 : memref<128x128xf32, #tpu.memory_space<vmem>>) offsets(%dma_start3A_125 : memref<128xi32, #tpu.memory_space<vmem>>) semaphore(%arg15 : memref<!tpu.dma_semaphore, #tpu.memory_space<semaphore_mem>>)
      } else {
      }
      %dma_wait3A_73 = arith.constant 0 : i32
      %dma_wait3A_74 = tpu.memref_slice %arg10[%add3A_62, %dma_wait3A_73] : memref<40x128xi32, #tpu.memory_space<vmem>> -> memref<1x128xi32, #tpu.memory_space<vmem>>
      %dma_wait3A_75 = tpu.memref_squeeze %dma_wait3A_74 : memref<1x128xi32, #tpu.memory_space<vmem>> -> memref<128xi32, #tpu.memory_space<vmem>>
      %dma_wait3A_76 = arith.constant 0 : i32
      %dma_wait3A_77 = arith.constant 0 : i32
      %dma_wait3A_78 = tpu.memref_slice %arg2[%arg0, %dma_wait3A_76, %dma_wait3A_77] : memref<2x10240x128xf32, #tpu.memory_space<hbm>> -> memref<1x10240x128xf32, #tpu.memory_space<hbm>>
      %dma_wait3A_79 = tpu.memref_squeeze %dma_wait3A_78 : memref<1x10240x128xf32, #tpu.memory_space<hbm>> -> memref<10240x128xf32, #tpu.memory_space<hbm>>
      %dma_wait3A_80 = arith.constant 0 : i32
      %dma_wait3A_81 = arith.constant 0 : i32
      %dma_wait3A_82 = tpu.memref_slice %dma_wait3A_79[%dma_wait3A_80, %dma_wait3A_81] : memref<10240x128xf32, #tpu.memory_space<hbm>> -> memref<10240x128xf32, #tpu.memory_space<hbm>>
      tpu.wait_indirect_dma semaphore(%arg14 : memref<!tpu.dma_semaphore, #tpu.memory_space<semaphore_mem>>) src(%dma_wait3A_82 : memref<10240x128xf32, #tpu.memory_space<hbm>>) dst(%arg12 : memref<128x128xf32, #tpu.memory_space<vmem>>)
      %dma_start3A_83 = arith.constant 0 : i32
      %dma_start3A_84 = tpu.memref_slice %arg11[%add3A_62, %dma_start3A_83] : memref<40x128xi32, #tpu.memory_space<vmem>> -> memref<1x128xi32, #tpu.memory_space<vmem>>
      %dma_start3A_85 = tpu.memref_squeeze %dma_start3A_84 : memref<1x128xi32, #tpu.memory_space<vmem>> -> memref<128xi32, #tpu.memory_space<vmem>>
      %dma_start3A_86 = arith.constant 0 : i32
      %dma_start3A_87 = arith.constant 0 : i32
      %dma_start3A_88 = tpu.memref_slice %arg19[%dma_start3A_86, %dma_start3A_87] : memref<10240x128xf32, #tpu.memory_space<vmem_shared>> -> memref<10240x128xf32, #tpu.memory_space<vmem_shared>>
      tpu.enqueue_indirect_dma source(%arg12 : memref<128x128xf32, #tpu.memory_space<vmem>>) target(%dma_start3A_88 : memref<10240x128xf32, #tpu.memory_space<vmem_shared>>) offsets(%dma_start3A_85 : memref<128xi32, #tpu.memory_space<vmem>>) semaphore(%arg16 : memref<!tpu.dma_semaphore, #tpu.memory_space<semaphore_mem>>) {add = true}
      %mul3A_89 = arith.constant 2 : i32
      %mul3A_90 = arith.muli %mul3A_89, %scan3A_58 : i32
      %add3A_91 = arith.constant 1 : i32
      %add3A_92 = arith.addi %mul3A_90, %add3A_91 : i32
      %ge3A_93 = arith.constant 1 : i32
      %ge3A_94 = arith.cmpi sge, %add3A_92, %ge3A_93 : i32
      %convert_element_type3A_95 = arith.extui %ge3A_94 : i1 to i32
      %cond3A_96 = arith.constant 0 : i32
      %cond3A_97 = arith.cmpi ne, %convert_element_type3A_95, %cond3A_96 : i32
      scf.if %cond3A_97 {
        %sub3A = arith.constant 1 : i32
        %sub3A_121 = arith.subi %add3A_92, %sub3A : i32
        %max3A = arith.constant 0 : i32
        %max3A_122 = arith.maxsi %sub3A_121, %max3A : i32
        %dma_wait3A_123 = arith.constant 0 : i32
        %dma_wait3A_124 = tpu.memref_slice %arg11[%max3A_122, %dma_wait3A_123] : memref<40x128xi32, #tpu.memory_space<vmem>> -> memref<1x128xi32, #tpu.memory_space<vmem>>
        %dma_wait3A_125 = tpu.memref_squeeze %dma_wait3A_124 : memref<1x128xi32, #tpu.memory_space<vmem>> -> memref<128xi32, #tpu.memory_space<vmem>>
        %dma_wait3A_126 = arith.constant 0 : i32
        %dma_wait3A_127 = arith.constant 0 : i32
        %dma_wait3A_128 = tpu.memref_slice %arg19[%dma_wait3A_126, %dma_wait3A_127] : memref<10240x128xf32, #tpu.memory_space<vmem_shared>> -> memref<10240x128xf32, #tpu.memory_space<vmem_shared>>
        tpu.wait_indirect_dma semaphore(%arg16 : memref<!tpu.dma_semaphore, #tpu.memory_space<semaphore_mem>>) src(%arg12 : memref<128x128xf32, #tpu.memory_space<vmem>>) dst(%dma_wait3A_128 : memref<10240x128xf32, #tpu.memory_space<vmem_shared>>)
      } else {
      }
      %add3A_98 = arith.constant 1 : i32
      %add3A_99 = arith.addi %add3A_92, %add3A_98 : i32
      %lt3A_100 = arith.constant 40 : i32
      %lt3A_101 = arith.cmpi slt, %add3A_99, %lt3A_100 : i32
      %convert_element_type3A_102 = arith.extui %lt3A_101 : i1 to i32
      %cond3A_103 = arith.constant 0 : i32
      %cond3A_104 = arith.cmpi ne, %convert_element_type3A_102, %cond3A_103 : i32
      scf.if %cond3A_104 {
        %add3A_121 = arith.constant 1 : i32
        %add3A_122 = arith.addi %add3A_92, %add3A_121 : i32
        %dma_start3A_123 = arith.constant 0 : i32
        %dma_start3A_124 = tpu.memref_slice %arg10[%add3A_122, %dma_start3A_123] : memref<40x128xi32, #tpu.memory_space<vmem>> -> memref<1x128xi32, #tpu.memory_space<vmem>>
        %dma_start3A_125 = tpu.memref_squeeze %dma_start3A_124 : memref<1x128xi32, #tpu.memory_space<vmem>> -> memref<128xi32, #tpu.memory_space<vmem>>
        %dma_start3A_126 = arith.constant 0 : i32
        %dma_start3A_127 = arith.constant 0 : i32
        %dma_start3A_128 = tpu.memref_slice %arg2[%arg0, %dma_start3A_126, %dma_start3A_127] : memref<2x10240x128xf32, #tpu.memory_space<hbm>> -> memref<1x10240x128xf32, #tpu.memory_space<hbm>>
        %dma_start3A_129 = tpu.memref_squeeze %dma_start3A_128 : memref<1x10240x128xf32, #tpu.memory_space<hbm>> -> memref<10240x128xf32, #tpu.memory_space<hbm>>
        %dma_start3A_130 = arith.constant 0 : i32
        %dma_start3A_131 = arith.constant 0 : i32
        %dma_start3A_132 = tpu.memref_slice %dma_start3A_129[%dma_start3A_130, %dma_start3A_131] : memref<10240x128xf32, #tpu.memory_space<hbm>> -> memref<10240x128xf32, #tpu.memory_space<hbm>>
        tpu.enqueue_indirect_dma source(%dma_start3A_132 : memref<10240x128xf32, #tpu.memory_space<hbm>>) target(%arg12 : memref<128x128xf32, #tpu.memory_space<vmem>>) offsets(%dma_start3A_125 : memref<128xi32, #tpu.memory_space<vmem>>) semaphore(%arg14 : memref<!tpu.dma_semaphore, #tpu.memory_space<semaphore_mem>>)
      } else {
      }
      %dma_wait3A_105 = arith.constant 0 : i32
      %dma_wait3A_106 = tpu.memref_slice %arg10[%add3A_92, %dma_wait3A_105] : memref<40x128xi32, #tpu.memory_space<vmem>> -> memref<1x128xi32, #tpu.memory_space<vmem>>
      %dma_wait3A_107 = tpu.memref_squeeze %dma_wait3A_106 : memref<1x128xi32, #tpu.memory_space<vmem>> -> memref<128xi32, #tpu.memory_space<vmem>>
      %dma_wait3A_108 = arith.constant 0 : i32
      %dma_wait3A_109 = arith.constant 0 : i32
      %dma_wait3A_110 = tpu.memref_slice %arg2[%arg0, %dma_wait3A_108, %dma_wait3A_109] : memref<2x10240x128xf32, #tpu.memory_space<hbm>> -> memref<1x10240x128xf32, #tpu.memory_space<hbm>>
      %dma_wait3A_111 = tpu.memref_squeeze %dma_wait3A_110 : memref<1x10240x128xf32, #tpu.memory_space<hbm>> -> memref<10240x128xf32, #tpu.memory_space<hbm>>
      %dma_wait3A_112 = arith.constant 0 : i32
      %dma_wait3A_113 = arith.constant 0 : i32
      %dma_wait3A_114 = tpu.memref_slice %dma_wait3A_111[%dma_wait3A_112, %dma_wait3A_113] : memref<10240x128xf32, #tpu.memory_space<hbm>> -> memref<10240x128xf32, #tpu.memory_space<hbm>>
      tpu.wait_indirect_dma semaphore(%arg15 : memref<!tpu.dma_semaphore, #tpu.memory_space<semaphore_mem>>) src(%dma_wait3A_114 : memref<10240x128xf32, #tpu.memory_space<hbm>>) dst(%arg13 : memref<128x128xf32, #tpu.memory_space<vmem>>)
      %dma_start3A_115 = arith.constant 0 : i32
      %dma_start3A_116 = tpu.memref_slice %arg11[%add3A_92, %dma_start3A_115] : memref<40x128xi32, #tpu.memory_space<vmem>> -> memref<1x128xi32, #tpu.memory_space<vmem>>
      %dma_start3A_117 = tpu.memref_squeeze %dma_start3A_116 : memref<1x128xi32, #tpu.memory_space<vmem>> -> memref<128xi32, #tpu.memory_space<vmem>>
      %dma_start3A_118 = arith.constant 0 : i32
      %dma_start3A_119 = arith.constant 0 : i32
      %dma_start3A_120 = tpu.memref_slice %arg19[%dma_start3A_118, %dma_start3A_119] : memref<10240x128xf32, #tpu.memory_space<vmem_shared>> -> memref<10240x128xf32, #tpu.memory_space<vmem_shared>>
      tpu.enqueue_indirect_dma source(%arg13 : memref<128x128xf32, #tpu.memory_space<vmem>>) target(%dma_start3A_120 : memref<10240x128xf32, #tpu.memory_space<vmem_shared>>) offsets(%dma_start3A_117 : memref<128xi32, #tpu.memory_space<vmem>>) semaphore(%arg17 : memref<!tpu.dma_semaphore, #tpu.memory_space<semaphore_mem>>) {add = true}
    }
    %scan3A_45 = arith.constant 20 : i32
    %dma_wait3A_46 = arith.constant 39 : i32
    %dma_wait3A_47 = arith.constant 0 : i32
    %dma_wait3A_48 = tpu.memref_slice %arg11[%dma_wait3A_46, %dma_wait3A_47] : memref<40x128xi32, #tpu.memory_space<vmem>> -> memref<1x128xi32, #tpu.memory_space<vmem>>
    %dma_wait3A_49 = tpu.memref_squeeze %dma_wait3A_48 : memref<1x128xi32, #tpu.memory_space<vmem>> -> memref<128xi32, #tpu.memory_space<vmem>>
    %dma_wait3A_50 = arith.constant 0 : i32
    %dma_wait3A_51 = arith.constant 0 : i32
    %dma_wait3A_52 = tpu.memref_slice %arg19[%dma_wait3A_50, %dma_wait3A_51] : memref<10240x128xf32, #tpu.memory_space<vmem_shared>> -> memref<10240x128xf32, #tpu.memory_space<vmem_shared>>
    tpu.wait_indirect_dma semaphore(%arg17 : memref<!tpu.dma_semaphore, #tpu.memory_space<semaphore_mem>>) src(%arg13 : memref<128x128xf32, #tpu.memory_space<vmem>>) dst(%dma_wait3A_52 : memref<10240x128xf32, #tpu.memory_space<vmem_shared>>)
    %barrier3A_53 = arith.constant 0 : index
    tpu.barrier barrier_id(%barrier3A_53)
    "tpu.region"() ({
      %run_scoped3A = tpu.sem_alloc : memref<!tpu.dma_semaphore, #tpu.memory_space<semaphore_mem>>
      %dma_start3A_58 = arith.constant 0 : i32
      %dma_start3A_59 = tpu.memref_slice %arg8[%arg0, %mul3A_0, %dma_start3A_58] : memref<2x10240x128xf32, #tpu.memory_space<hbm>> -> memref<1x640x128xf32, #tpu.memory_space<hbm>>
      %dma_start3A_60 = tpu.memref_squeeze %dma_start3A_59 : memref<1x640x128xf32, #tpu.memory_space<hbm>> -> memref<640x128xf32, #tpu.memory_space<hbm>>
      %dma_start3A_61 = arith.constant 0 : i32
      %dma_start3A_62 = tpu.memref_slice %arg19[%mul3A_0, %dma_start3A_61] : memref<10240x128xf32, #tpu.memory_space<vmem_shared>> -> memref<640x128xf32, #tpu.memory_space<vmem_shared>>
      tpu.enqueue_dma source(%dma_start3A_62 : memref<640x128xf32, #tpu.memory_space<vmem_shared>>) target(%dma_start3A_60 : memref<640x128xf32, #tpu.memory_space<hbm>>) target_semaphore(%run_scoped3A : memref<!tpu.dma_semaphore, #tpu.memory_space<semaphore_mem>>)
      %dma_wait3A_63 = arith.constant 0 : i32
      %dma_wait3A_64 = tpu.memref_slice %arg8[%arg0, %mul3A_0, %dma_wait3A_63] : memref<2x10240x128xf32, #tpu.memory_space<hbm>> -> memref<1x640x128xf32, #tpu.memory_space<hbm>>
      %dma_wait3A_65 = tpu.memref_squeeze %dma_wait3A_64 : memref<1x640x128xf32, #tpu.memory_space<hbm>> -> memref<640x128xf32, #tpu.memory_space<hbm>>
      %dma_wait3A_66 = arith.constant 0 : i32
      %dma_wait3A_67 = tpu.memref_slice %arg19[%mul3A_0, %dma_wait3A_66] : memref<10240x128xf32, #tpu.memory_space<vmem_shared>> -> memref<640x128xf32, #tpu.memory_space<vmem_shared>>
      tpu.wait_dma2 semaphore(%run_scoped3A : memref<!tpu.dma_semaphore, #tpu.memory_space<semaphore_mem>>) src(%dma_wait3A_67 : memref<640x128xf32, #tpu.memory_space<vmem_shared>>) dst(%dma_wait3A_65 : memref<640x128xf32, #tpu.memory_space<hbm>>)
      tpu.yield
    }) : () -> ()
    "tpu.region"() ({
      %run_scoped3A = tpu.sem_alloc : memref<!tpu.dma_semaphore, #tpu.memory_space<semaphore_mem>>
      tpu.enqueue_dma source(%arg7 : memref<16xi32, #tpu.memory_space<hbm>>) target(%arg18 : memref<16xi32, #tpu.memory_space<vmem>>) target_semaphore(%run_scoped3A : memref<!tpu.dma_semaphore, #tpu.memory_space<semaphore_mem>>)
      tpu.wait_dma2 semaphore(%run_scoped3A : memref<!tpu.dma_semaphore, #tpu.memory_space<semaphore_mem>>) src(%arg7 : memref<16xi32, #tpu.memory_space<hbm>>) dst(%arg18 : memref<16xi32, #tpu.memory_space<vmem>>)
      tpu.yield
    }) : () -> ()
    %get3A = arith.constant 0 : index
    %get3A_54 = tpu.vector_load %arg18[%get3A] {strides = array<i32>} : memref<16xi32, #tpu.memory_space<vmem>>, vector<16xi32>,
    %get3A_55 = vector.shape_cast %get3A_54 : vector<16xi32> to vector<16xi32>
    %slice3A = vector.extract_strided_slice %get3A_55 {offsets = [0], sizes = [1], strides = [1]} : vector<16xi32> to vector<1xi32>
    %squeeze3A = vector.extract %slice3A[0] : i32 from vector<1xi32>
    %gt3A = arith.constant 0 : i32
    %gt3A_56 = arith.cmpi sgt, %squeeze3A, %gt3A : i32
    %convert_element_type3A = arith.extui %gt3A_56 : i1 to i32
    %cond3A = arith.constant 0 : i32
    %cond3A_57 = arith.cmpi ne, %convert_element_type3A, %cond3A : i32
    scf.if %cond3A_57 {
      %scan3A_58 = arith.constant 0 : i32
      %scan3A_59 = arith.constant 0 : i32
      %scan3A_60 = arith.constant 2 : i32
      %scan3A_61 = arith.addi %scan3A_59, %scan3A_60 : i32
      %scan3A_62 = arith.constant 1 : i32
      scf.for %scan3A_76 = %scan3A_59 to %scan3A_61 step %scan3A_62  : i32 {
        %mul3A_77 = arith.constant 2 : i32
        %mul3A_78 = arith.muli %mul3A_77, %scan3A_76 : i32
        %mul3A_79 = arith.constant 128 : i32
        %mul3A_80 = arith.muli %mul3A_78, %mul3A_79 : i32
        %add3A_81 = arith.addi %mul3A_0, %mul3A_80 : i32
        %dma_start3A_82 = arith.constant 0 : i32
        %dma_start3A_83 = tpu.memref_slice %arg19[%add3A_81, %dma_start3A_82] : memref<10240x128xf32, #tpu.memory_space<vmem_shared>> -> memref<128x128xf32, #tpu.memory_space<vmem_shared>>
        tpu.enqueue_dma source(%arg5 : memref<128x128xf32, #tpu.memory_space<hbm>>) target(%dma_start3A_83 : memref<128x128xf32, #tpu.memory_space<vmem_shared>>) target_semaphore(%arg14 : memref<!tpu.dma_semaphore, #tpu.memory_space<semaphore_mem>>)
        %mul3A_84 = arith.constant 2 : i32
        %mul3A_85 = arith.muli %mul3A_84, %scan3A_76 : i32
        %add3A_86 = arith.constant 1 : i32
        %add3A_87 = arith.addi %mul3A_85, %add3A_86 : i32
        %mul3A_88 = arith.constant 128 : i32
        %mul3A_89 = arith.muli %add3A_87, %mul3A_88 : i32
        %add3A_90 = arith.addi %mul3A_0, %mul3A_89 : i32
        %dma_start3A_91 = arith.constant 0 : i32
        %dma_start3A_92 = tpu.memref_slice %arg19[%add3A_90, %dma_start3A_91] : memref<10240x128xf32, #tpu.memory_space<vmem_shared>> -> memref<128x128xf32, #tpu.memory_space<vmem_shared>>
        tpu.enqueue_dma source(%arg5 : memref<128x128xf32, #tpu.memory_space<hbm>>) target(%dma_start3A_92 : memref<128x128xf32, #tpu.memory_space<vmem_shared>>) target_semaphore(%arg15 : memref<!tpu.dma_semaphore, #tpu.memory_space<semaphore_mem>>)
        %dma_wait3A_93 = arith.constant 0 : i32
        %dma_wait3A_94 = tpu.memref_slice %arg19[%add3A_81, %dma_wait3A_93] : memref<10240x128xf32, #tpu.memory_space<vmem_shared>> -> memref<128x128xf32, #tpu.memory_space<vmem_shared>>
        tpu.wait_dma2 semaphore(%arg14 : memref<!tpu.dma_semaphore, #tpu.memory_space<semaphore_mem>>) src(%arg5 : memref<128x128xf32, #tpu.memory_space<hbm>>) dst(%dma_wait3A_94 : memref<128x128xf32, #tpu.memory_space<vmem_shared>>)
        %dma_wait3A_95 = arith.constant 0 : i32
        %dma_wait3A_96 = tpu.memref_slice %arg19[%add3A_90, %dma_wait3A_95] : memref<10240x128xf32, #tpu.memory_space<vmem_shared>> -> memref<128x128xf32, #tpu.memory_space<vmem_shared>>
        tpu.wait_dma2 semaphore(%arg15 : memref<!tpu.dma_semaphore, #tpu.memory_space<semaphore_mem>>) src(%arg5 : memref<128x128xf32, #tpu.memory_space<hbm>>) dst(%dma_wait3A_96 : memref<128x128xf32, #tpu.memory_space<vmem_shared>>)
      }
      %scan3A_63 = arith.constant 2 : i32
      %add3A_64 = arith.constant 512 : i32
      %add3A_65 = arith.addi %mul3A_0, %add3A_64 : i32
      "tpu.region"() ({
        %run_scoped3A = tpu.sem_alloc : memref<!tpu.dma_semaphore, #tpu.memory_space<semaphore_mem>>
        %dma_start3A_76 = arith.constant 0 : i32
        %dma_start3A_77 = tpu.memref_slice %arg19[%add3A_65, %dma_start3A_76] : memref<10240x128xf32, #tpu.memory_space<vmem_shared>> -> memref<128x128xf32, #tpu.memory_space<vmem_shared>>
        tpu.enqueue_dma source(%arg5 : memref<128x128xf32, #tpu.memory_space<hbm>>) target(%dma_start3A_77 : memref<128x128xf32, #tpu.memory_space<vmem_shared>>) target_semaphore(%run_scoped3A : memref<!tpu.dma_semaphore, #tpu.memory_space<semaphore_mem>>)
        %dma_wait3A_78 = arith.constant 0 : i32
        %dma_wait3A_79 = tpu.memref_slice %arg19[%add3A_65, %dma_wait3A_78] : memref<10240x128xf32, #tpu.memory_space<vmem_shared>> -> memref<128x128xf32, #tpu.memory_space<vmem_shared>>
        tpu.wait_dma2 semaphore(%run_scoped3A : memref<!tpu.dma_semaphore, #tpu.memory_space<semaphore_mem>>) src(%arg5 : memref<128x128xf32, #tpu.memory_space<hbm>>) dst(%dma_wait3A_79 : memref<128x128xf32, #tpu.memory_space<vmem_shared>>)
        tpu.yield
      }) : () -> ()
      "tpu.region"() ({
        %run_scoped3A = tpu.sem_alloc : memref<!tpu.dma_semaphore, #tpu.memory_space<semaphore_mem>>
        tpu.enqueue_dma source(%arg6 : memref<128x128xf32, #tpu.memory_space<hbm>>) target(%arg12 : memref<128x128xf32, #tpu.memory_space<vmem>>) target_semaphore(%run_scoped3A : memref<!tpu.dma_semaphore, #tpu.memory_space<semaphore_mem>>)
        tpu.wait_dma2 semaphore(%run_scoped3A : memref<!tpu.dma_semaphore, #tpu.memory_space<semaphore_mem>>) src(%arg6 : memref<128x128xf32, #tpu.memory_space<hbm>>) dst(%arg12 : memref<128x128xf32, #tpu.memory_space<vmem>>)
        tpu.yield
      }) : () -> ()
      %mul3A_66 = arith.constant 40 : i32
      %mul3A_67 = arith.muli %arg0, %mul3A_66 : i32
      "tpu.region"() ({
        %run_scoped3A = tpu.sem_alloc : memref<!tpu.dma_semaphore, #tpu.memory_space<semaphore_mem>>
        %dma_start3A_76 = arith.constant 0 : i32
        %dma_start3A_77 = tpu.memref_slice %arg4[%arg1, %mul3A_67, %dma_start3A_76] : memref<16x80x128xi32, #tpu.memory_space<hbm>> -> memref<1x40x128xi32, #tpu.memory_space<hbm>>
        %dma_start3A_78 = tpu.memref_squeeze %dma_start3A_77 : memref<1x40x128xi32, #tpu.memory_space<hbm>> -> memref<40x128xi32, #tpu.memory_space<hbm>>
        %dma_start3A_79 = arith.constant 0 : i32
        %dma_start3A_80 = tpu.memref_slice %arg4[%arg1, %mul3A_67, %dma_start3A_79] : memref<16x80x128xi32, #tpu.memory_space<hbm>> -> memref<1x40x128xi32, #tpu.memory_space<hbm>>
        %dma_start3A_81 = tpu.memref_squeeze %dma_start3A_80 : memref<1x40x128xi32, #tpu.memory_space<hbm>> -> memref<40x128xi32, #tpu.memory_space<hbm>>
        tpu.enqueue_dma source(%dma_start3A_81 : memref<40x128xi32, #tpu.memory_space<hbm>>) target(%arg11 : memref<40x128xi32, #tpu.memory_space<vmem>>) target_semaphore(%run_scoped3A : memref<!tpu.dma_semaphore, #tpu.memory_space<semaphore_mem>>)
        %dma_wait3A_82 = arith.constant 0 : i32
        %dma_wait3A_83 = tpu.memref_slice %arg4[%arg1, %mul3A_67, %dma_wait3A_82] : memref<16x80x128xi32, #tpu.memory_space<hbm>> -> memref<1x40x128xi32, #tpu.memory_space<hbm>>
        %dma_wait3A_84 = tpu.memref_squeeze %dma_wait3A_83 : memref<1x40x128xi32, #tpu.memory_space<hbm>> -> memref<40x128xi32, #tpu.memory_space<hbm>>
        %dma_wait3A_85 = arith.constant 0 : i32
        %dma_wait3A_86 = tpu.memref_slice %arg4[%arg1, %mul3A_67, %dma_wait3A_85] : memref<16x80x128xi32, #tpu.memory_space<hbm>> -> memref<1x40x128xi32, #tpu.memory_space<hbm>>
        %dma_wait3A_87 = tpu.memref_squeeze %dma_wait3A_86 : memref<1x40x128xi32, #tpu.memory_space<hbm>> -> memref<40x128xi32, #tpu.memory_space<hbm>>
        tpu.wait_dma2 semaphore(%run_scoped3A : memref<!tpu.dma_semaphore, #tpu.memory_space<semaphore_mem>>) src(%dma_wait3A_87 : memref<40x128xi32, #tpu.memory_space<hbm>>) dst(%arg11 : memref<40x128xi32, #tpu.memory_space<vmem>>)
        tpu.yield
      }) : () -> ()
      %barrier3A_68 = arith.constant 0 : index
      tpu.barrier barrier_id(%barrier3A_68)
      %scan3A_69 = arith.constant 0 : i32
      %scan3A_70 = arith.constant 0 : i32
      %scan3A_71 = arith.constant 20 : i32
      %scan3A_72 = arith.addi %scan3A_70, %scan3A_71 : i32
      %scan3A_73 = arith.constant 1 : i32
      scf.for %scan3A_76 = %scan3A_70 to %scan3A_72 step %scan3A_73  : i32 {
        %mul3A_77 = arith.constant 2 : i32
        %mul3A_78 = arith.muli %mul3A_77, %scan3A_76 : i32
        %add3A_79 = arith.constant 0 : i32
        %add3A_80 = arith.addi %mul3A_78, %add3A_79 : i32
        %dma_start3A_81 = arith.constant 0 : i32
        %dma_start3A_82 = tpu.memref_slice %arg11[%add3A_80, %dma_start3A_81] : memref<40x128xi32, #tpu.memory_space<vmem>> -> memref<1x128xi32, #tpu.memory_space<vmem>>
        %dma_start3A_83 = tpu.memref_squeeze %dma_start3A_82 : memref<1x128xi32, #tpu.memory_space<vmem>> -> memref<128xi32, #tpu.memory_space<vmem>>
        %dma_start3A_84 = arith.constant 0 : i32
        %dma_start3A_85 = arith.constant 0 : i32
        %dma_start3A_86 = tpu.memref_slice %arg19[%dma_start3A_84, %dma_start3A_85] : memref<10240x128xf32, #tpu.memory_space<vmem_shared>> -> memref<10240x128xf32, #tpu.memory_space<vmem_shared>>
        tpu.enqueue_indirect_dma source(%arg12 : memref<128x128xf32, #tpu.memory_space<vmem>>) target(%dma_start3A_86 : memref<10240x128xf32, #tpu.memory_space<vmem_shared>>) offsets(%dma_start3A_83 : memref<128xi32, #tpu.memory_space<vmem>>) semaphore(%arg16 : memref<!tpu.dma_semaphore, #tpu.memory_space<semaphore_mem>>) {add = true}
        %mul3A_87 = arith.constant 2 : i32
        %mul3A_88 = arith.muli %mul3A_87, %scan3A_76 : i32
        %add3A_89 = arith.constant 1 : i32
        %add3A_90 = arith.addi %mul3A_88, %add3A_89 : i32
        %dma_start3A_91 = arith.constant 0 : i32
        %dma_start3A_92 = tpu.memref_slice %arg11[%add3A_90, %dma_start3A_91] : memref<40x128xi32, #tpu.memory_space<vmem>> -> memref<1x128xi32, #tpu.memory_space<vmem>>
        %dma_start3A_93 = tpu.memref_squeeze %dma_start3A_92 : memref<1x128xi32, #tpu.memory_space<vmem>> -> memref<128xi32, #tpu.memory_space<vmem>>
        %dma_start3A_94 = arith.constant 0 : i32
        %dma_start3A_95 = arith.constant 0 : i32
        %dma_start3A_96 = tpu.memref_slice %arg19[%dma_start3A_94, %dma_start3A_95] : memref<10240x128xf32, #tpu.memory_space<vmem_shared>> -> memref<10240x128xf32, #tpu.memory_space<vmem_shared>>
        tpu.enqueue_indirect_dma source(%arg12 : memref<128x128xf32, #tpu.memory_space<vmem>>) target(%dma_start3A_96 : memref<10240x128xf32, #tpu.memory_space<vmem_shared>>) offsets(%dma_start3A_93 : memref<128xi32, #tpu.memory_space<vmem>>) semaphore(%arg17 : memref<!tpu.dma_semaphore, #tpu.memory_space<semaphore_mem>>) {add = true}
        %mul3A_97 = arith.constant 2 : i32
        %mul3A_98 = arith.muli %mul3A_97, %scan3A_76 : i32
        %add3A_99 = arith.constant 0 : i32
        %add3A_100 = arith.addi %mul3A_98, %add3A_99 : i32
        %dma_wait3A_101 = arith.constant 0 : i32
        %dma_wait3A_102 = tpu.memref_slice %arg11[%add3A_100, %dma_wait3A_101] : memref<40x128xi32, #tpu.memory_space<vmem>> -> memref<1x128xi32, #tpu.memory_space<vmem>>
        %dma_wait3A_103 = tpu.memref_squeeze %dma_wait3A_102 : memref<1x128xi32, #tpu.memory_space<vmem>> -> memref<128xi32, #tpu.memory_space<vmem>>
        %dma_wait3A_104 = arith.constant 0 : i32
        %dma_wait3A_105 = arith.constant 0 : i32
        %dma_wait3A_106 = tpu.memref_slice %arg19[%dma_wait3A_104, %dma_wait3A_105] : memref<10240x128xf32, #tpu.memory_space<vmem_shared>> -> memref<10240x128xf32, #tpu.memory_space<vmem_shared>>
        tpu.wait_indirect_dma semaphore(%arg16 : memref<!tpu.dma_semaphore, #tpu.memory_space<semaphore_mem>>) src(%arg12 : memref<128x128xf32, #tpu.memory_space<vmem>>) dst(%dma_wait3A_106 : memref<10240x128xf32, #tpu.memory_space<vmem_shared>>)
        %mul3A_107 = arith.constant 2 : i32
        %mul3A_108 = arith.muli %mul3A_107, %scan3A_76 : i32
        %add3A_109 = arith.constant 1 : i32
        %add3A_110 = arith.addi %mul3A_108, %add3A_109 : i32
        %dma_wait3A_111 = arith.constant 0 : i32
        %dma_wait3A_112 = tpu.memref_slice %arg11[%add3A_110, %dma_wait3A_111] : memref<40x128xi32, #tpu.memory_space<vmem>> -> memref<1x128xi32, #tpu.memory_space<vmem>>
        %dma_wait3A_113 = tpu.memref_squeeze %dma_wait3A_112 : memref<1x128xi32, #tpu.memory_space<vmem>> -> memref<128xi32, #tpu.memory_space<vmem>>
        %dma_wait3A_114 = arith.constant 0 : i32
        %dma_wait3A_115 = arith.constant 0 : i32
        %dma_wait3A_116 = tpu.memref_slice %arg19[%dma_wait3A_114, %dma_wait3A_115] : memref<10240x128xf32, #tpu.memory_space<vmem_shared>> -> memref<10240x128xf32, #tpu.memory_space<vmem_shared>>
        tpu.wait_indirect_dma semaphore(%arg17 : memref<!tpu.dma_semaphore, #tpu.memory_space<semaphore_mem>>) src(%arg12 : memref<128x128xf32, #tpu.memory_space<vmem>>) dst(%dma_wait3A_116 : memref<10240x128xf32, #tpu.memory_space<vmem_shared>>)
      }
      %scan3A_74 = arith.constant 20 : i32
      %barrier3A_75 = arith.constant 0 : index
      tpu.barrier barrier_id(%barrier3A_75)
      "tpu.region"() ({
        %run_scoped3A = tpu.sem_alloc : memref<!tpu.dma_semaphore, #tpu.memory_space<semaphore_mem>>
        %dma_start3A_76 = arith.constant 0 : i32
        %dma_start3A_77 = tpu.memref_slice %arg9[%arg0, %mul3A_0, %dma_start3A_76] : memref<2x10240x128xf32, #tpu.memory_space<hbm>> -> memref<1x640x128xf32, #tpu.memory_space<hbm>>
        %dma_start3A_78 = tpu.memref_squeeze %dma_start3A_77 : memref<1x640x128xf32, #tpu.memory_space<hbm>> -> memref<640x128xf32, #tpu.memory_space<hbm>>
        %dma_start3A_79 = arith.constant 0 : i32
        %dma_start3A_80 = tpu.memref_slice %arg19[%mul3A_0, %dma_start3A_79] : memref<10240x128xf32, #tpu.memory_space<vmem_shared>> -> memref<640x128xf32, #tpu.memory_space<vmem_shared>>
        tpu.enqueue_dma source(%dma_start3A_80 : memref<640x128xf32, #tpu.memory_space<vmem_shared>>) target(%dma_start3A_78 : memref<640x128xf32, #tpu.memory_space<hbm>>) target_semaphore(%run_scoped3A : memref<!tpu.dma_semaphore, #tpu.memory_space<semaphore_mem>>)
        %dma_wait3A_81 = arith.constant 0 : i32
        %dma_wait3A_82 = tpu.memref_slice %arg9[%arg0, %mul3A_0, %dma_wait3A_81] : memref<2x10240x128xf32, #tpu.memory_space<hbm>> -> memref<1x640x128xf32, #tpu.memory_space<hbm>>
        %dma_wait3A_83 = tpu.memref_squeeze %dma_wait3A_82 : memref<1x640x128xf32, #tpu.memory_space<hbm>> -> memref<640x128xf32, #tpu.memory_space<hbm>>
        %dma_wait3A_84 = arith.constant 0 : i32
        %dma_wait3A_85 = tpu.memref_slice %arg19[%mul3A_0, %dma_wait3A_84] : memref<10240x128xf32, #tpu.memory_space<vmem_shared>> -> memref<640x128xf32, #tpu.memory_space<vmem_shared>>
        tpu.wait_dma2 semaphore(%run_scoped3A : memref<!tpu.dma_semaphore, #tpu.memory_space<semaphore_mem>>) src(%dma_wait3A_85 : memref<640x128xf32, #tpu.memory_space<vmem_shared>>) dst(%dma_wait3A_83 : memref<640x128xf32, #tpu.memory_space<hbm>>)
        tpu.yield
      }) : () -> ()
    } else {
    }
    return
  }
}

module attributes {stable_mosaic.version = 14 : i64} {
  func.func @_layer1_body(%arg0: i32, %arg1: memref<2x2048x128xf32, #tpu.memory_space<vmem>>, %arg2: memref<2x2048x128xf32, #tpu.memory_space<vmem>>, %arg3: memref<2048x256xf32, #tpu.memory_space<vmem>>, %arg4: memref<256x256xf32, #tpu.memory_space<vmem>>, %arg5: memref<256x256xf32, #tpu.memory_space<vmem>>, %arg6: memref<1x256xf32, #tpu.memory_space<vmem>>, %arg7: memref<2x2048x128xf32, #tpu.memory_space<vmem>>) attributes {dimension_semantics = [#tpu.dimension_semantics<arbitrary>], iteration_bounds = array<i64: 5>, scalar_prefetch = 0 : i64, scratch_operands = 0 : i64, tpu.core_type = #tpu.core_type<tc>, window_params = [{transform_indices = @transform_0, window_bounds = array<i64: 2, 2048, 128>}, {transform_indices = @transform_1, window_bounds = array<i64: 2, 2048, 128>}, {transform_indices = @transform_2, window_bounds = array<i64: 2048, 256>}, {pipeline_mode = #tpu.pipeline_mode<synchronous>, transform_indices = @transform_3, window_bounds = array<i64: 256, 256>}, {pipeline_mode = #tpu.pipeline_mode<synchronous>, transform_indices = @transform_4, window_bounds = array<i64: 256, 256>}, {pipeline_mode = #tpu.pipeline_mode<synchronous>, transform_indices = @transform_5, window_bounds = array<i64: 1, 256>}, {transform_indices = @transform_6, window_bounds = array<i64: 2, 2048, 128>}]} {
    %get3A = arith.constant 0 : index
    %get3A_0 = arith.constant 0 : index
    %get3A_1 = arith.constant 0 : index
    %get3A_2 = vector.load %arg2[%get3A, %get3A_0, %get3A_1] : memref<2x2048x128xf32, #tpu.memory_space<vmem>>, vector<1x2048x1xf32>
    %get3A_3 = vector.shape_cast %get3A_2 : vector<1x2048x1xf32> to vector<2048x1xf32>
    %get3A_4 = arith.constant 1 : index
    %get3A_5 = arith.constant 0 : index
    %get3A_6 = arith.constant 0 : index
    %get3A_7 = vector.load %arg2[%get3A_4, %get3A_5, %get3A_6] : memref<2x2048x128xf32, #tpu.memory_space<vmem>>, vector<1x2048x1xf32>
    %get3A_8 = vector.shape_cast %get3A_7 : vector<1x2048x1xf32> to vector<2048x1xf32>
    %add3A = arith.addf %get3A_3, %get3A_8 : vector<2048x1xf32>
    %max3A = arith.constant 1.000000e+00 : f32
    %max3A_9 = vector.broadcast %max3A : f32 to vector<2048x1xf32>
    %max3A_10 = arith.maximumf %add3A, %max3A_9 : vector<2048x1xf32>
    %div3A = arith.constant 1.000000e+00 : f32
    %div3A_11 = vector.broadcast %div3A : f32 to vector<2048x1xf32>
    %div3A_12 = arith.divf %div3A_11, %max3A_10 : vector<2048x1xf32>
    %get3A_13 = arith.constant 0 : index
    %get3A_14 = arith.constant 0 : index
    %get3A_15 = arith.constant 0 : index
    %get3A_16 = vector.load %arg1[%get3A_13, %get3A_14, %get3A_15] : memref<2x2048x128xf32, #tpu.memory_space<vmem>>, vector<1x2048x128xf32>
    %get3A_17 = vector.shape_cast %get3A_16 : vector<1x2048x128xf32> to vector<2048x128xf32>
    %get3A_18 = arith.constant 1 : index
    %get3A_19 = arith.constant 0 : index
    %get3A_20 = arith.constant 0 : index
    %get3A_21 = vector.load %arg1[%get3A_18, %get3A_19, %get3A_20] : memref<2x2048x128xf32, #tpu.memory_space<vmem>>, vector<1x2048x128xf32>
    %get3A_22 = vector.shape_cast %get3A_21 : vector<1x2048x128xf32> to vector<2048x128xf32>
    %concatenate3A = tpu.concatenate %get3A_17, %get3A_22 in 1 : vector<2048x128xf32>, vector<2048x128xf32> -> vector<2048x256xf32>
    %mul3A = vector.broadcast %div3A_12 : vector<2048x1xf32> to vector<2048x256xf32>
    %mul3A_23 = arith.mulf %concatenate3A, %mul3A : vector<2048x256xf32>
    %get3A_24 = arith.constant 0 : index
    %get3A_25 = arith.constant 0 : index
    %get3A_26 = vector.load %arg4[%get3A_24, %get3A_25] : memref<256x256xf32, #tpu.memory_space<vmem>>, vector<256x256xf32>
    %dot_general3A = arith.constant dense<0.000000e+00> : vector<2048x256xf32>
    %dot_general3A_27 = tpu.matmul %mul3A_23, %get3A_26, %dot_general3A {dimension_numbers = #tpu.dot_dimension_numbers<[1], [0], [0], [1], [0, 0, 1, 1], [], []>, transpose_lhs_hint = false} : vector<2048x256xf32>, vector<256x256xf32>, vector<2048x256xf32> -> vector<2048x256xf32>
    %get3A_28 = arith.constant 0 : index
    %get3A_29 = arith.constant 0 : index
    %get3A_30 = vector.load %arg3[%get3A_28, %get3A_29] : memref<2048x256xf32, #tpu.memory_space<vmem>>, vector<2048x256xf32>
    %get3A_31 = arith.constant 0 : index
    %get3A_32 = arith.constant 0 : index
    %get3A_33 = vector.load %arg5[%get3A_31, %get3A_32] : memref<256x256xf32, #tpu.memory_space<vmem>>, vector<256x256xf32>
    %dot_general3A_34 = arith.constant dense<0.000000e+00> : vector<2048x256xf32>
    %dot_general3A_35 = tpu.matmul %get3A_30, %get3A_33, %dot_general3A_34 {dimension_numbers = #tpu.dot_dimension_numbers<[1], [0], [0], [1], [0, 0, 1, 1], [], []>, transpose_lhs_hint = false} : vector<2048x256xf32>, vector<256x256xf32>, vector<2048x256xf32> -> vector<2048x256xf32>
    %add3A_36 = arith.addf %dot_general3A_27, %dot_general3A_35 : vector<2048x256xf32>
    %get3A_37 = arith.constant 0 : index
    %get3A_38 = arith.constant 0 : index
    %get3A_39 = vector.load %arg6[%get3A_37, %get3A_38] : memref<1x256xf32, #tpu.memory_space<vmem>>, vector<1x256xf32>
    %add3A_40 = vector.broadcast %get3A_39 : vector<1x256xf32> to vector<2048x256xf32>
    %add3A_41 = arith.addf %add3A_36, %add3A_40 : vector<2048x256xf32>
    %max3A_42 = arith.constant 0.000000e+00 : f32
    %max3A_43 = vector.broadcast %max3A_42 : f32 to vector<2048x256xf32>
    %max3A_44 = arith.maximumf %add3A_41, %max3A_43 : vector<2048x256xf32>
    %slice3A = vector.extract_strided_slice %max3A_44 {offsets = [0, 0], sizes = [2048, 128], strides = [1, 1]} : vector<2048x256xf32> to vector<2048x128xf32>
    %swap3A = arith.constant 0 : index
    %swap3A_45 = arith.constant 0 : index
    %swap3A_46 = arith.constant 0 : index
    %swap3A_47 = vector.load %arg7[%swap3A, %swap3A_45, %swap3A_46] : memref<2x2048x128xf32, #tpu.memory_space<vmem>>, vector<1x2048x128xf32>
    %swap3A_48 = vector.shape_cast %swap3A_47 : vector<1x2048x128xf32> to vector<2048x128xf32>
    %swap3A_49 = vector.shape_cast %slice3A : vector<2048x128xf32> to vector<1x2048x128xf32>
    tpu.vector_store %arg7[%swap3A, %swap3A_45, %swap3A_46], %swap3A_49 {strides = array<i32>} : memref<2x2048x128xf32, #tpu.memory_space<vmem>>, vector<1x2048x128xf32>,
    %slice3A_50 = vector.extract_strided_slice %max3A_44 {offsets = [0, 128], sizes = [2048, 128], strides = [1, 1]} : vector<2048x256xf32> to vector<2048x128xf32>
    %swap3A_51 = arith.constant 1 : index
    %swap3A_52 = arith.constant 0 : index
    %swap3A_53 = arith.constant 0 : index
    %swap3A_54 = vector.load %arg7[%swap3A_51, %swap3A_52, %swap3A_53] : memref<2x2048x128xf32, #tpu.memory_space<vmem>>, vector<1x2048x128xf32>
    %swap3A_55 = vector.shape_cast %swap3A_54 : vector<1x2048x128xf32> to vector<2048x128xf32>
    %swap3A_56 = vector.shape_cast %slice3A_50 : vector<2048x128xf32> to vector<1x2048x128xf32>
    tpu.vector_store %arg7[%swap3A_51, %swap3A_52, %swap3A_53], %swap3A_56 {strides = array<i32>} : memref<2x2048x128xf32, #tpu.memory_space<vmem>>, vector<1x2048x128xf32>,
    return
  }
  func.func @transform_0(%arg0: i32) -> (i32, i32, i32) {
    %c0_i32 = arith.constant 0 : i32
    %c0_i32_0 = arith.constant 0 : i32
    %c0_i32_1 = arith.constant 0 : i32
    return %c0_i32, %arg0, %c0_i32_0 : i32, i32, i32
  }
  func.func @transform_1(%arg0: i32) -> (i32, i32, i32) {
    %c0_i32 = arith.constant 0 : i32
    %c0_i32_0 = arith.constant 0 : i32
    %c0_i32_1 = arith.constant 0 : i32
    return %c0_i32, %arg0, %c0_i32_0 : i32, i32, i32
  }
  func.func @transform_2(%arg0: i32) -> (i32, i32) {
    %c0_i32 = arith.constant 0 : i32
    %c0_i32_0 = arith.constant 0 : i32
    return %arg0, %c0_i32 : i32, i32
  }
  func.func @transform_3(%arg0: i32) -> (i32, i32) {
    %c0_i32 = arith.constant 0 : i32
    %c0_i32_0 = arith.constant 0 : i32
    %c0_i32_1 = arith.constant 0 : i32
    return %c0_i32, %c0_i32_0 : i32, i32
  }
  func.func @transform_4(%arg0: i32) -> (i32, i32) {
    %c0_i32 = arith.constant 0 : i32
    %c0_i32_0 = arith.constant 0 : i32
    %c0_i32_1 = arith.constant 0 : i32
    return %c0_i32, %c0_i32_0 : i32, i32
  }
  func.func @transform_5(%arg0: i32) -> (i32, i32) {
    %c0_i32 = arith.constant 0 : i32
    %c0_i32_0 = arith.constant 0 : i32
    %c0_i32_1 = arith.constant 0 : i32
    return %c0_i32, %c0_i32_0 : i32, i32
  }
  func.func @transform_6(%arg0: i32) -> (i32, i32, i32) {
    %c0_i32 = arith.constant 0 : i32
    %c0_i32_0 = arith.constant 0 : i32
    %c0_i32_1 = arith.constant 0 : i32
    return %c0_i32, %arg0, %c0_i32_0 : i32, i32, i32
  }
}

module attributes {stable_mosaic.version = 14 : i64} {
  func.func @_layer2_body(%arg0: i32, %arg1: memref<2x2048x128xf32, #tpu.memory_space<vmem>>, %arg2: memref<2x2048x128xf32, #tpu.memory_space<vmem>>, %arg3: memref<2x2048x128xf32, #tpu.memory_space<vmem>>, %arg4: memref<256x256xf32, #tpu.memory_space<vmem>>, %arg5: memref<256x256xf32, #tpu.memory_space<vmem>>, %arg6: memref<1x256xf32, #tpu.memory_space<vmem>>, %arg7: memref<256x128xf32, #tpu.memory_space<vmem>>, %arg8: memref<1x128xf32, #tpu.memory_space<vmem>>, %arg9: memref<2048x128xf32, #tpu.memory_space<vmem>>) attributes {dimension_semantics = [#tpu.dimension_semantics<arbitrary>], iteration_bounds = array<i64: 5>, scalar_prefetch = 0 : i64, scratch_operands = 0 : i64, tpu.core_type = #tpu.core_type<tc>, window_params = [{transform_indices = @transform_0, window_bounds = array<i64: 2, 2048, 128>}, {transform_indices = @transform_1, window_bounds = array<i64: 2, 2048, 128>}, {transform_indices = @transform_2, window_bounds = array<i64: 2, 2048, 128>}, {pipeline_mode = #tpu.pipeline_mode<synchronous>, transform_indices = @transform_3, window_bounds = array<i64: 256, 256>}, {pipeline_mode = #tpu.pipeline_mode<synchronous>, transform_indices = @transform_4, window_bounds = array<i64: 256, 256>}, {pipeline_mode = #tpu.pipeline_mode<synchronous>, transform_indices = @transform_5, window_bounds = array<i64: 1, 256>}, {pipeline_mode = #tpu.pipeline_mode<synchronous>, transform_indices = @transform_6, window_bounds = array<i64: 256, 128>}, {pipeline_mode = #tpu.pipeline_mode<synchronous>, transform_indices = @transform_7, window_bounds = array<i64: 1, 128>}, {transform_indices = @transform_8, window_bounds = array<i64: 2048, 128>}]} {
    %get3A = arith.constant 0 : index
    %get3A_0 = arith.constant 0 : index
    %get3A_1 = arith.constant 0 : index
    %get3A_2 = vector.load %arg2[%get3A, %get3A_0, %get3A_1] : memref<2x2048x128xf32, #tpu.memory_space<vmem>>, vector<1x2048x1xf32>
    %get3A_3 = vector.shape_cast %get3A_2 : vector<1x2048x1xf32> to vector<2048x1xf32>
    %get3A_4 = arith.constant 1 : index
    %get3A_5 = arith.constant 0 : index
    %get3A_6 = arith.constant 0 : index
    %get3A_7 = vector.load %arg2[%get3A_4, %get3A_5, %get3A_6] : memref<2x2048x128xf32, #tpu.memory_space<vmem>>, vector<1x2048x1xf32>
    %get3A_8 = vector.shape_cast %get3A_7 : vector<1x2048x1xf32> to vector<2048x1xf32>
    %add3A = arith.addf %get3A_3, %get3A_8 : vector<2048x1xf32>
    %max3A = arith.constant 1.000000e+00 : f32
    %max3A_9 = vector.broadcast %max3A : f32 to vector<2048x1xf32>
    %max3A_10 = arith.maximumf %add3A, %max3A_9 : vector<2048x1xf32>
    %div3A = arith.constant 1.000000e+00 : f32
    %div3A_11 = vector.broadcast %div3A : f32 to vector<2048x1xf32>
    %div3A_12 = arith.divf %div3A_11, %max3A_10 : vector<2048x1xf32>
    %get3A_13 = arith.constant 0 : index
    %get3A_14 = arith.constant 0 : index
    %get3A_15 = arith.constant 0 : index
    %get3A_16 = vector.load %arg1[%get3A_13, %get3A_14, %get3A_15] : memref<2x2048x128xf32, #tpu.memory_space<vmem>>, vector<1x2048x128xf32>
    %get3A_17 = vector.shape_cast %get3A_16 : vector<1x2048x128xf32> to vector<2048x128xf32>
    %get3A_18 = arith.constant 1 : index
    %get3A_19 = arith.constant 0 : index
    %get3A_20 = arith.constant 0 : index
    %get3A_21 = vector.load %arg1[%get3A_18, %get3A_19, %get3A_20] : memref<2x2048x128xf32, #tpu.memory_space<vmem>>, vector<1x2048x128xf32>
    %get3A_22 = vector.shape_cast %get3A_21 : vector<1x2048x128xf32> to vector<2048x128xf32>
    %concatenate3A = tpu.concatenate %get3A_17, %get3A_22 in 1 : vector<2048x128xf32>, vector<2048x128xf32> -> vector<2048x256xf32>
    %mul3A = vector.broadcast %div3A_12 : vector<2048x1xf32> to vector<2048x256xf32>
    %mul3A_23 = arith.mulf %concatenate3A, %mul3A : vector<2048x256xf32>
    %get3A_24 = arith.constant 0 : index
    %get3A_25 = arith.constant 0 : index
    %get3A_26 = arith.constant 0 : index
    %get3A_27 = vector.load %arg3[%get3A_24, %get3A_25, %get3A_26] : memref<2x2048x128xf32, #tpu.memory_space<vmem>>, vector<1x2048x128xf32>
    %get3A_28 = vector.shape_cast %get3A_27 : vector<1x2048x128xf32> to vector<2048x128xf32>
    %get3A_29 = arith.constant 1 : index
    %get3A_30 = arith.constant 0 : index
    %get3A_31 = arith.constant 0 : index
    %get3A_32 = vector.load %arg3[%get3A_29, %get3A_30, %get3A_31] : memref<2x2048x128xf32, #tpu.memory_space<vmem>>, vector<1x2048x128xf32>
    %get3A_33 = vector.shape_cast %get3A_32 : vector<1x2048x128xf32> to vector<2048x128xf32>
    %concatenate3A_34 = tpu.concatenate %get3A_28, %get3A_33 in 1 : vector<2048x128xf32>, vector<2048x128xf32> -> vector<2048x256xf32>
    %get3A_35 = arith.constant 0 : index
    %get3A_36 = arith.constant 0 : index
    %get3A_37 = vector.load %arg4[%get3A_35, %get3A_36] : memref<256x256xf32, #tpu.memory_space<vmem>>, vector<256x256xf32>
    %dot_general3A = arith.constant dense<0.000000e+00> : vector<2048x256xf32>
    %dot_general3A_38 = tpu.matmul %mul3A_23, %get3A_37, %dot_general3A {dimension_numbers = #tpu.dot_dimension_numbers<[1], [0], [0], [1], [0, 0, 1, 1], [], []>, transpose_lhs_hint = false} : vector<2048x256xf32>, vector<256x256xf32>, vector<2048x256xf32> -> vector<2048x256xf32>
    %get3A_39 = arith.constant 0 : index
    %get3A_40 = arith.constant 0 : index
    %get3A_41 = vector.load %arg5[%get3A_39, %get3A_40] : memref<256x256xf32, #tpu.memory_space<vmem>>, vector<256x256xf32>
    %dot_general3A_42 = arith.constant dense<0.000000e+00> : vector<2048x256xf32>
    %dot_general3A_43 = tpu.matmul %concatenate3A_34, %get3A_41, %dot_general3A_42 {dimension_numbers = #tpu.dot_dimension_numbers<[1], [0], [0], [1], [0, 0, 1, 1], [], []>, transpose_lhs_hint = false} : vector<2048x256xf32>, vector<256x256xf32>, vector<2048x256xf32> -> vector<2048x256xf32>
    %add3A_44 = arith.addf %dot_general3A_38, %dot_general3A_43 : vector<2048x256xf32>
    %get3A_45 = arith.constant 0 : index
    %get3A_46 = arith.constant 0 : index
    %get3A_47 = vector.load %arg6[%get3A_45, %get3A_46] : memref<1x256xf32, #tpu.memory_space<vmem>>, vector<1x256xf32>
    %add3A_48 = vector.broadcast %get3A_47 : vector<1x256xf32> to vector<2048x256xf32>
    %add3A_49 = arith.addf %add3A_44, %add3A_48 : vector<2048x256xf32>
    %get3A_50 = arith.constant 0 : index
    %get3A_51 = arith.constant 0 : index
    %get3A_52 = vector.load %arg7[%get3A_50, %get3A_51] : memref<256x128xf32, #tpu.memory_space<vmem>>, vector<256x128xf32>
    %dot_general3A_53 = arith.constant dense<0.000000e+00> : vector<2048x128xf32>
    %dot_general3A_54 = tpu.matmul %add3A_49, %get3A_52, %dot_general3A_53 {dimension_numbers = #tpu.dot_dimension_numbers<[1], [0], [0], [1], [0, 0, 1, 1], [], []>, transpose_lhs_hint = false} : vector<2048x256xf32>, vector<256x128xf32>, vector<2048x128xf32> -> vector<2048x128xf32>
    %get3A_55 = arith.constant 0 : index
    %get3A_56 = arith.constant 0 : index
    %get3A_57 = vector.load %arg8[%get3A_55, %get3A_56] : memref<1x128xf32, #tpu.memory_space<vmem>>, vector<1x128xf32>
    %add3A_58 = vector.broadcast %get3A_57 : vector<1x128xf32> to vector<2048x128xf32>
    %add3A_59 = arith.addf %dot_general3A_54, %add3A_58 : vector<2048x128xf32>
    %swap3A = arith.constant 0 : index
    %swap3A_60 = arith.constant 0 : index
    %swap3A_61 = vector.load %arg9[%swap3A, %swap3A_60] : memref<2048x128xf32, #tpu.memory_space<vmem>>, vector<2048x128xf32>
    tpu.vector_store %arg9[%swap3A, %swap3A_60], %add3A_59 {strides = array<i32>} : memref<2048x128xf32, #tpu.memory_space<vmem>>, vector<2048x128xf32>,
    return
  }
  func.func @transform_0(%arg0: i32) -> (i32, i32, i32) {
    %c0_i32 = arith.constant 0 : i32
    %c0_i32_0 = arith.constant 0 : i32
    %c0_i32_1 = arith.constant 0 : i32
    return %c0_i32, %arg0, %c0_i32_0 : i32, i32, i32
  }
  func.func @transform_1(%arg0: i32) -> (i32, i32, i32) {
    %c0_i32 = arith.constant 0 : i32
    %c0_i32_0 = arith.constant 0 : i32
    %c0_i32_1 = arith.constant 0 : i32
    return %c0_i32, %arg0, %c0_i32_0 : i32, i32, i32
  }
  func.func @transform_2(%arg0: i32) -> (i32, i32, i32) {
    %c0_i32 = arith.constant 0 : i32
    %c0_i32_0 = arith.constant 0 : i32
    %c0_i32_1 = arith.constant 0 : i32
    return %c0_i32, %arg0, %c0_i32_0 : i32, i32, i32
  }
  func.func @transform_3(%arg0: i32) -> (i32, i32) {
    %c0_i32 = arith.constant 0 : i32
    %c0_i32_0 = arith.constant 0 : i32
    %c0_i32_1 = arith.constant 0 : i32
    return %c0_i32, %c0_i32_0 : i32, i32
  }
  func.func @transform_4(%arg0: i32) -> (i32, i32) {
    %c0_i32 = arith.constant 0 : i32
    %c0_i32_0 = arith.constant 0 : i32
    %c0_i32_1 = arith.constant 0 : i32
    return %c0_i32, %c0_i32_0 : i32, i32
  }
  func.func @transform_5(%arg0: i32) -> (i32, i32) {
    %c0_i32 = arith.constant 0 : i32
    %c0_i32_0 = arith.constant 0 : i32
    %c0_i32_1 = arith.constant 0 : i32
    return %c0_i32, %c0_i32_0 : i32, i32
  }
  func.func @transform_6(%arg0: i32) -> (i32, i32) {
    %c0_i32 = arith.constant 0 : i32
    %c0_i32_0 = arith.constant 0 : i32
    %c0_i32_1 = arith.constant 0 : i32
    return %c0_i32, %c0_i32_0 : i32, i32
  }
  func.func @transform_7(%arg0: i32) -> (i32, i32) {
    %c0_i32 = arith.constant 0 : i32
    %c0_i32_0 = arith.constant 0 : i32
    %c0_i32_1 = arith.constant 0 : i32
    return %c0_i32, %c0_i32_0 : i32, i32
  }
  func.func @transform_8(%arg0: i32) -> (i32, i32) {
    %c0_i32 = arith.constant 0 : i32
    %c0_i32_0 = arith.constant 0 : i32
    return %arg0, %c0_i32 : i32, i32
  }
}

</mosaic_0001>

<sc_bundles>
// kernel: kernel.6.cloned.1.call-start
scs
__scs_entry_jumppad:
0x0: {  	(pc) =	sbr.rel $0x88, $3  }
0x1: {  	(tag) =	ssettag $0x0;
	lr =	simm.s32 $0x1  }
0x2: {  	[smem:$0x3F97] =	sst lr;
	_ =	strace $0xD0000000  }
0x3: {  	_ = 	snop  }
0x4: {  	_ = 	snop  }
0x5: {  	_ = 	snop  }
0x6: {  	_ = 	snop  }
0x7: {  	_ = 	snop  }
__scs_overlays_trampoline_lowered:
0x8: {  	[smem:$0x3FA6] =	sst s0  }
0x9: {  	[smem:$0x3FA7] =	sst s1  }
0xa: {  	[smem:$0x3FA8] =	sst s2  }
0xb: {  	[smem:$0x3FA9] =	sst s3  }
0xc: {  	[smem:$0x3FAA] =	sst s4  }
0xd: {  	[smem:$0x3FAB] =	sst s5  }
0xe: {  	[smem:$0x3FAC] =	sst s6  }
0xf: {  	[smem:$0x3FAD] =	sst s7  }
0x10: {  	[smem:$0x3FAE] =	sst s8  }
0x11: {  	[smem:$0x3FAF] =	sst s9;
	s0 =	simm.s32 @!p0 $0x0  }
0x12: {  	s1 =	sld [smem:$0x3F95];
	s0 =	simm.s32 @p0 $0x1  }
0x13: {  	[smem:$0x3FB0] =	sst s0;
	s0 =	simm.s32 @!p1 $0x0  }
0x14: {  	s2 =	sld [smem:$0x3F94];
	s0 =	simm.s32 @p1 $0x1  }
0x15: {  	[smem:$0x3FB1] =	sst s0;
	s0 =	simm.s32 @!p2 $0x0  }
0x16: {  	s3 =	sld [smem:$0x3FDB];
	s0 =	simm.s32 @p2 $0x1  }
0x17: {  	s4 =	simm.s32 $0x1BF5;
	[smem:$0x3FB3] =	sst s0  }
0x18: {  	s0 =	sld [smem:$0x3F96];
	_ =	swait.ge [sflag:s4], $0x0  }
0x19: {  	s7 =	sld [smem:$0x3F97]  }
0x1a: {  	s8 =	sadd.s32 $0xFFFFE003, lr  }
0x1b: {  	s9 =	sadd.s32 $0xFFFFFEF7, lr;
	s5 =	simm.s32 $0xFFFFFFFF;
	p2 =	slt.u32 s8, $0xFFFFF086  }
0x1c: {  	p1 =	slt.u32 s9, $0xF7A;
	s5 =	simm.s32 @!p2 $0x0  }
0x1d: {  	s5 =	simm.s32 @p1 $0x1;
	p0 =	seq.s32 s7, s2  }
0x1e: {  	s7 =	smul.u32 @!p0 $0xF7A, s2;
	p2 =	seq.s32 @!p0 s5, $0x0  }
0x1f: {  	s9 =	smul.u32 $0xF7A, s1;
	s8 =	simm.s32 @!p0 $0x1BF5;
	p2 =	por !p2, p0  }
0x20: {  	[sflag:s8] =	ssyncset.s32 @!p0 $0xFFFFF086;
	s6 =	sadd.s32 @!p0 s3, s7;
	s7 =	simm.s32 @!p0 $0x108  }
0x21: {  	s3 =	sadd.s32 s3, s9;
	s6 =	sadd.s32 @!p0 $0x88, s6;
	s7 =	simm.s32 @p2 $0x1082  }
0x22: {  	[simem:s7], [sflag:s8] =	dma.local @!p0 [hbm:s6], $0xF7A  }
0x23: {  	s9 =	sor.u32 $0xD0000000, s2;
	s6 =	simm.s32 $0x108;
	_ =	swait.ge @!p0 [sflag:s8], $0x0  }
0x24: {  	s3 =	sadd.s32 $0x88, s3;
	s6 =	simm.s32 @!p1 $0x1082;
	[sflag:s4] =	ssyncset.s32 $0xFFFFF086  }
0x25: {  	[simem:s6], [sflag:s4] =	dma.local [hbm:s3], $0xF7A  }
0x26: {  	[smem:$0x3F97] =	sst s1;
	(tag) =	ssettag s2;
	_ =	strace s9  }
0x27: {  	s1 =	sld [smem:$0x3FA7]  }
0x28: {  	s2 =	sld [smem:$0x3FA8]  }
0x29: {  	s4 =	sld [smem:$0x3FAA]  }
0x2a: {  	p0 =	seq.s32 s5, $0x0;
	s5 =	sld [smem:$0x3FAB]  }
0x2b: {  	s6 =	sld [smem:$0x3FAC]  }
0x2c: {  	s7 =	sld [smem:$0x3FAD]  }
0x2d: {  	s3 =	simm.s32 $0x108;
	s8 =	sld [smem:$0x3FAE]  }
0x2e: {  	s3 =	simm.s32 @!p0 $0x1082;
	s9 =	sld [smem:$0x3FAF]  }
0x2f: {  	lr =	sadd.s32 s0, s3;
	s0 =	sld [smem:$0x3FA6]  }
0x30: {  	s3 =	sld [smem:$0x3FA9]  }
0x31: {  	[smem:$0x3FB2] =	sst s10  }
0x32: {  	s10 =	sld [smem:$0x3FB0];
	_ =	sdelay $0x3  }
0x33: {  	p0 =	seq.s32 s10, $0x1;
	s10 =	sld [smem:$0x3FB2];
	_ =	sdelay $0x3  }
0x34: {  	[smem:$0x3FB2] =	sst s10  }
0x35: {  	s10 =	sld [smem:$0x3FB1];
	_ =	sdelay $0x3  }
0x36: {  	p1 =	seq.s32 s10, $0x1;
	s10 =	sld [smem:$0x3FB2];
	_ =	sdelay $0x3  }
0x37: {  	[smem:$0x3FB2] =	sst s10  }
0x38: {  	s10 =	sld [smem:$0x3FB3]  }
0x39: {  	_ = 	snop;
	(pc) =	sbr.ind lr, $3  }
0x3a: {  	_ = 	snop  }
0x3b: {  	_ = 	snop  }
0x3c: {  	p2 =	seq.s32 s10, $0x1;
	s10 =	sld [smem:$0x3FB2]  }
0x3d: {  	_ =	shalt  }
0x3e: {  	_ =	shalt  }
0x3f: {  	_ =	shalt  }
0x40: {  	_ =	shalt  }
0x41: {  	_ =	shalt  }
0x42: {  	_ =	shalt  }
0x43: {  	_ =	shalt  }
0x44: {  	_ =	shalt  }
0x45: {  	_ =	shalt  }
0x46: {  	_ =	shalt  }
0x47: {  	_ =	shalt  }
0x48: {  	_ =	shalt  }
0x49: {  	_ =	shalt  }
0x4a: {  	_ =	shalt  }
0x4b: {  	_ =	shalt  }
0x4c: {  	_ =	shalt  }
0x4d: {  	_ =	shalt  }
0x4e: {  	_ =	shalt  }
0x4f: {  	_ =	shalt  }
0x50: {  	_ =	shalt  }
0x51: {  	_ =	shalt  }
0x52: {  	_ =	shalt  }
0x53: {  	_ =	shalt  }
0x54: {  	_ =	shalt  }
0x55: {  	_ =	shalt  }
0x56: {  	_ =	shalt  }
0x57: {  	_ =	shalt  }
0x58: {  	_ =	shalt  }
0x59: {  	_ =	shalt  }
0x5a: {  	_ =	shalt  }
0x5b: {  	_ =	shalt  }
0x5c: {  	_ =	shalt  }
0x5d: {  	_ =	shalt  }
0x5e: {  	_ =	shalt  }
0x5f: {  	_ =	shalt  }
0x60: {  	_ =	shalt  }
0x61: {  	_ =	shalt  }
0x62: {  	_ =	shalt  }
0x63: {  	_ =	shalt  }
0x64: {  	_ =	shalt  }
0x65: {  	_ =	shalt  }
0x66: {  	_ =	shalt  }
0x67: {  	_ =	shalt  }
0x68: {  	_ =	shalt  }
0x69: {  	_ =	shalt  }
0x6a: {  	_ =	shalt  }
0x6b: {  	_ =	shalt  }
0x6c: {  	_ =	shalt  }
0x6d: {  	_ =	shalt  }
0x6e: {  	_ =	shalt  }
0x6f: {  	_ =	shalt  }
0x70: {  	_ =	shalt  }
0x71: {  	_ =	shalt  }
0x72: {  	_ =	shalt  }
0x73: {  	_ =	shalt  }
0x74: {  	_ =	shalt  }
0x75: {  	_ =	shalt  }
0x76: {  	_ =	shalt  }
0x77: {  	_ =	shalt  }
0x78: {  	_ =	shalt  }
0x79: {  	_ =	shalt  }
0x7a: {  	_ =	shalt  }
0x7b: {  	_ =	shalt  }
0x7c: {  	_ =	shalt  }
0x7d: {  	_ =	shalt  }
0x7e: {  	_ =	shalt  }
0x7f: {  	_ =	shalt  }
0x80: {  	_ =	shalt  }
0x81: {  	_ =	shalt  }
0x82: {  	_ =	shalt  }
0x83: {  	_ =	shalt  }
0x84: {  	_ =	shalt  }
0x85: {  	_ =	shalt  }
0x86: {  	_ =	shalt  }
0x87: {  	_ =	shalt  }
.Lfunc_end0:
.L_simem_size_0:
called_computation_lowered:
.L_overlay_start_0:
0x88: {  	s2 =	sld [smem:$0x3FD9]  }
0x89: {  	s3 =	sld [smem:$0x3FFE];
	_ =	sdelay $0x1  }
0x8a: {  	s1 =	srdreg.scid  }
0x8b: {  	s0 =	sand.u32 $0x1, s1  }
0x8c: {  	s17 =	sshll.u32 s0, $0xA;
	s2 =	sadd.s32 s3, s2  }
0x8d: {  	s2 =	sadd.s32 s2, s17  }
0x8e: {  	[smem:$0x3FBE] =	sst s2  }
0x8f: {  	_ = 	snop  }
0x90: {  	s2 =	sld [smem:$0x3FD0];
	(tm) =	ssettm $0x1  }
0x91: {  	s18 =	sld [smem:$0x3FFB];
	_ =	sdelay $0x3  }
0x92: {  	_ =	strace s18  }
0x93: {  	s3 =	sld [smem:$0x3FFC];
	_ =	sdelay $0x3  }
0x94: {  	_ =	strace s3  }
0x95: {  	s3 =	sld [smem:$0x3FFD];
	_ =	sdelay $0x3  }
0x96: {  	_ =	strace s3  }
0x97: {  	_ =	strace $0x8FFFFFFF  }
0x98: {  	s19 =	sld [smem:$0x3FDB];
	_ =	sdelay $0x1  }
0x99: {  	s4 =	simm.s32 $_scs_section_size  }
0x9a: {  	s5 =	simm.s32 $_size__tile_overlayer_lowered;
	s6 =	simm.s32 $_tile_overlayer_lowered  }
0x9b: {  	s22 =	simm.s32 $0x1BFF;
	s21 =	sshll.u32 s6, $0x1;
	s3 =	sadd.s32 s4, s19  }
0x9c: {  	s7 =	simm.s32 $0x0;
	s20 =	sshll.u32 s5, $0x1;
	s5 =	sadd.s32 s21, s3  }
0x9d: {  	[timem:s7], [sflag:s22] =	dma.local [hbm:s5], s20  }
0x9e: {  	_ =	swait.ge [sflag:s22], s20  }
0x9f: {  	s4 =	ssub.s32 $0x0, s20;
	[sflag:s22] =	ssyncset.done $0x0  }
0xa0: {  	[sflag:s22] =	ssyncadd.s32 s4;
	_ =	sdelay $0x1  }
0xa1: {  	s23 =	simm.s32 $0x1B8B  }
0xa2: {  	_ =	swait.ge [sflag:s23], $0x1  }
0xa3: {  	[sflag:s23] =	ssyncset.done $0x0  }
0xa4: {  	s25 =	simm.s32 $0x1B8E;
	s24 =	sld [smem:$0x3FFE];
	[sflag:s23] =	ssyncadd.s32 $0xFFFFFFFF  }
0xa5: {  	s26 =	simm.s32 $execute0_lowered;
	[smem:$0x3FD2] =	sst s25  }
0xa6: {  	s5 =	sshll.u32 s26, $0x1;
	_ =	strace $0x80000046;
	[dreg:$0x1] =	wrdreg $0xFFFFFFFF  }
0xa7: {  	s28 =	simm.s32 $_size_execute0_lowered;
	s3 =	sadd.s32 s3, s5;
	[dreg:$0x0] =	wrdreg $0x0  }
0xa8: {  	s5 =	sshll.u32 s28, $0x1;
	[dreg:$0x2] =	wrdreg s3  }
0xa9: {  	[dreg:$0x3] =	wrdreg s5  }
0xaa: {  	[dreg:$0x4] =	wrdreg $0xC0  }
0xab: {  	_ =	task [dreg:s7], $0x5FFFF  }
0xac: {  	[dreg:$0x1] =	wrdreg $0xFFFFFFFF  }
0xad: {  	[dreg:$0x0] =	wrdreg $0x60  }
0xae: {  	[dreg:$0x2] =	wrdreg s24  }
0xaf: {  	[dreg:$0x3] =	wrdreg s2  }
0xb0: {  	[dreg:$0x4] =	wrdreg $0xA8800  }
0xb1: {  	[dreg:$0x5] =	wrdreg $0x9  }
0xb2: {  	_ =	task.clear_ibuf [dreg:s7], $0x6FFFF;
	_ =	strace $0x90000046  }
0xb3: {  	s29 =	simm.s32 $0x9;
	_ =	strace $0x80000048  }
0xb4: {  	_ =	swait.ge [sflag:s29], $0x1  }
0xb5: {  	[sflag:s29] =	ssyncadd.s32 $0xFFFFFFFF  }
0xb6: {  	_ =	strace $0x90000048  }
0xb7: {  	_ =	sfence  }
0xb8: {  	s30 =	sld [smem:$0x0];
	_ =	sdelay $0x2  }
0xb9: {  	s31 =	sshll.u32 s1, $0xD;
	s1 =	sshrl.u32 s1, $0x2  }
0xba: {  	s3 =	sand.u32 $0x4000, s31;
	s1 =	sadd.s32 s1, s30  }
0xbb: {  	s0 =	sor.u32 s3, s0;
	s1 =	sshll.u32 s1, $0x11  }
0xbc: {  	s0 =	sor.u32 s1, s0  }
0xbd: {  	s0 =	sadd.s32 $0x8F2B, s0  }
0xbe: {  	[sflag:s0] =	ssyncadd.remote.s32 $0x1  }
0xbf: {  	_ =	sfence.sel $0xFFFF  }
0xc0: {  	[dreg:$0x0] =	wrdreg $0xFFFFFFFF;
	(pc) =	sbr.abs _section_cstart, $3  }
0xc1: {  	[dreg:$0x1] =	wrdreg $0xFFFFFFFF  }
0xc2: {  	_ =	task.clear_ibuf [dreg:s7], $0x2FFFF;
	_ =	strace $0x9FFFFFFF  }
0xc3: {  	(tm) =	ssettm $0x7FFFFFFF  }
tec
execute0_lowered:
.L_overlay_start_1:
0x0: {  	(tag) =	ssettag $0x1  }
0x1: {  	s0 =	rddreg [dreg:$0x0]  }
0x2: {  	s2 =	rddreg [dreg:$0x1]  }
0x3: {  	s3 =	srdreg.scid;
	s1 =	rddreg [dreg:$0x2]  }
0x4: {  	s13 =	stileid.u32;
	s28 =	simm.s32 $0x80;
	s29 =	simm.s32 $0x2800  }
0x5: {  	s30 =	simm.s32 $0x6800;
	s31 =	simm.s32 $0x3;
	s5 =	sand.u32 $0x1, s3  }
0x6: {  	s3 =	simm.s32 $0x0;
	s7 =	smul.u32 $0x14000, s13;
	s11 =	sadd.s32 $0x52E00, s0  }
0x7: {  	s8 =	sadd.s32 $0x57E00, s0;
	s26 =	smul.u32 $0x50000, s13;
	s12 =	sadd.s32 $0x58E00, s0  }
0x8: {  	s6 =	smul.u32 $0x140000, s5;
	[smem:$0x7FF] =	sst s3;
	s14 =	ssub.s32 $0x2, s5  }
0x9: {  	s5 =	smul.u32 $0x1400, s5;
	_ =	strace $0x80000047;
	[dreg:$0x4] =	wrdreg s8  }
0xa: {  	[dreg:$0x5] =	wrdreg s12;
	s9 =	sshrl.u32 s14, $0x1;
	s12 =	smul.u32 $0x2800, s13  }
0xb: {  	s8 =	sshll.u32 s13, $0x6;
	s4 =	sshrl.u32 s6, $0x3;
	s6 =	sadd.s32 s7, s6  }
0xc: {  	s7 =	sshrl.u32 s26, $0x2;
	s15 =	ssub.s32 s14, s9;
	s9 =	sor.u32 $0x1C01, s8  }
0xd: {  	s10 =	sadd.s32 s4, s0;
	s4 =	sadd.s32 $0x58600, s0;
	s6 =	sshrl.u32 s6, $0x3  }
0xe: {  	s7 =	sadd.s32 s7, s1;
	s16 =	sshrl.u32 s12, $0x3;
	s5 =	sadd.s32 s5, s12  }
0xf: {  	s23 =	smax.u32 s15, $0x1;
	s0 =	sadd.s32 s6, s0;
	s14 =	sadd.s32 $0x10000, s7  }
0x10: {  	s17 =	sadd.s32 s2, s16;
	s18 =	sadd.s32 s11, s16;
	[dreg:$0xe] =	wrdreg s23  }
0x11: {  	s19 =	sadd.s32 $0x280, s16;
	s13 =	sadd.s32 $0x2E00, s10;
	[dreg:$0x6] =	wrdreg s14  }
0x12: {  	s20 =	sshrl.u32 s5, $0x3;
	s24 =	sadd.s32 $0x4000, s7;
	[dreg:$0x7] =	wrdreg s17  }
0x13: {  	s25 =	sadd.s32 $0x8000, s7;
	s26 =	sadd.s32 $0xC000, s7;
	[dreg:$0x8] =	wrdreg s18  }
0x14: {  	s23 =	simm.s32 $0x1;
	s5 =	simm.s32 $0x4;
	[dreg:$0xf] =	wrdreg s24  }
0x15: {  	s6 =	simm.s32 $0x2780;
	s10 =	simm.s32 $0x0;
	[dreg:$0x10] =	wrdreg s25  }
0x16: {  	s2 =	sadd.s32 s2, s19;
	s21 =	sadd.s32 s11, s19;
	[dreg:$0x11] =	wrdreg s26  }
.Ltmp0:
0x17: {  	s22 =	sadd.s32 $0x59000, s0;
	[dreg:$0x9] =	wrdreg s2;
	(pc) =	sbr.rel .LBB2_1-.Ltmp0, $4  }
0x18: {  	s0 =	sadd.s32 $0xA9000, s0;
	s24 =	simm.s32 $0x2;
	[dreg:$0xa] =	wrdreg s21  }
0x19: {  	s25 =	simm.s32 $0x5;
	s26 =	simm.s32 $0x1400;
	[dreg:$0xb] =	wrdreg s22  }
0x1a: {  	s17 =	simm.s32 $0x1380;
	s2 =	sadd.s32 s11, s20;
	[dreg:$0xd] =	wrdreg s0  }
0x1b: {  	s18 =	simm.s32 $0x2700;
	[dreg:$0xc] =	wrdreg s2;
	s2 =	simm.s32 $0x1480  }
.LBB2_8:
0x1c: {  	s0 =	sadd.s32 $0x1400, s14;
	[sflag:s5] =	ssyncadd.s32 $0xFFFFC000  }
0x1d: {  	[spmem:s1] =	stream.indirect.scatter.add.f32 [tilespmem:s29], [sflag:$0x3], $0x80, s0, s28, $0xb8;
	[tilespmem:$0x1E880] =	vst v63  }
0x1e: {  	s21 =	sadd.s32 $0x1480, s14  }
0x1f: {  	[spmem:s1] =	stream.indirect.scatter.add.f32 [tilespmem:s29], [sflag:$0x4], $0x80, s21, s28, $0xb8;
	[tilespmem:$0x1E880] =	vst v63  }
0x20: {  	_ =	swait.ge [sflag:s31], $0x4000  }
0x21: {  	[sflag:s31] =	ssyncset.done $0x0  }
0x22: {  	[sflag:s31] =	ssyncadd.s32 $0xFFFFC000  }
0x23: {  	_ =	swait.ge [sflag:s5], $0x4000  }
0x24: {  	[sflag:s5] =	ssyncset.done $0x0  }
0x25: {  	[sflag:s5] =	ssyncadd.s32 $0xFFFFC000  }
0x26: {  	[bflag:$0x0] =	sbarrier.arrive $0xFFFF  }
0x27: {  	s22 =	rddreg [dreg:$0xd]  }
0x28: {  	[hbm:s22], [sflag:s12] =	dma.local [spmem:s11], $0x2800  }
0x29: {  	_ =	swait.ge [sflag:s25], $0x2800  }
0x2a: {  	[sflag:s25] =	ssyncset.done $0x0  }
0x2b: {  	[sflag:s25] =	ssyncadd.s32 $0xFFFFD800  }
.LBB2_9:
0x2c: {  	s10 =	sadd.s32 $0x1, s10;
	s0 =	rddreg [dreg:$0xe]  }
0x2d: {  	p0 =	sne.s32 s10, s0  }
.Ltmp1:
0x2e: {  	_ = 	snop;
	(pc) =	sbr.rel @!p0 .LBB2_10-.Ltmp1, $1  }
0x2f: {  	_ =	sdelay $0x3  }
.LBB2_1:
0x30: {  	s11 =	sshrl.u32 s7, $0x3  }
0x31: {  	[spmem:s11], [sflag:s9] =	dma.local [hbm:s4], $0x800  }
0x32: {  	s0 =	rddreg [dreg:$0xf]  }
0x33: {  	s14 =	sor.u32 $0x1C02, s8;
	s15 =	sshrl.u32 s0, $0x3  }
0x34: {  	[spmem:s15], [sflag:s14] =	dma.local [hbm:s4], $0x800  }
0x35: {  	_ =	swait.ge [sflag:s23], $0x800  }
0x36: {  	[sflag:s23] =	ssyncset.done $0x0  }
0x37: {  	[sflag:s23] =	ssyncadd.s32 $0xFFFFF800  }
0x38: {  	_ =	swait.ge [sflag:s24], $0x800  }
0x39: {  	[sflag:s24] =	ssyncset.done $0x0;
	s19 =	rddreg [dreg:$0x10]  }
0x3a: {  	[sflag:s24] =	ssyncadd.s32 $0xFFFFF800;
	s16 =	sshrl.u32 s19, $0x3  }
0x3b: {  	[spmem:s16], [sflag:s9] =	dma.local [hbm:s4], $0x800  }
0x3c: {  	s20 =	rddreg [dreg:$0x11]  }
0x3d: {  	s19 =	sshrl.u32 s20, $0x3  }
0x3e: {  	[spmem:s19], [sflag:s14] =	dma.local [hbm:s4], $0x800  }
0x3f: {  	_ =	swait.ge [sflag:s23], $0x800  }
0x40: {  	[sflag:s23] =	ssyncset.done $0x0  }
0x41: {  	[sflag:s23] =	ssyncadd.s32 $0xFFFFF800  }
0x42: {  	_ =	swait.ge [sflag:s24], $0x800  }
0x43: {  	[sflag:s24] =	ssyncset.done $0x0;
	s21 =	rddreg [dreg:$0x6]  }
0x44: {  	s12 =	sor.u32 $0x1C05, s8;
	[sflag:s24] =	ssyncadd.s32 $0xFFFFF800;
	s20 =	sshrl.u32 s21, $0x3  }
0x45: {  	[spmem:s20], [sflag:s12] =	dma.local [hbm:s4], $0x800  }
0x46: {  	_ =	swait.ge [sflag:s25], $0x800  }
0x47: {  	[sflag:s25] =	ssyncset.done $0x0  }
0x48: {  	s22 =	rddreg [dreg:$0x7];
	[sflag:s25] =	ssyncadd.s32 $0xFFFFF800  }
0x49: {  	[tilespmem:s3], [sflag:$0x5] =	stream.linear.gather [hbm4b:s22+s3], $0x1400, $0x38;
	[tilespmem:$0x1E880] =	vst v63  }
0x4a: {  	_ =	swait.ge [sflag:s25], $0x1400  }
0x4b: {  	[sflag:s25] =	ssyncset.done $0x0  }
0x4c: {  	s21 =	rddreg [dreg:$0x8];
	[sflag:s25] =	ssyncadd.s32 $0xFFFFEC00  }
0x4d: {  	[tilespmem:s26], [sflag:$0x5] =	stream.linear.gather [hbm4b:s21+s3], $0x1400, $0x38;
	[tilespmem:$0x1E880] =	vst v63  }
0x4e: {  	_ =	swait.ge [sflag:s25], $0x1400  }
0x4f: {  	[sflag:s25] =	ssyncset.done $0x0  }
0x50: {  	[sflag:s25] =	ssyncadd.s32 $0xFFFFEC00  }
0x51: {  	[bflag:$0x0] =	sbarrier.arrive $0xFFFF  }
0x52: {  	[tilespmem:s29], [sflag:$0x1] =	stream.indirect.gather [hbm4b:s13+s28], $0x80, s3, s28, $0xb8;
	[tilespmem:$0x1E880] =	vst v63  }
0x53: {  	_ = 	snop  }
0x54: {  	[tilespmem:s30], [sflag:$0x2] =	stream.indirect.gather [hbm4b:s13+s28], $0x80, s28, s28, $0xb8;
	[tilespmem:$0x1E880] =	vst v63  }
0x55: {  	_ =	swait.ge [sflag:s23], $0x4000  }
0x56: {  	[sflag:s23] =	ssyncset.done $0x0  }
0x57: {  	[sflag:s23] =	ssyncadd.s32 $0xFFFFC000  }
0x58: {  	[spmem:s1] =	stream.indirect.scatter.add.f32 [tilespmem:s29], [sflag:$0x3], $0x80, s26, s28, $0xb8;
	[tilespmem:$0x1E880] =	vst v63  }
0x59: {  	_ =	swait.ge [sflag:s31], $0x4000  }
0x5a: {  	[sflag:s31] =	ssyncset.done $0x0  }
0x5b: {  	s22 =	simm.s32 $0x100;
	[sflag:s31] =	ssyncadd.s32 $0xFFFFC000  }
0x5c: {  	[tilespmem:s29], [sflag:$0x1] =	stream.indirect.gather [hbm4b:s13+s28], $0x80, s22, s28, $0xb8;
	[tilespmem:$0x1E880] =	vst v63  }
0x5d: {  	_ =	swait.ge [sflag:s24], $0x4000  }
0x5e: {  	[sflag:s24] =	ssyncset.done $0x0  }
0x5f: {  	[sflag:s24] =	ssyncadd.s32 $0xFFFFC000  }
0x60: {  	[spmem:s1] =	stream.indirect.scatter.add.f32 [tilespmem:s30], [sflag:$0x4], $0x80, s2, s28, $0xb8;
	[tilespmem:$0x1E880] =	vst v63  }
0x61: {  	_ =	swait.ge [sflag:s5], $0x4000  }
0x62: {  	[sflag:s5] =	ssyncset.done $0x0  }
0x63: {  	s21 =	simm.s32 $0x180;
	[sflag:s5] =	ssyncadd.s32 $0xFFFFC000  }
0x64: {  	[tilespmem:s30], [sflag:$0x2] =	stream.indirect.gather [hbm4b:s13+s28], $0x80, s21, s28, $0xb8;
	[tilespmem:$0x1E880] =	vst v63  }
0x65: {  	_ =	swait.ge [sflag:s23], $0x4000  }
0x66: {  	[sflag:s23] =	ssyncset.done $0x0  }
0x67: {  	s0 =	simm.s32 $0x1500;
	[sflag:s23] =	ssyncadd.s32 $0xFFFFC000  }
0x68: {  	[spmem:s1] =	stream.indirect.scatter.add.f32 [tilespmem:s29], [sflag:$0x3], $0x80, s0, s28, $0xb8;
	[tilespmem:$0x1E880] =	vst v63  }
0x69: {  	_ =	swait.ge [sflag:s31], $0x4000  }
0x6a: {  	[sflag:s31] =	ssyncset.done $0x0  }
0x6b: {  	s22 =	simm.s32 $0x200;
	[sflag:s31] =	ssyncadd.s32 $0xFFFFC000  }
0x6c: {  	[tilespmem:s29], [sflag:$0x1] =	stream.indirect.gather [hbm4b:s13+s28], $0x80, s22, s28, $0xb8;
	[tilespmem:$0x1E880] =	vst v63  }
0x6d: {  	_ =	swait.ge [sflag:s24], $0x4000  }
0x6e: {  	[sflag:s24] =	ssyncset.done $0x0  }
0x6f: {  	s21 =	simm.s32 $0xFFFFBC00;
	s22 =	simm.s32 $0x1580;
	[sflag:s24] =	ssyncadd.s32 $0xFFFFC000  }
.LBB2_2:
0x70: {  	[spmem:s1] =	stream.indirect.scatter.add.f32 [tilespmem:s30], [sflag:$0x4], $0x80, s22, s28, $0xb8;
	[tilespmem:$0x1E880] =	vst v63  }
0x71: {  	s22 =	smov.u32 s21  }
0x72: {  	p0 =	sne.s32 s21, $0xFFFFFC00;
	s21 =	sadd.s32 $0x400, s21;
	_ =	swait.ge [sflag:s5], $0x4000  }
0x73: {  	s22 =	sshra.s32 s22, $0x2;
	[sflag:s5] =	ssyncset.done $0x0  }
0x74: {  	s0 =	sadd.s32 $0x1380, s22;
	[sflag:s5] =	ssyncadd.s32 $0xFFFFC000  }
0x75: {  	[tilespmem:s30], [sflag:$0x2] =	stream.indirect.gather [hbm4b:s13+s28], $0x80, s0, s28, $0xb8;
	[tilespmem:$0x1E880] =	vst v63  }
0x76: {  	_ =	swait.ge [sflag:s23], $0x4000  }
0x77: {  	[sflag:s23] =	ssyncset.done $0x0  }
0x78: {  	s0 =	sadd.s32 $0x2700, s22;
	[sflag:s23] =	ssyncadd.s32 $0xFFFFC000  }
0x79: {  	[spmem:s1] =	stream.indirect.scatter.add.f32 [tilespmem:s29], [sflag:$0x3], $0x80, s0, s28, $0xb8;
	[tilespmem:$0x1E880] =	vst v63  }
0x7a: {  	_ =	swait.ge [sflag:s31], $0x4000  }
0x7b: {  	[sflag:s31] =	ssyncset.done $0x0  }
.Ltmp2:
0x7c: {  	s0 =	sadd.s32 $0x1400, s22;
	[sflag:s31] =	ssyncadd.s32 $0xFFFFC000;
	(pc) =	sbr.rel @p0 .LBB2_2-.Ltmp2, $4  }
0x7d: {  	[tilespmem:s29], [sflag:$0x1] =	stream.indirect.gather [hbm4b:s13+s28], $0x80, s0, s28, $0xb8;
	[tilespmem:$0x1E880] =	vst v63  }
0x7e: {  	_ =	swait.ge [sflag:s24], $0x4000  }
0x7f: {  	[sflag:s24] =	ssyncset.done $0x0  }
0x80: {  	s22 =	sadd.s32 $0x2780, s22;
	[sflag:s24] =	ssyncadd.s32 $0xFFFFC000  }
0x81: {  	[spmem:s1] =	stream.indirect.scatter.add.f32 [tilespmem:s30], [sflag:$0x4], $0x80, s22, s28, $0xb8;
	[tilespmem:$0x1E880] =	vst v63  }
0x82: {  	_ =	swait.ge [sflag:s5], $0x4000  }
0x83: {  	[sflag:s5] =	ssyncset.done $0x0  }
0x84: {  	[sflag:s5] =	ssyncadd.s32 $0xFFFFC000  }
0x85: {  	[tilespmem:s30], [sflag:$0x2] =	stream.indirect.gather [hbm4b:s13+s28], $0x80, s17, s28, $0xb8;
	[tilespmem:$0x1E880] =	vst v63  }
0x86: {  	_ =	swait.ge [sflag:s23], $0x4000  }
0x87: {  	[sflag:s23] =	ssyncset.done $0x0  }
0x88: {  	[sflag:s23] =	ssyncadd.s32 $0xFFFFC000  }
0x89: {  	[spmem:s1] =	stream.indirect.scatter.add.f32 [tilespmem:s29], [sflag:$0x3], $0x80, s18, s28, $0xb8;
	[tilespmem:$0x1E880] =	vst v63  }
0x8a: {  	_ =	swait.ge [sflag:s31], $0x4000  }
0x8b: {  	[sflag:s31] =	ssyncset.done $0x0  }
0x8c: {  	[sflag:s31] =	ssyncadd.s32 $0xFFFFC000  }
0x8d: {  	_ =	swait.ge [sflag:s24], $0x4000  }
0x8e: {  	[sflag:s24] =	ssyncset.done $0x0  }
0x8f: {  	[sflag:s24] =	ssyncadd.s32 $0xFFFFC000  }
0x90: {  	[spmem:s1] =	stream.indirect.scatter.add.f32 [tilespmem:s30], [sflag:$0x4], $0x80, s6, s28, $0xb8;
	[tilespmem:$0x1E880] =	vst v63  }
0x91: {  	_ =	swait.ge [sflag:s5], $0x4000  }
0x92: {  	[sflag:s5] =	ssyncset.done $0x0  }
0x93: {  	s0 =	rddreg [dreg:$0x9];
	[sflag:s5] =	ssyncadd.s32 $0xFFFFC000  }
0x94: {  	[tilespmem:s3], [sflag:$0x5] =	stream.linear.gather [hbm4b:s0+s3], $0x1400, $0x38;
	[tilespmem:$0x1E880] =	vst v63  }
0x95: {  	_ =	swait.ge [sflag:s25], $0x1400  }
0x96: {  	[sflag:s25] =	ssyncset.done $0x0  }
0x97: {  	s22 =	rddreg [dreg:$0xa];
	[sflag:s25] =	ssyncadd.s32 $0xFFFFEC00  }
0x98: {  	[tilespmem:s26], [sflag:$0x5] =	stream.linear.gather [hbm4b:s22+s3], $0x1400, $0x38;
	[tilespmem:$0x1E880] =	vst v63  }
0x99: {  	_ =	swait.ge [sflag:s25], $0x1400  }
0x9a: {  	[sflag:s25] =	ssyncset.done $0x0  }
0x9b: {  	[sflag:s25] =	ssyncadd.s32 $0xFFFFEC00  }
0x9c: {  	[tilespmem:s29], [sflag:$0x1] =	stream.indirect.gather [hbm4b:s13+s28], $0x80, s3, s28, $0xb8;
	[tilespmem:$0x1E880] =	vst v63  }
0x9d: {  	_ = 	snop  }
0x9e: {  	[tilespmem:s30], [sflag:$0x2] =	stream.indirect.gather [hbm4b:s13+s28], $0x80, s28, s28, $0xb8;
	[tilespmem:$0x1E880] =	vst v63  }
0x9f: {  	_ =	swait.ge [sflag:s23], $0x4000  }
0xa0: {  	[sflag:s23] =	ssyncset.done $0x0  }
0xa1: {  	[sflag:s23] =	ssyncadd.s32 $0xFFFFC000  }
0xa2: {  	[spmem:s1] =	stream.indirect.scatter.add.f32 [tilespmem:s29], [sflag:$0x3], $0x80, s26, s28, $0xb8;
	[tilespmem:$0x1E880] =	vst v63  }
0xa3: {  	_ =	swait.ge [sflag:s31], $0x4000  }
0xa4: {  	[sflag:s31] =	ssyncset.done $0x0  }
0xa5: {  	s21 =	simm.s32 $0x100;
	[sflag:s31] =	ssyncadd.s32 $0xFFFFC000  }
0xa6: {  	[tilespmem:s29], [sflag:$0x1] =	stream.indirect.gather [hbm4b:s13+s28], $0x80, s21, s28, $0xb8;
	[tilespmem:$0x1E880] =	vst v63  }
0xa7: {  	_ =	swait.ge [sflag:s24], $0x4000  }
0xa8: {  	[sflag:s24] =	ssyncset.done $0x0  }
0xa9: {  	[sflag:s24] =	ssyncadd.s32 $0xFFFFC000  }
0xaa: {  	[spmem:s1] =	stream.indirect.scatter.add.f32 [tilespmem:s30], [sflag:$0x4], $0x80, s2, s28, $0xb8;
	[tilespmem:$0x1E880] =	vst v63  }
0xab: {  	_ =	swait.ge [sflag:s5], $0x4000  }
0xac: {  	[sflag:s5] =	ssyncset.done $0x0  }
0xad: {  	s22 =	simm.s32 $0x180;
	[sflag:s5] =	ssyncadd.s32 $0xFFFFC000  }
0xae: {  	[tilespmem:s30], [sflag:$0x2] =	stream.indirect.gather [hbm4b:s13+s28], $0x80, s22, s28, $0xb8;
	[tilespmem:$0x1E880] =	vst v63  }
0xaf: {  	_ =	swait.ge [sflag:s23], $0x4000  }
0xb0: {  	[sflag:s23] =	ssyncset.done $0x0  }
0xb1: {  	s21 =	simm.s32 $0x1500;
	[sflag:s23] =	ssyncadd.s32 $0xFFFFC000  }
0xb2: {  	[spmem:s1] =	stream.indirect.scatter.add.f32 [tilespmem:s29], [sflag:$0x3], $0x80, s21, s28, $0xb8;
	[tilespmem:$0x1E880] =	vst v63  }
0xb3: {  	_ =	swait.ge [sflag:s31], $0x4000  }
0xb4: {  	[sflag:s31] =	ssyncset.done $0x0  }
0xb5: {  	s22 =	simm.s32 $0x200;
	[sflag:s31] =	ssyncadd.s32 $0xFFFFC000  }
0xb6: {  	[tilespmem:s29], [sflag:$0x1] =	stream.indirect.gather [hbm4b:s13+s28], $0x80, s22, s28, $0xb8;
	[tilespmem:$0x1E880] =	vst v63  }
0xb7: {  	_ =	swait.ge [sflag:s24], $0x4000  }
0xb8: {  	[sflag:s24] =	ssyncset.done $0x0  }
0xb9: {  	s21 =	simm.s32 $0xFFFFBC00;
	s22 =	simm.s32 $0x1580;
	[sflag:s24] =	ssyncadd.s32 $0xFFFFC000  }
.LBB2_4:
0xba: {  	[spmem:s1] =	stream.indirect.scatter.add.f32 [tilespmem:s30], [sflag:$0x4], $0x80, s22, s28, $0xb8;
	[tilespmem:$0x1E880] =	vst v63  }
0xbb: {  	s0 =	smov.u32 s21  }
0xbc: {  	p0 =	sne.s32 s21, $0xFFFFFC00;
	s21 =	sadd.s32 $0x400, s21;
	_ =	swait.ge [sflag:s5], $0x4000  }
0xbd: {  	s0 =	sshra.s32 s0, $0x2;
	[sflag:s5] =	ssyncset.done $0x0  }
0xbe: {  	s22 =	sadd.s32 $0x1380, s0;
	[sflag:s5] =	ssyncadd.s32 $0xFFFFC000  }
0xbf: {  	[tilespmem:s30], [sflag:$0x2] =	stream.indirect.gather [hbm4b:s13+s28], $0x80, s22, s28, $0xb8;
	[tilespmem:$0x1E880] =	vst v63  }
0xc0: {  	_ =	swait.ge [sflag:s23], $0x4000  }
0xc1: {  	[sflag:s23] =	ssyncset.done $0x0  }
0xc2: {  	s22 =	sadd.s32 $0x2700, s0;
	[sflag:s23] =	ssyncadd.s32 $0xFFFFC000  }
0xc3: {  	[spmem:s1] =	stream.indirect.scatter.add.f32 [tilespmem:s29], [sflag:$0x3], $0x80, s22, s28, $0xb8;
	[tilespmem:$0x1E880] =	vst v63  }
0xc4: {  	_ =	swait.ge [sflag:s31], $0x4000  }
0xc5: {  	[sflag:s31] =	ssyncset.done $0x0  }
.Ltmp3:
0xc6: {  	s22 =	sadd.s32 $0x1400, s0;
	[sflag:s31] =	ssyncadd.s32 $0xFFFFC000;
	(pc) =	sbr.rel @p0 .LBB2_4-.Ltmp3, $4  }
0xc7: {  	[tilespmem:s29], [sflag:$0x1] =	stream.indirect.gather [hbm4b:s13+s28], $0x80, s22, s28, $0xb8;
	[tilespmem:$0x1E880] =	vst v63  }
0xc8: {  	_ =	swait.ge [sflag:s24], $0x4000  }
0xc9: {  	[sflag:s24] =	ssyncset.done $0x0  }
0xca: {  	s22 =	sadd.s32 $0x2780, s0;
	[sflag:s24] =	ssyncadd.s32 $0xFFFFC000  }
0xcb: {  	[spmem:s1] =	stream.indirect.scatter.add.f32 [tilespmem:s30], [sflag:$0x4], $0x80, s22, s28, $0xb8;
	[tilespmem:$0x1E880] =	vst v63  }
0xcc: {  	_ =	swait.ge [sflag:s5], $0x4000  }
0xcd: {  	[sflag:s5] =	ssyncset.done $0x0  }
0xce: {  	[sflag:s5] =	ssyncadd.s32 $0xFFFFC000  }
0xcf: {  	[tilespmem:s30], [sflag:$0x2] =	stream.indirect.gather [hbm4b:s13+s28], $0x80, s17, s28, $0xb8;
	[tilespmem:$0x1E880] =	vst v63  }
0xd0: {  	_ =	swait.ge [sflag:s23], $0x4000  }
0xd1: {  	[sflag:s23] =	ssyncset.done $0x0  }
0xd2: {  	[sflag:s23] =	ssyncadd.s32 $0xFFFFC000  }
0xd3: {  	[spmem:s1] =	stream.indirect.scatter.add.f32 [tilespmem:s29], [sflag:$0x3], $0x80, s18, s28, $0xb8;
	[tilespmem:$0x1E880] =	vst v63  }
0xd4: {  	_ =	swait.ge [sflag:s31], $0x4000  }
0xd5: {  	[sflag:s31] =	ssyncset.done $0x0  }
0xd6: {  	[sflag:s31] =	ssyncadd.s32 $0xFFFFC000  }
0xd7: {  	_ =	swait.ge [sflag:s24], $0x4000  }
0xd8: {  	[sflag:s24] =	ssyncset.done $0x0  }
0xd9: {  	[sflag:s24] =	ssyncadd.s32 $0xFFFFC000  }
0xda: {  	[spmem:s1] =	stream.indirect.scatter.add.f32 [tilespmem:s30], [sflag:$0x4], $0x80, s6, s28, $0xb8;
	[tilespmem:$0x1E880] =	vst v63  }
0xdb: {  	_ =	swait.ge [sflag:s5], $0x4000  }
0xdc: {  	[sflag:s5] =	ssyncset.done $0x0  }
0xdd: {  	[sflag:s5] =	ssyncadd.s32 $0xFFFFC000  }
0xde: {  	[bflag:$0x0] =	sbarrier.arrive $0xFFFF  }
0xdf: {  	s0 =	rddreg [dreg:$0xb]  }
0xe0: {  	[hbm:s0], [sflag:s12] =	dma.local [spmem:s11], $0x2800  }
0xe1: {  	_ =	swait.ge [sflag:s25], $0x2800  }
0xe2: {  	[sflag:s25] =	ssyncset.done $0x0  }
0xe3: {  	s21 =	simm.s32 $0xA800;
	s22 =	rddreg [dreg:$0x5];
	[sflag:s25] =	ssyncadd.s32 $0xFFFFD800  }
0xe4: {  	[tilespmem:s21], [sflag:$0x5] =	stream.linear.gather [hbm4b:s22+s3], $0x80, $0x38;
	[tilespmem:$0x1E880] =	vst v63  }
0xe5: {  	_ =	swait.ge [sflag:s25], $0x80  }
0xe6: {  	[sflag:s25] =	ssyncset.done $0x0  }
0xe7: {  	[sflag:s25] =	ssyncadd.s32 $0xFFFFFF80  }
0xe8: {  	v0 =	vld [tilespmem:$0xA800];
	_ =	sdelay $0x4  }
0xe9: {  	(v2sf) =	vpush v0, $0x0;
	_ =	sdelay $0xe  }
0xea: {  	s22 =	spop (v2sf)  }
0xeb: {  	p0 =	slt.s32 s22, $0x1  }
.Ltmp4:
0xec: {  	_ = 	snop;
	(pc) =	sbr.rel @p0 .LBB2_9-.Ltmp4, $1  }
0xed: {  	_ =	sdelay $0x3  }
0xee: {  	[spmem:s11], [sflag:s9] =	dma.local [hbm:s4], $0x800  }
0xef: {  	[spmem:s15], [sflag:s14] =	dma.local [hbm:s4], $0x800  }
0xf0: {  	_ =	swait.ge [sflag:s23], $0x800  }
0xf1: {  	[sflag:s23] =	ssyncset.done $0x0  }
0xf2: {  	[sflag:s23] =	ssyncadd.s32 $0xFFFFF800  }
0xf3: {  	_ =	swait.ge [sflag:s24], $0x800  }
0xf4: {  	[sflag:s24] =	ssyncset.done $0x0  }
0xf5: {  	[sflag:s24] =	ssyncadd.s32 $0xFFFFF800  }
0xf6: {  	[spmem:s16], [sflag:s9] =	dma.local [hbm:s4], $0x800  }
0xf7: {  	[spmem:s19], [sflag:s14] =	dma.local [hbm:s4], $0x800  }
0xf8: {  	_ =	swait.ge [sflag:s23], $0x800  }
0xf9: {  	[sflag:s23] =	ssyncset.done $0x0  }
0xfa: {  	[sflag:s23] =	ssyncadd.s32 $0xFFFFF800  }
0xfb: {  	_ =	swait.ge [sflag:s24], $0x800  }
0xfc: {  	[sflag:s24] =	ssyncset.done $0x0  }
0xfd: {  	[sflag:s24] =	ssyncadd.s32 $0xFFFFF800  }
0xfe: {  	[spmem:s20], [sflag:s12] =	dma.local [hbm:s4], $0x800  }
0xff: {  	_ =	swait.ge [sflag:s25], $0x800  }
0x100: {  	[sflag:s25] =	ssyncset.done $0x0  }
0x101: {  	s0 =	simm.s32 $0x0;
	s19 =	rddreg [dreg:$0x4];
	[sflag:s25] =	ssyncadd.s32 $0xFFFFF800  }
0x102: {  	[tilespmem:s29], [sflag:$0x5] =	stream.linear.gather [hbm4b:s19+s0], $0x4000, $0x38;
	[tilespmem:$0x1E880] =	vst v63  }
0x103: {  	_ =	swait.ge [sflag:s25], $0x4000  }
0x104: {  	[sflag:s25] =	ssyncset.done $0x0  }
0x105: {  	s20 =	rddreg [dreg:$0xc];
	[sflag:s25] =	ssyncadd.s32 $0xFFFFC000  }
0x106: {  	[tilespmem:s26], [sflag:$0x5] =	stream.linear.gather [hbm4b:s20+s0], $0x1400, $0x38;
	[tilespmem:$0x1E880] =	vst v63  }
0x107: {  	_ =	swait.ge [sflag:s25], $0x1400  }
0x108: {  	[sflag:s25] =	ssyncset.done $0x0  }
0x109: {  	[sflag:s25] =	ssyncadd.s32 $0xFFFFEC00  }
0x10a: {  	s21 =	simm.s32 $0x1400;
	[bflag:$0x0] =	sbarrier.arrive $0xFFFF  }
0x10b: {  	[spmem:s1] =	stream.indirect.scatter.add.f32 [tilespmem:s29], [sflag:$0x3], $0x80, s21, s28, $0xb8;
	[tilespmem:$0x1E880] =	vst v63  }
0x10c: {  	s22 =	simm.s32 $0x1480  }
0x10d: {  	[spmem:s1] =	stream.indirect.scatter.add.f32 [tilespmem:s29], [sflag:$0x4], $0x80, s22, s28, $0xb8;
	[tilespmem:$0x1E880] =	vst v63  }
0x10e: {  	_ =	swait.ge [sflag:s31], $0x4000  }
0x10f: {  	[sflag:s31] =	ssyncset.done $0x0  }
0x110: {  	[sflag:s31] =	ssyncadd.s32 $0xFFFFC000  }
0x111: {  	_ =	swait.ge [sflag:s5], $0x4000  }
0x112: {  	s15 =	simm.s32 $0x800;
	s14 =	simm.s32 $0x100;
	[sflag:s5] =	ssyncset.done $0x0  }
.LBB2_7:
0x113: {  	s0 =	sadd.s32 $0x1400, s14  }
0x114: {  	[sflag:s5] =	ssyncadd.s32 $0xFFFFC000;
	s16 =	smov.u32 s15;
	s19 =	sadd.s32 $0x400, s15  }
0x115: {  	[spmem:s1] =	stream.indirect.scatter.add.f32 [tilespmem:s29], [sflag:$0x3], $0x80, s0, s28, $0xb8;
	[tilespmem:$0x1E880] =	vst v63  }
0x116: {  	p0 =	sne.s32 s15, $0x4C00;
	s0 =	sadd.s32 $0x1480, s14  }
0x117: {  	[spmem:s1] =	stream.indirect.scatter.add.f32 [tilespmem:s29], [sflag:$0x4], $0x80, s0, s28, $0xb8;
	[tilespmem:$0x1E880] =	vst v63  }
.Ltmp5:
0x118: {  	_ =	swait.ge [sflag:s31], $0x4000;
	(pc) =	sbr.rel @p0 .LBB2_7-.Ltmp5, $4  }
0x119: {  	[sflag:s31] =	ssyncset.done $0x0  }
0x11a: {  	[sflag:s31] =	ssyncadd.s32 $0xFFFFC000  }
0x11b: {  	_ =	swait.ge [sflag:s5], $0x4000  }
0x11c: {  	s14 =	sshra.s32 s16, $0x2;
	s15 =	smov.u32 s19;
	[sflag:s5] =	ssyncset.done $0x0  }
.Ltmp6:
0x11d: {  	_ = 	snop;
	(pc) =	sbr.rel .LBB2_8-.Ltmp6, $1  }
0x11e: {  	_ =	sdelay $0x3  }
.LBB2_10:
0x11f: {  	_ =	sfence.sel $0x180000  }
0x120: {  	[bflag:$0x0] =	sbarrier.arrive $0xFFFF  }
0x121: {  	_ =	strace $0x90000047  }
0x122: {  	s0 =	stileid.u32;
	[bflag:$0x2] =	sbarrier.arrive $0xFFFF  }
0x123: {  	p0 =	sne.s32 s0, $0x0;
	s0 =	rddreg [dreg:$0x3]  }
0x124: {  	s0 =	sadd.s32 @!p0 $0x100000, s0  }
0x125: {  	[sflag:s0] =	ssyncadd.tile.s32 @!p0 $0x1;
	_ =	shalt  }
.Lfunc_end2:
_tile_overlayer_lowered:
.L_overlay_start_2:
0x126: {  	(tag) =	ssettag $0x2  }
0x127: {  	s0 =	rddreg [dreg:$0x0];
	s2 =	stileid.u32  }
0x128: {  	s1 =	rddreg [dreg:$0x1];
	p0 =	sne.s32 s2, $0x0  }
0x129: {  	s3 =	rddreg [dreg:$0x2];
	[bflag:$0x3] =	sbarrier.arrive $0xFFFF;
	s2 =	simm.s32 @!p0 $0x1C05  }
0x12a: {  	[timem:s3], [sflag:s2] =	dma.local @!p0 [hbm:s0], s1  }
0x12b: {  	s0 =	simm.s32 @!p0 $0x5  }
0x12c: {  	_ =	swait.ge @!p0 [sflag:s0], s1  }
0x12d: {  	s1 =	ssub.s32 @!p0 $0x0, s1;
	[sflag:s0] =	ssyncset.done @!p0 $0x0  }
0x12e: {  	[sflag:s0] =	ssyncadd.s32 @!p0 s1  }
0x12f: {  	[bflag:$0x3] =	sbarrier.arrive $0xFFFF  }
0x130: {  	_ =	shalt  }

// kernel: kernel.9.cloned.1.call-start
scs
__scs_entry_jumppad:
0x0: {  	(pc) =	sbr.rel $0x88, $3  }
0x1: {  	(tag) =	ssettag $0x0;
	lr =	simm.s32 $0x1  }
0x2: {  	[smem:$0x3F97] =	sst lr;
	_ =	strace $0xD0000000  }
0x3: {  	_ = 	snop  }
0x4: {  	_ = 	snop  }
0x5: {  	_ = 	snop  }
0x6: {  	_ = 	snop  }
0x7: {  	_ = 	snop  }
__scs_overlays_trampoline_lowered:
0x8: {  	[smem:$0x3FA6] =	sst s0  }
0x9: {  	[smem:$0x3FA7] =	sst s1  }
0xa: {  	[smem:$0x3FA8] =	sst s2  }
0xb: {  	[smem:$0x3FA9] =	sst s3  }
0xc: {  	[smem:$0x3FAA] =	sst s4  }
0xd: {  	[smem:$0x3FAB] =	sst s5  }
0xe: {  	[smem:$0x3FAC] =	sst s6  }
0xf: {  	[smem:$0x3FAD] =	sst s7  }
0x10: {  	[smem:$0x3FAE] =	sst s8  }
0x11: {  	[smem:$0x3FAF] =	sst s9;
	s0 =	simm.s32 @!p0 $0x0  }
0x12: {  	s1 =	sld [smem:$0x3F95];
	s0 =	simm.s32 @p0 $0x1  }
0x13: {  	[smem:$0x3FB0] =	sst s0;
	s0 =	simm.s32 @!p1 $0x0  }
0x14: {  	s2 =	sld [smem:$0x3F94];
	s0 =	simm.s32 @p1 $0x1  }
0x15: {  	[smem:$0x3FB1] =	sst s0;
	s0 =	simm.s32 @!p2 $0x0  }
0x16: {  	s3 =	sld [smem:$0x3FDB];
	s0 =	simm.s32 @p2 $0x1  }
0x17: {  	s4 =	simm.s32 $0x1BF5;
	[smem:$0x3FB3] =	sst s0  }
0x18: {  	s0 =	sld [smem:$0x3F96];
	_ =	swait.ge [sflag:s4], $0x0  }
0x19: {  	s7 =	sld [smem:$0x3F97]  }
0x1a: {  	s8 =	sadd.s32 $0xFFFFE003, lr  }
0x1b: {  	s9 =	sadd.s32 $0xFFFFFEF7, lr;
	s5 =	simm.s32 $0xFFFFFFFF;
	p2 =	slt.u32 s8, $0xFFFFF086  }
0x1c: {  	p1 =	slt.u32 s9, $0xF7A;
	s5 =	simm.s32 @!p2 $0x0  }
0x1d: {  	s5 =	simm.s32 @p1 $0x1;
	p0 =	seq.s32 s7, s2  }
0x1e: {  	s7 =	smul.u32 @!p0 $0xF7A, s2;
	p2 =	seq.s32 @!p0 s5, $0x0  }
0x1f: {  	s9 =	smul.u32 $0xF7A, s1;
	s8 =	simm.s32 @!p0 $0x1BF5;
	p2 =	por !p2, p0  }
0x20: {  	[sflag:s8] =	ssyncset.s32 @!p0 $0xFFFFF086;
	s6 =	sadd.s32 @!p0 s3, s7;
	s7 =	simm.s32 @!p0 $0x108  }
0x21: {  	s3 =	sadd.s32 s3, s9;
	s6 =	sadd.s32 @!p0 $0x88, s6;
	s7 =	simm.s32 @p2 $0x1082  }
0x22: {  	[simem:s7], [sflag:s8] =	dma.local @!p0 [hbm:s6], $0xF7A  }
0x23: {  	s9 =	sor.u32 $0xD0000000, s2;
	s6 =	simm.s32 $0x108;
	_ =	swait.ge @!p0 [sflag:s8], $0x0  }
0x24: {  	s3 =	sadd.s32 $0x88, s3;
	s6 =	simm.s32 @!p1 $0x1082;
	[sflag:s4] =	ssyncset.s32 $0xFFFFF086  }
0x25: {  	[simem:s6], [sflag:s4] =	dma.local [hbm:s3], $0xF7A  }
0x26: {  	[smem:$0x3F97] =	sst s1;
	(tag) =	ssettag s2;
	_ =	strace s9  }
0x27: {  	s1 =	sld [smem:$0x3FA7]  }
0x28: {  	s2 =	sld [smem:$0x3FA8]  }
0x29: {  	s4 =	sld [smem:$0x3FAA]  }
0x2a: {  	p0 =	seq.s32 s5, $0x0;
	s5 =	sld [smem:$0x3FAB]  }
0x2b: {  	s6 =	sld [smem:$0x3FAC]  }
0x2c: {  	s7 =	sld [smem:$0x3FAD]  }
0x2d: {  	s3 =	simm.s32 $0x108;
	s8 =	sld [smem:$0x3FAE]  }
0x2e: {  	s3 =	simm.s32 @!p0 $0x1082;
	s9 =	sld [smem:$0x3FAF]  }
0x2f: {  	lr =	sadd.s32 s0, s3;
	s0 =	sld [smem:$0x3FA6]  }
0x30: {  	s3 =	sld [smem:$0x3FA9]  }
0x31: {  	[smem:$0x3FB2] =	sst s10  }
0x32: {  	s10 =	sld [smem:$0x3FB0];
	_ =	sdelay $0x3  }
0x33: {  	p0 =	seq.s32 s10, $0x1;
	s10 =	sld [smem:$0x3FB2];
	_ =	sdelay $0x3  }
0x34: {  	[smem:$0x3FB2] =	sst s10  }
0x35: {  	s10 =	sld [smem:$0x3FB1];
	_ =	sdelay $0x3  }
0x36: {  	p1 =	seq.s32 s10, $0x1;
	s10 =	sld [smem:$0x3FB2];
	_ =	sdelay $0x3  }
0x37: {  	[smem:$0x3FB2] =	sst s10  }
0x38: {  	s10 =	sld [smem:$0x3FB3]  }
0x39: {  	_ = 	snop;
	(pc) =	sbr.ind lr, $3  }
0x3a: {  	_ = 	snop  }
0x3b: {  	_ = 	snop  }
0x3c: {  	p2 =	seq.s32 s10, $0x1;
	s10 =	sld [smem:$0x3FB2]  }
0x3d: {  	_ =	shalt  }
0x3e: {  	_ =	shalt  }
0x3f: {  	_ =	shalt  }
0x40: {  	_ =	shalt  }
0x41: {  	_ =	shalt  }
0x42: {  	_ =	shalt  }
0x43: {  	_ =	shalt  }
0x44: {  	_ =	shalt  }
0x45: {  	_ =	shalt  }
0x46: {  	_ =	shalt  }
0x47: {  	_ =	shalt  }
0x48: {  	_ =	shalt  }
0x49: {  	_ =	shalt  }
0x4a: {  	_ =	shalt  }
0x4b: {  	_ =	shalt  }
0x4c: {  	_ =	shalt  }
0x4d: {  	_ =	shalt  }
0x4e: {  	_ =	shalt  }
0x4f: {  	_ =	shalt  }
0x50: {  	_ =	shalt  }
0x51: {  	_ =	shalt  }
0x52: {  	_ =	shalt  }
0x53: {  	_ =	shalt  }
0x54: {  	_ =	shalt  }
0x55: {  	_ =	shalt  }
0x56: {  	_ =	shalt  }
0x57: {  	_ =	shalt  }
0x58: {  	_ =	shalt  }
0x59: {  	_ =	shalt  }
0x5a: {  	_ =	shalt  }
0x5b: {  	_ =	shalt  }
0x5c: {  	_ =	shalt  }
0x5d: {  	_ =	shalt  }
0x5e: {  	_ =	shalt  }
0x5f: {  	_ =	shalt  }
0x60: {  	_ =	shalt  }
0x61: {  	_ =	shalt  }
0x62: {  	_ =	shalt  }
0x63: {  	_ =	shalt  }
0x64: {  	_ =	shalt  }
0x65: {  	_ =	shalt  }
0x66: {  	_ =	shalt  }
0x67: {  	_ =	shalt  }
0x68: {  	_ =	shalt  }
0x69: {  	_ =	shalt  }
0x6a: {  	_ =	shalt  }
0x6b: {  	_ =	shalt  }
0x6c: {  	_ =	shalt  }
0x6d: {  	_ =	shalt  }
0x6e: {  	_ =	shalt  }
0x6f: {  	_ =	shalt  }
0x70: {  	_ =	shalt  }
0x71: {  	_ =	shalt  }
0x72: {  	_ =	shalt  }
0x73: {  	_ =	shalt  }
0x74: {  	_ =	shalt  }
0x75: {  	_ =	shalt  }
0x76: {  	_ =	shalt  }
0x77: {  	_ =	shalt  }
0x78: {  	_ =	shalt  }
0x79: {  	_ =	shalt  }
0x7a: {  	_ =	shalt  }
0x7b: {  	_ =	shalt  }
0x7c: {  	_ =	shalt  }
0x7d: {  	_ =	shalt  }
0x7e: {  	_ =	shalt  }
0x7f: {  	_ =	shalt  }
0x80: {  	_ =	shalt  }
0x81: {  	_ =	shalt  }
0x82: {  	_ =	shalt  }
0x83: {  	_ =	shalt  }
0x84: {  	_ =	shalt  }
0x85: {  	_ =	shalt  }
0x86: {  	_ =	shalt  }
0x87: {  	_ =	shalt  }
.Lfunc_end0:
.L_simem_size_0:
called_computation.1_lowered:
.L_overlay_start_0:
0x88: {  	s2 =	sld [smem:$0x3FD9]  }
0x89: {  	s3 =	sld [smem:$0x3FFE];
	_ =	sdelay $0x1  }
0x8a: {  	s1 =	srdreg.scid  }
0x8b: {  	s0 =	sand.u32 $0x1, s1  }
0x8c: {  	s17 =	sshll.u32 s0, $0xA;
	s2 =	sadd.s32 s3, s2  }
0x8d: {  	s2 =	sadd.s32 s2, s17  }
0x8e: {  	[smem:$0x3FBE] =	sst s2  }
0x8f: {  	_ = 	snop  }
0x90: {  	s2 =	sld [smem:$0x3FD0];
	(tm) =	ssettm $0x1  }
0x91: {  	s18 =	sld [smem:$0x3FFB];
	_ =	sdelay $0x3  }
0x92: {  	_ =	strace s18  }
0x93: {  	s3 =	sld [smem:$0x3FFC];
	_ =	sdelay $0x3  }
0x94: {  	_ =	strace s3  }
0x95: {  	s3 =	sld [smem:$0x3FFD];
	_ =	sdelay $0x3  }
0x96: {  	_ =	strace s3  }
0x97: {  	_ =	strace $0x8FFFFFFF  }
0x98: {  	s19 =	sld [smem:$0x3FDB];
	_ =	sdelay $0x1  }
0x99: {  	s4 =	simm.s32 $_scs_section_size  }
0x9a: {  	s5 =	simm.s32 $_size__tile_overlayer_lowered;
	s6 =	simm.s32 $_tile_overlayer_lowered  }
0x9b: {  	s22 =	simm.s32 $0x1BFF;
	s21 =	sshll.u32 s6, $0x1;
	s3 =	sadd.s32 s4, s19  }
0x9c: {  	s7 =	simm.s32 $0x0;
	s20 =	sshll.u32 s5, $0x1;
	s5 =	sadd.s32 s21, s3  }
0x9d: {  	[timem:s7], [sflag:s22] =	dma.local [hbm:s5], s20  }
0x9e: {  	_ =	swait.ge [sflag:s22], s20  }
0x9f: {  	s4 =	ssub.s32 $0x0, s20;
	[sflag:s22] =	ssyncset.done $0x0  }
0xa0: {  	[sflag:s22] =	ssyncadd.s32 s4;
	_ =	sdelay $0x1  }
0xa1: {  	s23 =	simm.s32 $0x1B8B  }
0xa2: {  	_ =	swait.ge [sflag:s23], $0x1  }
0xa3: {  	[sflag:s23] =	ssyncset.done $0x0  }
0xa4: {  	s25 =	simm.s32 $0x1B8E;
	s24 =	sld [smem:$0x3FFE];
	[sflag:s23] =	ssyncadd.s32 $0xFFFFFFFF  }
0xa5: {  	s26 =	simm.s32 $execute0_lowered;
	[smem:$0x3FD2] =	sst s25  }
0xa6: {  	s5 =	sshll.u32 s26, $0x1;
	_ =	strace $0x80000049;
	[dreg:$0x1] =	wrdreg $0xFFFFFFFF  }
0xa7: {  	s28 =	simm.s32 $_size_execute0_lowered;
	s3 =	sadd.s32 s3, s5;
	[dreg:$0x0] =	wrdreg $0x0  }
0xa8: {  	s5 =	sshll.u32 s28, $0x1;
	[dreg:$0x2] =	wrdreg s3  }
0xa9: {  	[dreg:$0x3] =	wrdreg s5  }
0xaa: {  	[dreg:$0x4] =	wrdreg $0xC0  }
0xab: {  	_ =	task [dreg:s7], $0x5FFFF  }
0xac: {  	[dreg:$0x1] =	wrdreg $0xFFFFFFFF  }
0xad: {  	[dreg:$0x0] =	wrdreg $0x60  }
0xae: {  	[dreg:$0x2] =	wrdreg s24  }
0xaf: {  	[dreg:$0x3] =	wrdreg s2  }
0xb0: {  	[dreg:$0x4] =	wrdreg $0xA8800  }
0xb1: {  	[dreg:$0x5] =	wrdreg $0x9  }
0xb2: {  	_ =	task.clear_ibuf [dreg:s7], $0x6FFFF;
	_ =	strace $0x90000049  }
0xb3: {  	s29 =	simm.s32 $0x9;
	_ =	strace $0x8000004B  }
0xb4: {  	_ =	swait.ge [sflag:s29], $0x1  }
0xb5: {  	[sflag:s29] =	ssyncadd.s32 $0xFFFFFFFF  }
0xb6: {  	_ =	strace $0x9000004B  }
0xb7: {  	_ =	sfence  }
0xb8: {  	s30 =	sld [smem:$0x0];
	_ =	sdelay $0x2  }
0xb9: {  	s31 =	sshll.u32 s1, $0xD;
	s1 =	sshrl.u32 s1, $0x2  }
0xba: {  	s3 =	sand.u32 $0x4000, s31;
	s1 =	sadd.s32 s1, s30  }
0xbb: {  	s0 =	sor.u32 s3, s0;
	s1 =	sshll.u32 s1, $0x11  }
0xbc: {  	s0 =	sor.u32 s1, s0  }
0xbd: {  	s0 =	sadd.s32 $0x8F2B, s0  }
0xbe: {  	[sflag:s0] =	ssyncadd.remote.s32 $0x1  }
0xbf: {  	_ =	sfence.sel $0xFFFF  }
0xc0: {  	[dreg:$0x0] =	wrdreg $0xFFFFFFFF;
	(pc) =	sbr.abs _section_cstart, $3  }
0xc1: {  	[dreg:$0x1] =	wrdreg $0xFFFFFFFF  }
0xc2: {  	_ =	task.clear_ibuf [dreg:s7], $0x2FFFF;
	_ =	strace $0x9FFFFFFF  }
0xc3: {  	(tm) =	ssettm $0x7FFFFFFF  }
tec
execute0_lowered:
.L_overlay_start_1:
0x0: {  	(tag) =	ssettag $0x1  }
0x1: {  	s0 =	rddreg [dreg:$0x0]  }
0x2: {  	s2 =	rddreg [dreg:$0x1]  }
0x3: {  	s3 =	srdreg.scid;
	s1 =	rddreg [dreg:$0x2]  }
0x4: {  	s13 =	stileid.u32;
	s28 =	simm.s32 $0x80;
	s29 =	simm.s32 $0x2800  }
0x5: {  	s30 =	simm.s32 $0x6800;
	s31 =	simm.s32 $0x3;
	s5 =	sand.u32 $0x1, s3  }
0x6: {  	s3 =	simm.s32 $0x0;
	s7 =	smul.u32 $0x14000, s13;
	s11 =	sadd.s32 $0x52E00, s0  }
0x7: {  	s8 =	sadd.s32 $0x57E00, s0;
	s26 =	smul.u32 $0x50000, s13;
	s12 =	sadd.s32 $0x58E00, s0  }
0x8: {  	s6 =	smul.u32 $0x140000, s5;
	[smem:$0x7FF] =	sst s3;
	s14 =	ssub.s32 $0x2, s5  }
0x9: {  	s5 =	smul.u32 $0x1400, s5;
	_ =	strace $0x8000004A;
	[dreg:$0x4] =	wrdreg s8  }
0xa: {  	[dreg:$0x5] =	wrdreg s12;
	s9 =	sshrl.u32 s14, $0x1;
	s12 =	smul.u32 $0x2800, s13  }
0xb: {  	s8 =	sshll.u32 s13, $0x6;
	s4 =	sshrl.u32 s6, $0x3;
	s6 =	sadd.s32 s7, s6  }
0xc: {  	s7 =	sshrl.u32 s26, $0x2;
	s15 =	ssub.s32 s14, s9;
	s9 =	sor.u32 $0x1C01, s8  }
0xd: {  	s10 =	sadd.s32 s4, s0;
	s4 =	sadd.s32 $0x58600, s0;
	s6 =	sshrl.u32 s6, $0x3  }
0xe: {  	s7 =	sadd.s32 s7, s1;
	s16 =	sshrl.u32 s12, $0x3;
	s5 =	sadd.s32 s5, s12  }
0xf: {  	s23 =	smax.u32 s15, $0x1;
	s0 =	sadd.s32 s6, s0;
	s14 =	sadd.s32 $0x10000, s7  }
0x10: {  	s17 =	sadd.s32 s2, s16;
	s18 =	sadd.s32 s11, s16;
	[dreg:$0xe] =	wrdreg s23  }
0x11: {  	s19 =	sadd.s32 $0x280, s16;
	s13 =	sadd.s32 $0x2E00, s10;
	[dreg:$0x6] =	wrdreg s14  }
0x12: {  	s20 =	sshrl.u32 s5, $0x3;
	s24 =	sadd.s32 $0x4000, s7;
	[dreg:$0x7] =	wrdreg s17  }
0x13: {  	s25 =	sadd.s32 $0x8000, s7;
	s26 =	sadd.s32 $0xC000, s7;
	[dreg:$0x8] =	wrdreg s18  }
0x14: {  	s23 =	simm.s32 $0x1;
	s5 =	simm.s32 $0x4;
	[dreg:$0xf] =	wrdreg s24  }
0x15: {  	s6 =	simm.s32 $0x2780;
	s10 =	simm.s32 $0x0;
	[dreg:$0x10] =	wrdreg s25  }
0x16: {  	s2 =	sadd.s32 s2, s19;
	s21 =	sadd.s32 s11, s19;
	[dreg:$0x11] =	wrdreg s26  }
.Ltmp0:
0x17: {  	s22 =	sadd.s32 $0xF9000, s0;
	[dreg:$0x9] =	wrdreg s2;
	(pc) =	sbr.rel .LBB2_1-.Ltmp0, $4  }
0x18: {  	s0 =	sadd.s32 $0x59000, s0;
	s24 =	simm.s32 $0x2;
	[dreg:$0xa] =	wrdreg s21  }
0x19: {  	s25 =	simm.s32 $0x5;
	s26 =	simm.s32 $0x1400;
	[dreg:$0xb] =	wrdreg s22  }
0x1a: {  	s17 =	simm.s32 $0x1380;
	s2 =	sadd.s32 s11, s20;
	[dreg:$0xd] =	wrdreg s0  }
0x1b: {  	s18 =	simm.s32 $0x2700;
	[dreg:$0xc] =	wrdreg s2;
	s2 =	simm.s32 $0x1480  }
.LBB2_8:
0x1c: {  	s0 =	sadd.s32 $0x1400, s14;
	[sflag:s5] =	ssyncadd.s32 $0xFFFFC000  }
0x1d: {  	[spmem:s1] =	stream.indirect.scatter.add.f32 [tilespmem:s29], [sflag:$0x3], $0x80, s0, s28, $0xb8;
	[tilespmem:$0x1E880] =	vst v63  }
0x1e: {  	s21 =	sadd.s32 $0x1480, s14  }
0x1f: {  	[spmem:s1] =	stream.indirect.scatter.add.f32 [tilespmem:s29], [sflag:$0x4], $0x80, s21, s28, $0xb8;
	[tilespmem:$0x1E880] =	vst v63  }
0x20: {  	_ =	swait.ge [sflag:s31], $0x4000  }
0x21: {  	[sflag:s31] =	ssyncset.done $0x0  }
0x22: {  	[sflag:s31] =	ssyncadd.s32 $0xFFFFC000  }
0x23: {  	_ =	swait.ge [sflag:s5], $0x4000  }
0x24: {  	[sflag:s5] =	ssyncset.done $0x0  }
0x25: {  	[sflag:s5] =	ssyncadd.s32 $0xFFFFC000  }
0x26: {  	[bflag:$0x0] =	sbarrier.arrive $0xFFFF  }
0x27: {  	s22 =	rddreg [dreg:$0xd]  }
0x28: {  	[hbm:s22], [sflag:s12] =	dma.local [spmem:s11], $0x2800  }
0x29: {  	_ =	swait.ge [sflag:s25], $0x2800  }
0x2a: {  	[sflag:s25] =	ssyncset.done $0x0  }
0x2b: {  	[sflag:s25] =	ssyncadd.s32 $0xFFFFD800  }
.LBB2_9:
0x2c: {  	s10 =	sadd.s32 $0x1, s10;
	s0 =	rddreg [dreg:$0xe]  }
0x2d: {  	p0 =	sne.s32 s10, s0  }
.Ltmp1:
0x2e: {  	_ = 	snop;
	(pc) =	sbr.rel @!p0 .LBB2_10-.Ltmp1, $1  }
0x2f: {  	_ =	sdelay $0x3  }
.LBB2_1:
0x30: {  	s11 =	sshrl.u32 s7, $0x3  }
0x31: {  	[spmem:s11], [sflag:s9] =	dma.local [hbm:s4], $0x800  }
0x32: {  	s0 =	rddreg [dreg:$0xf]  }
0x33: {  	s14 =	sor.u32 $0x1C02, s8;
	s15 =	sshrl.u32 s0, $0x3  }
0x34: {  	[spmem:s15], [sflag:s14] =	dma.local [hbm:s4], $0x800  }
0x35: {  	_ =	swait.ge [sflag:s23], $0x800  }
0x36: {  	[sflag:s23] =	ssyncset.done $0x0  }
0x37: {  	[sflag:s23] =	ssyncadd.s32 $0xFFFFF800  }
0x38: {  	_ =	swait.ge [sflag:s24], $0x800  }
0x39: {  	[sflag:s24] =	ssyncset.done $0x0;
	s19 =	rddreg [dreg:$0x10]  }
0x3a: {  	[sflag:s24] =	ssyncadd.s32 $0xFFFFF800;
	s16 =	sshrl.u32 s19, $0x3  }
0x3b: {  	[spmem:s16], [sflag:s9] =	dma.local [hbm:s4], $0x800  }
0x3c: {  	s20 =	rddreg [dreg:$0x11]  }
0x3d: {  	s19 =	sshrl.u32 s20, $0x3  }
0x3e: {  	[spmem:s19], [sflag:s14] =	dma.local [hbm:s4], $0x800  }
0x3f: {  	_ =	swait.ge [sflag:s23], $0x800  }
0x40: {  	[sflag:s23] =	ssyncset.done $0x0  }
0x41: {  	[sflag:s23] =	ssyncadd.s32 $0xFFFFF800  }
0x42: {  	_ =	swait.ge [sflag:s24], $0x800  }
0x43: {  	[sflag:s24] =	ssyncset.done $0x0;
	s21 =	rddreg [dreg:$0x6]  }
0x44: {  	s12 =	sor.u32 $0x1C05, s8;
	[sflag:s24] =	ssyncadd.s32 $0xFFFFF800;
	s20 =	sshrl.u32 s21, $0x3  }
0x45: {  	[spmem:s20], [sflag:s12] =	dma.local [hbm:s4], $0x800  }
0x46: {  	_ =	swait.ge [sflag:s25], $0x800  }
0x47: {  	[sflag:s25] =	ssyncset.done $0x0  }
0x48: {  	s22 =	rddreg [dreg:$0x7];
	[sflag:s25] =	ssyncadd.s32 $0xFFFFF800  }
0x49: {  	[tilespmem:s3], [sflag:$0x5] =	stream.linear.gather [hbm4b:s22+s3], $0x1400, $0x38;
	[tilespmem:$0x1E880] =	vst v63  }
0x4a: {  	_ =	swait.ge [sflag:s25], $0x1400  }
0x4b: {  	[sflag:s25] =	ssyncset.done $0x0  }
0x4c: {  	s21 =	rddreg [dreg:$0x8];
	[sflag:s25] =	ssyncadd.s32 $0xFFFFEC00  }
0x4d: {  	[tilespmem:s26], [sflag:$0x5] =	stream.linear.gather [hbm4b:s21+s3], $0x1400, $0x38;
	[tilespmem:$0x1E880] =	vst v63  }
0x4e: {  	_ =	swait.ge [sflag:s25], $0x1400  }
0x4f: {  	[sflag:s25] =	ssyncset.done $0x0  }
0x50: {  	[sflag:s25] =	ssyncadd.s32 $0xFFFFEC00  }
0x51: {  	[bflag:$0x0] =	sbarrier.arrive $0xFFFF  }
0x52: {  	[tilespmem:s29], [sflag:$0x1] =	stream.indirect.gather [hbm4b:s13+s28], $0x80, s3, s28, $0xb8;
	[tilespmem:$0x1E880] =	vst v63  }
0x53: {  	_ = 	snop  }
0x54: {  	[tilespmem:s30], [sflag:$0x2] =	stream.indirect.gather [hbm4b:s13+s28], $0x80, s28, s28, $0xb8;
	[tilespmem:$0x1E880] =	vst v63  }
0x55: {  	_ =	swait.ge [sflag:s23], $0x4000  }
0x56: {  	[sflag:s23] =	ssyncset.done $0x0  }
0x57: {  	[sflag:s23] =	ssyncadd.s32 $0xFFFFC000  }
0x58: {  	[spmem:s1] =	stream.indirect.scatter.add.f32 [tilespmem:s29], [sflag:$0x3], $0x80, s26, s28, $0xb8;
	[tilespmem:$0x1E880] =	vst v63  }
0x59: {  	_ =	swait.ge [sflag:s31], $0x4000  }
0x5a: {  	[sflag:s31] =	ssyncset.done $0x0  }
0x5b: {  	s22 =	simm.s32 $0x100;
	[sflag:s31] =	ssyncadd.s32 $0xFFFFC000  }
0x5c: {  	[tilespmem:s29], [sflag:$0x1] =	stream.indirect.gather [hbm4b:s13+s28], $0x80, s22, s28, $0xb8;
	[tilespmem:$0x1E880] =	vst v63  }
0x5d: {  	_ =	swait.ge [sflag:s24], $0x4000  }
0x5e: {  	[sflag:s24] =	ssyncset.done $0x0  }
0x5f: {  	[sflag:s24] =	ssyncadd.s32 $0xFFFFC000  }
0x60: {  	[spmem:s1] =	stream.indirect.scatter.add.f32 [tilespmem:s30], [sflag:$0x4], $0x80, s2, s28, $0xb8;
	[tilespmem:$0x1E880] =	vst v63  }
0x61: {  	_ =	swait.ge [sflag:s5], $0x4000  }
0x62: {  	[sflag:s5] =	ssyncset.done $0x0  }
0x63: {  	s21 =	simm.s32 $0x180;
	[sflag:s5] =	ssyncadd.s32 $0xFFFFC000  }
0x64: {  	[tilespmem:s30], [sflag:$0x2] =	stream.indirect.gather [hbm4b:s13+s28], $0x80, s21, s28, $0xb8;
	[tilespmem:$0x1E880] =	vst v63  }
0x65: {  	_ =	swait.ge [sflag:s23], $0x4000  }
0x66: {  	[sflag:s23] =	ssyncset.done $0x0  }
0x67: {  	s0 =	simm.s32 $0x1500;
	[sflag:s23] =	ssyncadd.s32 $0xFFFFC000  }
0x68: {  	[spmem:s1] =	stream.indirect.scatter.add.f32 [tilespmem:s29], [sflag:$0x3], $0x80, s0, s28, $0xb8;
	[tilespmem:$0x1E880] =	vst v63  }
0x69: {  	_ =	swait.ge [sflag:s31], $0x4000  }
0x6a: {  	[sflag:s31] =	ssyncset.done $0x0  }
0x6b: {  	s22 =	simm.s32 $0x200;
	[sflag:s31] =	ssyncadd.s32 $0xFFFFC000  }
0x6c: {  	[tilespmem:s29], [sflag:$0x1] =	stream.indirect.gather [hbm4b:s13+s28], $0x80, s22, s28, $0xb8;
	[tilespmem:$0x1E880] =	vst v63  }
0x6d: {  	_ =	swait.ge [sflag:s24], $0x4000  }
0x6e: {  	[sflag:s24] =	ssyncset.done $0x0  }
0x6f: {  	s21 =	simm.s32 $0xFFFFBC00;
	s22 =	simm.s32 $0x1580;
	[sflag:s24] =	ssyncadd.s32 $0xFFFFC000  }
.LBB2_2:
0x70: {  	[spmem:s1] =	stream.indirect.scatter.add.f32 [tilespmem:s30], [sflag:$0x4], $0x80, s22, s28, $0xb8;
	[tilespmem:$0x1E880] =	vst v63  }
0x71: {  	s22 =	smov.u32 s21  }
0x72: {  	p0 =	sne.s32 s21, $0xFFFFFC00;
	s21 =	sadd.s32 $0x400, s21;
	_ =	swait.ge [sflag:s5], $0x4000  }
0x73: {  	s22 =	sshra.s32 s22, $0x2;
	[sflag:s5] =	ssyncset.done $0x0  }
0x74: {  	s0 =	sadd.s32 $0x1380, s22;
	[sflag:s5] =	ssyncadd.s32 $0xFFFFC000  }
0x75: {  	[tilespmem:s30], [sflag:$0x2] =	stream.indirect.gather [hbm4b:s13+s28], $0x80, s0, s28, $0xb8;
	[tilespmem:$0x1E880] =	vst v63  }
0x76: {  	_ =	swait.ge [sflag:s23], $0x4000  }
0x77: {  	[sflag:s23] =	ssyncset.done $0x0  }
0x78: {  	s0 =	sadd.s32 $0x2700, s22;
	[sflag:s23] =	ssyncadd.s32 $0xFFFFC000  }
0x79: {  	[spmem:s1] =	stream.indirect.scatter.add.f32 [tilespmem:s29], [sflag:$0x3], $0x80, s0, s28, $0xb8;
	[tilespmem:$0x1E880] =	vst v63  }
0x7a: {  	_ =	swait.ge [sflag:s31], $0x4000  }
0x7b: {  	[sflag:s31] =	ssyncset.done $0x0  }
.Ltmp2:
0x7c: {  	s0 =	sadd.s32 $0x1400, s22;
	[sflag:s31] =	ssyncadd.s32 $0xFFFFC000;
	(pc) =	sbr.rel @p0 .LBB2_2-.Ltmp2, $4  }
0x7d: {  	[tilespmem:s29], [sflag:$0x1] =	stream.indirect.gather [hbm4b:s13+s28], $0x80, s0, s28, $0xb8;
	[tilespmem:$0x1E880] =	vst v63  }
0x7e: {  	_ =	swait.ge [sflag:s24], $0x4000  }
0x7f: {  	[sflag:s24] =	ssyncset.done $0x0  }
0x80: {  	s22 =	sadd.s32 $0x2780, s22;
	[sflag:s24] =	ssyncadd.s32 $0xFFFFC000  }
0x81: {  	[spmem:s1] =	stream.indirect.scatter.add.f32 [tilespmem:s30], [sflag:$0x4], $0x80, s22, s28, $0xb8;
	[tilespmem:$0x1E880] =	vst v63  }
0x82: {  	_ =	swait.ge [sflag:s5], $0x4000  }
0x83: {  	[sflag:s5] =	ssyncset.done $0x0  }
0x84: {  	[sflag:s5] =	ssyncadd.s32 $0xFFFFC000  }
0x85: {  	[tilespmem:s30], [sflag:$0x2] =	stream.indirect.gather [hbm4b:s13+s28], $0x80, s17, s28, $0xb8;
	[tilespmem:$0x1E880] =	vst v63  }
0x86: {  	_ =	swait.ge [sflag:s23], $0x4000  }
0x87: {  	[sflag:s23] =	ssyncset.done $0x0  }
0x88: {  	[sflag:s23] =	ssyncadd.s32 $0xFFFFC000  }
0x89: {  	[spmem:s1] =	stream.indirect.scatter.add.f32 [tilespmem:s29], [sflag:$0x3], $0x80, s18, s28, $0xb8;
	[tilespmem:$0x1E880] =	vst v63  }
0x8a: {  	_ =	swait.ge [sflag:s31], $0x4000  }
0x8b: {  	[sflag:s31] =	ssyncset.done $0x0  }
0x8c: {  	[sflag:s31] =	ssyncadd.s32 $0xFFFFC000  }
0x8d: {  	_ =	swait.ge [sflag:s24], $0x4000  }
0x8e: {  	[sflag:s24] =	ssyncset.done $0x0  }
0x8f: {  	[sflag:s24] =	ssyncadd.s32 $0xFFFFC000  }
0x90: {  	[spmem:s1] =	stream.indirect.scatter.add.f32 [tilespmem:s30], [sflag:$0x4], $0x80, s6, s28, $0xb8;
	[tilespmem:$0x1E880] =	vst v63  }
0x91: {  	_ =	swait.ge [sflag:s5], $0x4000  }
0x92: {  	[sflag:s5] =	ssyncset.done $0x0  }
0x93: {  	s0 =	rddreg [dreg:$0x9];
	[sflag:s5] =	ssyncadd.s32 $0xFFFFC000  }
0x94: {  	[tilespmem:s3], [sflag:$0x5] =	stream.linear.gather [hbm4b:s0+s3], $0x1400, $0x38;
	[tilespmem:$0x1E880] =	vst v63  }
0x95: {  	_ =	swait.ge [sflag:s25], $0x1400  }
0x96: {  	[sflag:s25] =	ssyncset.done $0x0  }
0x97: {  	s22 =	rddreg [dreg:$0xa];
	[sflag:s25] =	ssyncadd.s32 $0xFFFFEC00  }
0x98: {  	[tilespmem:s26], [sflag:$0x5] =	stream.linear.gather [hbm4b:s22+s3], $0x1400, $0x38;
	[tilespmem:$0x1E880] =	vst v63  }
0x99: {  	_ =	swait.ge [sflag:s25], $0x1400  }
0x9a: {  	[sflag:s25] =	ssyncset.done $0x0  }
0x9b: {  	[sflag:s25] =	ssyncadd.s32 $0xFFFFEC00  }
0x9c: {  	[tilespmem:s29], [sflag:$0x1] =	stream.indirect.gather [hbm4b:s13+s28], $0x80, s3, s28, $0xb8;
	[tilespmem:$0x1E880] =	vst v63  }
0x9d: {  	_ = 	snop  }
0x9e: {  	[tilespmem:s30], [sflag:$0x2] =	stream.indirect.gather [hbm4b:s13+s28], $0x80, s28, s28, $0xb8;
	[tilespmem:$0x1E880] =	vst v63  }
0x9f: {  	_ =	swait.ge [sflag:s23], $0x4000  }
0xa0: {  	[sflag:s23] =	ssyncset.done $0x0  }
0xa1: {  	[sflag:s23] =	ssyncadd.s32 $0xFFFFC000  }
0xa2: {  	[spmem:s1] =	stream.indirect.scatter.add.f32 [tilespmem:s29], [sflag:$0x3], $0x80, s26, s28, $0xb8;
	[tilespmem:$0x1E880] =	vst v63  }
0xa3: {  	_ =	swait.ge [sflag:s31], $0x4000  }
0xa4: {  	[sflag:s31] =	ssyncset.done $0x0  }
0xa5: {  	s21 =	simm.s32 $0x100;
	[sflag:s31] =	ssyncadd.s32 $0xFFFFC000  }
0xa6: {  	[tilespmem:s29], [sflag:$0x1] =	stream.indirect.gather [hbm4b:s13+s28], $0x80, s21, s28, $0xb8;
	[tilespmem:$0x1E880] =	vst v63  }
0xa7: {  	_ =	swait.ge [sflag:s24], $0x4000  }
0xa8: {  	[sflag:s24] =	ssyncset.done $0x0  }
0xa9: {  	[sflag:s24] =	ssyncadd.s32 $0xFFFFC000  }
0xaa: {  	[spmem:s1] =	stream.indirect.scatter.add.f32 [tilespmem:s30], [sflag:$0x4], $0x80, s2, s28, $0xb8;
	[tilespmem:$0x1E880] =	vst v63  }
0xab: {  	_ =	swait.ge [sflag:s5], $0x4000  }
0xac: {  	[sflag:s5] =	ssyncset.done $0x0  }
0xad: {  	s22 =	simm.s32 $0x180;
	[sflag:s5] =	ssyncadd.s32 $0xFFFFC000  }
0xae: {  	[tilespmem:s30], [sflag:$0x2] =	stream.indirect.gather [hbm4b:s13+s28], $0x80, s22, s28, $0xb8;
	[tilespmem:$0x1E880] =	vst v63  }
0xaf: {  	_ =	swait.ge [sflag:s23], $0x4000  }
0xb0: {  	[sflag:s23] =	ssyncset.done $0x0  }
0xb1: {  	s21 =	simm.s32 $0x1500;
	[sflag:s23] =	ssyncadd.s32 $0xFFFFC000  }
0xb2: {  	[spmem:s1] =	stream.indirect.scatter.add.f32 [tilespmem:s29], [sflag:$0x3], $0x80, s21, s28, $0xb8;
	[tilespmem:$0x1E880] =	vst v63  }
0xb3: {  	_ =	swait.ge [sflag:s31], $0x4000  }
0xb4: {  	[sflag:s31] =	ssyncset.done $0x0  }
0xb5: {  	s22 =	simm.s32 $0x200;
	[sflag:s31] =	ssyncadd.s32 $0xFFFFC000  }
0xb6: {  	[tilespmem:s29], [sflag:$0x1] =	stream.indirect.gather [hbm4b:s13+s28], $0x80, s22, s28, $0xb8;
	[tilespmem:$0x1E880] =	vst v63  }
0xb7: {  	_ =	swait.ge [sflag:s24], $0x4000  }
0xb8: {  	[sflag:s24] =	ssyncset.done $0x0  }
0xb9: {  	s21 =	simm.s32 $0xFFFFBC00;
	s22 =	simm.s32 $0x1580;
	[sflag:s24] =	ssyncadd.s32 $0xFFFFC000  }
.LBB2_4:
0xba: {  	[spmem:s1] =	stream.indirect.scatter.add.f32 [tilespmem:s30], [sflag:$0x4], $0x80, s22, s28, $0xb8;
	[tilespmem:$0x1E880] =	vst v63  }
0xbb: {  	s0 =	smov.u32 s21  }
0xbc: {  	p0 =	sne.s32 s21, $0xFFFFFC00;
	s21 =	sadd.s32 $0x400, s21;
	_ =	swait.ge [sflag:s5], $0x4000  }
0xbd: {  	s0 =	sshra.s32 s0, $0x2;
	[sflag:s5] =	ssyncset.done $0x0  }
0xbe: {  	s22 =	sadd.s32 $0x1380, s0;
	[sflag:s5] =	ssyncadd.s32 $0xFFFFC000  }
0xbf: {  	[tilespmem:s30], [sflag:$0x2] =	stream.indirect.gather [hbm4b:s13+s28], $0x80, s22, s28, $0xb8;
	[tilespmem:$0x1E880] =	vst v63  }
0xc0: {  	_ =	swait.ge [sflag:s23], $0x4000  }
0xc1: {  	[sflag:s23] =	ssyncset.done $0x0  }
0xc2: {  	s22 =	sadd.s32 $0x2700, s0;
	[sflag:s23] =	ssyncadd.s32 $0xFFFFC000  }
0xc3: {  	[spmem:s1] =	stream.indirect.scatter.add.f32 [tilespmem:s29], [sflag:$0x3], $0x80, s22, s28, $0xb8;
	[tilespmem:$0x1E880] =	vst v63  }
0xc4: {  	_ =	swait.ge [sflag:s31], $0x4000  }
0xc5: {  	[sflag:s31] =	ssyncset.done $0x0  }
.Ltmp3:
0xc6: {  	s22 =	sadd.s32 $0x1400, s0;
	[sflag:s31] =	ssyncadd.s32 $0xFFFFC000;
	(pc) =	sbr.rel @p0 .LBB2_4-.Ltmp3, $4  }
0xc7: {  	[tilespmem:s29], [sflag:$0x1] =	stream.indirect.gather [hbm4b:s13+s28], $0x80, s22, s28, $0xb8;
	[tilespmem:$0x1E880] =	vst v63  }
0xc8: {  	_ =	swait.ge [sflag:s24], $0x4000  }
0xc9: {  	[sflag:s24] =	ssyncset.done $0x0  }
0xca: {  	s22 =	sadd.s32 $0x2780, s0;
	[sflag:s24] =	ssyncadd.s32 $0xFFFFC000  }
0xcb: {  	[spmem:s1] =	stream.indirect.scatter.add.f32 [tilespmem:s30], [sflag:$0x4], $0x80, s22, s28, $0xb8;
	[tilespmem:$0x1E880] =	vst v63  }
0xcc: {  	_ =	swait.ge [sflag:s5], $0x4000  }
0xcd: {  	[sflag:s5] =	ssyncset.done $0x0  }
0xce: {  	[sflag:s5] =	ssyncadd.s32 $0xFFFFC000  }
0xcf: {  	[tilespmem:s30], [sflag:$0x2] =	stream.indirect.gather [hbm4b:s13+s28], $0x80, s17, s28, $0xb8;
	[tilespmem:$0x1E880] =	vst v63  }
0xd0: {  	_ =	swait.ge [sflag:s23], $0x4000  }
0xd1: {  	[sflag:s23] =	ssyncset.done $0x0  }
0xd2: {  	[sflag:s23] =	ssyncadd.s32 $0xFFFFC000  }
0xd3: {  	[spmem:s1] =	stream.indirect.scatter.add.f32 [tilespmem:s29], [sflag:$0x3], $0x80, s18, s28, $0xb8;
	[tilespmem:$0x1E880] =	vst v63  }
0xd4: {  	_ =	swait.ge [sflag:s31], $0x4000  }
0xd5: {  	[sflag:s31] =	ssyncset.done $0x0  }
0xd6: {  	[sflag:s31] =	ssyncadd.s32 $0xFFFFC000  }
0xd7: {  	_ =	swait.ge [sflag:s24], $0x4000  }
0xd8: {  	[sflag:s24] =	ssyncset.done $0x0  }
0xd9: {  	[sflag:s24] =	ssyncadd.s32 $0xFFFFC000  }
0xda: {  	[spmem:s1] =	stream.indirect.scatter.add.f32 [tilespmem:s30], [sflag:$0x4], $0x80, s6, s28, $0xb8;
	[tilespmem:$0x1E880] =	vst v63  }
0xdb: {  	_ =	swait.ge [sflag:s5], $0x4000  }
0xdc: {  	[sflag:s5] =	ssyncset.done $0x0  }
0xdd: {  	[sflag:s5] =	ssyncadd.s32 $0xFFFFC000  }
0xde: {  	[bflag:$0x0] =	sbarrier.arrive $0xFFFF  }
0xdf: {  	s0 =	rddreg [dreg:$0xb]  }
0xe0: {  	[hbm:s0], [sflag:s12] =	dma.local [spmem:s11], $0x2800  }
0xe1: {  	_ =	swait.ge [sflag:s25], $0x2800  }
0xe2: {  	[sflag:s25] =	ssyncset.done $0x0  }
0xe3: {  	s21 =	simm.s32 $0xA800;
	s22 =	rddreg [dreg:$0x5];
	[sflag:s25] =	ssyncadd.s32 $0xFFFFD800  }
0xe4: {  	[tilespmem:s21], [sflag:$0x5] =	stream.linear.gather [hbm4b:s22+s3], $0x80, $0x38;
	[tilespmem:$0x1E880] =	vst v63  }
0xe5: {  	_ =	swait.ge [sflag:s25], $0x80  }
0xe6: {  	[sflag:s25] =	ssyncset.done $0x0  }
0xe7: {  	[sflag:s25] =	ssyncadd.s32 $0xFFFFFF80  }
0xe8: {  	v0 =	vld [tilespmem:$0xA800];
	_ =	sdelay $0x4  }
0xe9: {  	(v2sf) =	vpush v0, $0x0;
	_ =	sdelay $0xe  }
0xea: {  	s22 =	spop (v2sf)  }
0xeb: {  	p0 =	slt.s32 s22, $0x1  }
.Ltmp4:
0xec: {  	_ = 	snop;
	(pc) =	sbr.rel @p0 .LBB2_9-.Ltmp4, $1  }
0xed: {  	_ =	sdelay $0x3  }
0xee: {  	[spmem:s11], [sflag:s9] =	dma.local [hbm:s4], $0x800  }
0xef: {  	[spmem:s15], [sflag:s14] =	dma.local [hbm:s4], $0x800  }
0xf0: {  	_ =	swait.ge [sflag:s23], $0x800  }
0xf1: {  	[sflag:s23] =	ssyncset.done $0x0  }
0xf2: {  	[sflag:s23] =	ssyncadd.s32 $0xFFFFF800  }
0xf3: {  	_ =	swait.ge [sflag:s24], $0x800  }
0xf4: {  	[sflag:s24] =	ssyncset.done $0x0  }
0xf5: {  	[sflag:s24] =	ssyncadd.s32 $0xFFFFF800  }
0xf6: {  	[spmem:s16], [sflag:s9] =	dma.local [hbm:s4], $0x800  }
0xf7: {  	[spmem:s19], [sflag:s14] =	dma.local [hbm:s4], $0x800  }
0xf8: {  	_ =	swait.ge [sflag:s23], $0x800  }
0xf9: {  	[sflag:s23] =	ssyncset.done $0x0  }
0xfa: {  	[sflag:s23] =	ssyncadd.s32 $0xFFFFF800  }
0xfb: {  	_ =	swait.ge [sflag:s24], $0x800  }
0xfc: {  	[sflag:s24] =	ssyncset.done $0x0  }
0xfd: {  	[sflag:s24] =	ssyncadd.s32 $0xFFFFF800  }
0xfe: {  	[spmem:s20], [sflag:s12] =	dma.local [hbm:s4], $0x800  }
0xff: {  	_ =	swait.ge [sflag:s25], $0x800  }
0x100: {  	[sflag:s25] =	ssyncset.done $0x0  }
0x101: {  	s0 =	simm.s32 $0x0;
	s19 =	rddreg [dreg:$0x4];
	[sflag:s25] =	ssyncadd.s32 $0xFFFFF800  }
0x102: {  	[tilespmem:s29], [sflag:$0x5] =	stream.linear.gather [hbm4b:s19+s0], $0x4000, $0x38;
	[tilespmem:$0x1E880] =	vst v63  }
0x103: {  	_ =	swait.ge [sflag:s25], $0x4000  }
0x104: {  	[sflag:s25] =	ssyncset.done $0x0  }
0x105: {  	s20 =	rddreg [dreg:$0xc];
	[sflag:s25] =	ssyncadd.s32 $0xFFFFC000  }
0x106: {  	[tilespmem:s26], [sflag:$0x5] =	stream.linear.gather [hbm4b:s20+s0], $0x1400, $0x38;
	[tilespmem:$0x1E880] =	vst v63  }
0x107: {  	_ =	swait.ge [sflag:s25], $0x1400  }
0x108: {  	[sflag:s25] =	ssyncset.done $0x0  }
0x109: {  	[sflag:s25] =	ssyncadd.s32 $0xFFFFEC00  }
0x10a: {  	s21 =	simm.s32 $0x1400;
	[bflag:$0x0] =	sbarrier.arrive $0xFFFF  }
0x10b: {  	[spmem:s1] =	stream.indirect.scatter.add.f32 [tilespmem:s29], [sflag:$0x3], $0x80, s21, s28, $0xb8;
	[tilespmem:$0x1E880] =	vst v63  }
0x10c: {  	s22 =	simm.s32 $0x1480  }
0x10d: {  	[spmem:s1] =	stream.indirect.scatter.add.f32 [tilespmem:s29], [sflag:$0x4], $0x80, s22, s28, $0xb8;
	[tilespmem:$0x1E880] =	vst v63  }
0x10e: {  	_ =	swait.ge [sflag:s31], $0x4000  }
0x10f: {  	[sflag:s31] =	ssyncset.done $0x0  }
0x110: {  	[sflag:s31] =	ssyncadd.s32 $0xFFFFC000  }
0x111: {  	_ =	swait.ge [sflag:s5], $0x4000  }
0x112: {  	s15 =	simm.s32 $0x800;
	s14 =	simm.s32 $0x100;
	[sflag:s5] =	ssyncset.done $0x0  }
.LBB2_7:
0x113: {  	s0 =	sadd.s32 $0x1400, s14  }
0x114: {  	[sflag:s5] =	ssyncadd.s32 $0xFFFFC000;
	s16 =	smov.u32 s15;
	s19 =	sadd.s32 $0x400, s15  }
0x115: {  	[spmem:s1] =	stream.indirect.scatter.add.f32 [tilespmem:s29], [sflag:$0x3], $0x80, s0, s28, $0xb8;
	[tilespmem:$0x1E880] =	vst v63  }
0x116: {  	p0 =	sne.s32 s15, $0x4C00;
	s0 =	sadd.s32 $0x1480, s14  }
0x117: {  	[spmem:s1] =	stream.indirect.scatter.add.f32 [tilespmem:s29], [sflag:$0x4], $0x80, s0, s28, $0xb8;
	[tilespmem:$0x1E880] =	vst v63  }
.Ltmp5:
0x118: {  	_ =	swait.ge [sflag:s31], $0x4000;
	(pc) =	sbr.rel @p0 .LBB2_7-.Ltmp5, $4  }
0x119: {  	[sflag:s31] =	ssyncset.done $0x0  }
0x11a: {  	[sflag:s31] =	ssyncadd.s32 $0xFFFFC000  }
0x11b: {  	_ =	swait.ge [sflag:s5], $0x4000  }
0x11c: {  	s14 =	sshra.s32 s16, $0x2;
	s15 =	smov.u32 s19;
	[sflag:s5] =	ssyncset.done $0x0  }
.Ltmp6:
0x11d: {  	_ = 	snop;
	(pc) =	sbr.rel .LBB2_8-.Ltmp6, $1  }
0x11e: {  	_ =	sdelay $0x3  }
.LBB2_10:
0x11f: {  	_ =	sfence.sel $0x180000  }
0x120: {  	[bflag:$0x0] =	sbarrier.arrive $0xFFFF  }
0x121: {  	_ =	strace $0x9000004A  }
0x122: {  	s0 =	stileid.u32;
	[bflag:$0x2] =	sbarrier.arrive $0xFFFF  }
0x123: {  	p0 =	sne.s32 s0, $0x0;
	s0 =	rddreg [dreg:$0x3]  }
0x124: {  	s0 =	sadd.s32 @!p0 $0x100000, s0  }
0x125: {  	[sflag:s0] =	ssyncadd.tile.s32 @!p0 $0x1;
	_ =	shalt  }
.Lfunc_end2:
_tile_overlayer_lowered:
.L_overlay_start_2:
0x126: {  	(tag) =	ssettag $0x2  }
0x127: {  	s0 =	rddreg [dreg:$0x0];
	s2 =	stileid.u32  }
0x128: {  	s1 =	rddreg [dreg:$0x1];
	p0 =	sne.s32 s2, $0x0  }
0x129: {  	s3 =	rddreg [dreg:$0x2];
	[bflag:$0x3] =	sbarrier.arrive $0xFFFF;
	s2 =	simm.s32 @!p0 $0x1C05  }
0x12a: {  	[timem:s3], [sflag:s2] =	dma.local @!p0 [hbm:s0], s1  }
0x12b: {  	s0 =	simm.s32 @!p0 $0x5  }
0x12c: {  	_ =	swait.ge @!p0 [sflag:s0], s1  }
0x12d: {  	s1 =	ssub.s32 @!p0 $0x0, s1;
	[sflag:s0] =	ssyncset.done @!p0 $0x0  }
0x12e: {  	[sflag:s0] =	ssyncadd.s32 @!p0 s1  }
0x12f: {  	[bflag:$0x3] =	sbarrier.arrive $0xFFFF  }
0x130: {  	_ =	shalt  }

</sc_bundles>
